<compile_context>
chip_gen: v7x
topology: tpu7x:2x2x1
jax: 0.10.2.dev20260603
libtpu: 0.0.44.dev20260713+nightly
codegen_flags: <defaults>
</compile_context>

<pallas_src>
import functools

import jax
import jax.numpy as jnp
import numpy as np
from jax.experimental import pallas as pl
from jax.experimental.pallas import tpu as pltpu

TOPK_N = 1024
_BN_SCALE = 1.0 / np.sqrt(1.0 + 1e-5)



def _conv(x, w, b=None, stride=1, pad=0, groups=1):
    out = jax.lax.conv_general_dilated(
        x, w, (stride, stride), [(pad, pad), (pad, pad)],
        dimension_numbers=('NCHW', 'OIHW', 'NCHW'), feature_group_count=groups)
    if b is not None:
        out = out + b[None, :, None, None]
    return out


def _basic(x, w, stride=1, pad=1):
    return jax.nn.relu(_conv(x, w, stride=stride, pad=pad) * _BN_SCALE)


def _unfold2d(x, ws):
    B, C, H, W = x.shape
    x = x.reshape(B, C, H // ws, ws, W // ws, ws)
    x = x.transpose(0, 1, 3, 5, 2, 4)
    return x.reshape(B, C * ws * ws, H // ws, W // ws)


def _resize_bilinear(x, H, W):
    return jax.image.resize(x, (x.shape[0], x.shape[1], H, W), method='bilinear')


def _backbone(x, p):
    xm = jnp.mean(x, axis=1, keepdims=True)
    mu = xm.mean(axis=(2, 3), keepdims=True)
    var = ((xm - mu) ** 2).mean(axis=(2, 3), keepdims=True)
    xn = (xm - mu) / jnp.sqrt(var + 1e-5)
    x1 = xn
    for w, s in zip(p['block1'], (1, 2, 1, 2)):
        x1 = _basic(x1, w, stride=s, pad=1)
    B, _, H, W = xn.shape
    sk = xn.reshape(B, 1, H // 4, 4, W // 4, 4).mean(axis=(3, 5))
    sk = _conv(sk, p['skip1_w'], p['skip1_b'])
    x2 = x1 + sk
    for w in p['block2']:
        x2 = _basic(x2, w, 1, 1)
    x3 = _basic(x2, p['block3'][0], 2, 1)
    x3 = _basic(x3, p['block3'][1], 1, 1)
    x3 = _basic(x3, p['block3'][2], 1, 0)
    x4 = _basic(x3, p['block4'][0], 2, 1)
    x4 = _basic(x4, p['block4'][1], 1, 1)
    x4 = _basic(x4, p['block4'][2], 1, 1)
    x5 = _basic(x4, p['block5'][0], 2, 1)
    x5 = _basic(x5, p['block5'][1], 1, 1)
    x5 = _basic(x5, p['block5'][2], 1, 1)
    x5 = _basic(x5, p['block5'][3], 1, 0)
    x4r = _resize_bilinear(x4, x3.shape[2], x3.shape[3])
    x5r = _resize_bilinear(x5, x3.shape[2], x3.shape[3])
    f = x3 + x4r + x5r
    f = _basic(f, p['fusion'][0], 1, 1)
    f = _basic(f, p['fusion'][1], 1, 1)
    feats = _conv(f, p['fusion_w'], p['fusion_b'])
    hh = _basic(feats, p['hm'][0], 1, 0)
    hh = _basic(hh, p['hm'][1], 1, 0)
    heatmap = jax.nn.sigmoid(_conv(hh, p['hm_w'], p['hm_b']))
    kk = _unfold2d(xn, 8)
    for w in p['kp']:
        kk = _basic(kk, w, 1, 0)
    kpts_logits = _conv(kk, p['kp_w'], p['kp_b'])
    return feats, kpts_logits, heatmap


def _gather_pts_xla(img, xi, yi):
    B, C, Hf, Wf = img.shape
    valid = (xi >= 0) & (xi < Wf) & (yi >= 0) & (yi < Hf)
    xc = jnp.clip(xi, 0, Wf - 1).astype(jnp.int32)
    yc = jnp.clip(yi, 0, Hf - 1).astype(jnp.int32)
    vals = jax.vmap(lambda im, y, x: im[:, y, x].T)(img, yc, xc)
    return vals * valid[..., None].astype(img.dtype)


def _grid_sample_pts_xla(img, pos, H, W, mode):
    B, C, Hf, Wf = img.shape
    gx = 2.0 * pos[..., 0] / (W - 1) - 1.0
    gy = 2.0 * pos[..., 1] / (H - 1) - 1.0
    ix = ((gx + 1.0) * Wf - 1.0) / 2.0
    iy = ((gy + 1.0) * Hf - 1.0) / 2.0
    if mode == 'nearest':
        return _gather_pts_xla(img, jnp.round(ix).astype(jnp.int32),
                               jnp.round(iy).astype(jnp.int32))
    x0 = jnp.floor(ix)
    y0 = jnp.floor(iy)
    tx = ix - x0
    ty = iy - y0
    x0i = x0.astype(jnp.int32)
    y0i = y0.astype(jnp.int32)
    v00 = _gather_pts_xla(img, x0i, y0i)
    v01 = _gather_pts_xla(img, x0i + 1, y0i)
    v10 = _gather_pts_xla(img, x0i, y0i + 1)
    v11 = _gather_pts_xla(img, x0i + 1, y0i + 1)
    return (v00 * ((1 - tx) * (1 - ty))[..., None] + v01 * (tx * (1 - ty))[..., None]
            + v10 * ((1 - tx) * ty)[..., None] + v11 * (tx * ty)[..., None])


def _kpts_heatmap(kpts_logits):
    scores = jax.nn.softmax(kpts_logits, axis=1)[:, :64]
    B, _, H, W = scores.shape
    hm = scores.transpose(0, 2, 3, 1).reshape(B, H, W, 8, 8)
    hm = hm.transpose(0, 1, 3, 2, 4).reshape(B, 1, H * 8, W * 8)
    return hm



def _interp_coords(xf, Wf, Wimg):
    gx = 2.0 * xf / (Wimg - 1) - 1.0
    ix = ((gx + 1.0) * Wf - 1.0) / 2.0
    x0 = jnp.floor(ix)
    return x0.astype(jnp.int32), ix - x0


def _cubic_weights(t):
    A = -0.75
    def k_out(s):
        return ((A * s - 5.0 * A) * s + 8.0 * A) * s - 4.0 * A
    def k_in(s):
        return ((A + 2.0) * s - (A + 3.0)) * s * s + 1.0
    return (k_out(t + 1.0), k_in(t), k_in(1.0 - t), k_out(2.0 - t))


def _axis_weights(idx, tfrac, taps_off, taps_w, Wf):
    col = jax.lax.broadcasted_iota(jnp.int32, (idx.shape[0], Wf), 1)
    acc = jnp.zeros((idx.shape[0], Wf), jnp.float32)
    for off, w in zip(taps_off, taps_w):
        xi = idx + off
        valid = (xi >= 0) & (xi < Wf)
        xc = jnp.clip(xi, 0, Wf - 1)
        acc = acc + jnp.where((col == xc) & valid, w, 0.0)
    return acc


def _row_gather(y_idx, mat):
    K = y_idx.shape[0]
    row = jax.lax.broadcasted_iota(jnp.int32, (K, mat.shape[0]), 1)
    oh = jnp.where(row == y_idx, 1.0, 0.0)
    return jax.lax.dot(oh, mat, preferred_element_type=jnp.float32, precision=jax.lax.Precision.HIGHEST)


def _col_select(rowvals, x_idx):
    col = jax.lax.broadcasted_iota(jnp.int32, rowvals.shape, 1)
    return jnp.sum(jnp.where(col == x_idx, rowvals, 0.0), axis=1, keepdims=True)


def _scores_body(xs_ref, ys_ref, vals_ref, hm_ref, out_ref):
    xs = xs_ref[0]
    ys = ys_ref[0]
    vals = vals_ref[0]

    x0, tx = _interp_coords(xs.astype(jnp.float32), 64, 512)
    y0, ty = _interp_coords(ys.astype(jnp.float32), 64, 512)
    hm = hm_ref[0]

    def corner_vals(rowvals, yi, xi):
        valid = (xi >= 0) & (xi < 64) & (yi >= 0) & (yi < 64)
        v = _col_select(rowvals, jnp.clip(xi, 0, 63))
        return jnp.where(valid, v, 0.0)

    rows0 = _row_gather(jnp.clip(y0, 0, 63), hm)
    rows1 = _row_gather(jnp.clip(y0 + 1, 0, 63), hm)
    v00 = corner_vals(rows0, y0, x0)
    v01 = corner_vals(rows0, y0, x0 + 1)
    v10 = corner_vals(rows1, y0 + 1, x0)
    v11 = corner_vals(rows1, y0 + 1, x0 + 1)
    s_bil = (v00 * ((1 - tx) * (1 - ty)) + v01 * (tx * (1 - ty))
             + v10 * ((1 - tx) * ty) + v11 * (tx * ty))

    near_ok = (xs < 511) & (ys < 511)
    s_near = jnp.where(near_ok, vals, 0.0)
    scores = s_near * s_bil
    scores = jnp.where((xs == 0) & (ys == 0), -1.0, scores)
    out_ref[0] = scores


def _pallas_scores(xs, ys, vals, hm):
    B, K = xs.shape
    grid = (B,)
    specs3 = pl.BlockSpec((1, K, 1), lambda i: (i, 0, 0))
    hspec = pl.BlockSpec((1, 64, 64), lambda i: (i, 0, 0))
    out = pl.pallas_call(
        _scores_body,
        grid=grid,
        in_specs=[specs3, specs3, specs3, hspec],
        out_specs=specs3,
        out_shape=jax.ShapeDtypeStruct((B, K, 1), jnp.float32),
    )(xs[..., None], ys[..., None], vals[..., None], hm)
    return out[..., 0]


def _bicubic_body(xs_ref, ys_ref, feats_ref, out_ref):
    xs = xs_ref[0]
    ys = ys_ref[0]
    K = xs.shape[0]

    x0, tx = _interp_coords(xs.astype(jnp.float32), 64, 512)
    y0, ty = _interp_coords(ys.astype(jnp.float32), 64, 512)
    cwx = _cubic_weights(tx)
    cwy = _cubic_weights(ty)
    wx = _axis_weights(x0, tx, (-1, 0, 1, 2), cwx, 64)
    wy = _axis_weights(y0, ty, (-1, 0, 1, 2), cwy, 64)

    CH = 64
    acc = jnp.zeros((K, CH), jnp.float32)
    CHUNK = 1024
    for s in range(0, 4096, CHUNK):
        rc = jax.lax.broadcasted_iota(jnp.int32, (64, CHUNK), 1) + s
        r_idx = rc // 64
        c_idx = rc % 64
        row64 = jax.lax.broadcasted_iota(jnp.int32, (64, CHUNK), 0)
        E = jnp.where(r_idx == row64, 1.0, 0.0)
        T = jnp.where(c_idx == row64, 1.0, 0.0)
        wyx = jax.lax.dot(wy, E, preferred_element_type=jnp.float32, precision=jax.lax.Precision.HIGHEST)
        wxx = jax.lax.dot(wx, T, preferred_element_type=jnp.float32, precision=jax.lax.Precision.HIGHEST)
        Wc = wyx * wxx
        acc = acc + jax.lax.dot_general(
            Wc, feats_ref[0, :, pl.ds(s, CHUNK)],
            (((1,), (1,)), ((), ())),
            preferred_element_type=jnp.float32,
            precision=jax.lax.Precision.HIGHEST)
    nrm = jnp.sqrt(jnp.sum(acc * acc, axis=1, keepdims=True))
    out_ref[0] = acc / jnp.maximum(nrm, 1e-12)


def _pallas_bicubic_norm(xs, ys, feats_c_rc):
    B, K = xs.shape
    grid = (B,)
    spec3 = pl.BlockSpec((1, K, 1), lambda i: (i, 0, 0))
    fspec = pl.BlockSpec((1, 64, 4096), lambda i: (i, 0, 0))
    ospec = pl.BlockSpec((1, K, 64), lambda i: (i, 0, 0))
    return pl.pallas_call(
        _bicubic_body,
        grid=grid,
        in_specs=[spec3, spec3, fspec],
        out_specs=ospec,
        out_shape=jax.ShapeDtypeStruct((B, K, 64), jnp.float32),
    )(xs[..., None], ys[..., None], feats_c_rc)



def kernel(images, params):
    b, v, c, h, w = images.shape
    x = images.reshape(b * v, c, h, w)
    feats, kpts_logits, heatmap = _backbone(x, params)

    sf = feats.reshape(b, v * feats.shape[1], feats.shape[2], feats.shape[3])
    t = jax.nn.relu(_conv(sf, params['sh_w1'], params['sh_b1']))
    t = _conv(t, params['sh_wdw'], params['sh_bdw'], stride=4, pad=3, groups=64)
    t = jax.nn.relu(_conv(t, params['sh_w2'], params['sh_b2']))
    t = t.mean(axis=(2, 3))
    t_scale = t @ params['sh_wl'].T + params['sh_bl']

    kh = _kpts_heatmap(kpts_logits)
    Bv = kh.shape[0]
    flat = kh.reshape(Bv, -1)
    vals, inds = jax.lax.top_k(flat, TOPK_N)
    ys = inds // w
    xs = inds % w

    kpts_i = jnp.stack([xs, ys], axis=-1)
    kf = kpts_i.astype(jnp.float32)
    s_near = _grid_sample_pts_xla(kh, kf, h, w, 'nearest')[..., 0]
    s_bil = _grid_sample_pts_xla(heatmap, kf, h, w, 'bilinear')[..., 0]
    scores = s_near * s_bil
    scores = jnp.where(jnp.all(kpts_i == 0, axis=-1), -1.0, scores)
    idxs = jnp.argsort(-scores, axis=-1)
    kx = jnp.take_along_axis(xs, idxs, axis=-1)
    ky = jnp.take_along_axis(ys, idxs, axis=-1)
    scores = jnp.take_along_axis(scores, idxs, axis=-1)

    feats_c_rc = feats.reshape(Bv, 64, 4096)
    fs = _pallas_bicubic_norm(kx, ky, feats_c_rc)

    kpts = jnp.stack([kx, ky], axis=-1).astype(jnp.float32)
    return fs, scores, kpts, t_scale

# --- scband reference (transcript-rebuilt; emitter-appended) ---
"""Pipeline reference for scband-xfeat-sparse-encoder-77884936946319 (READ-ONLY COPY).

The authoritative reference and input builder live on the scoring server;
editing this copy changes nothing except your own understanding.
"""

import jax, jax.numpy as jnp
import numpy as np

TOP_K = 1024
BN_SCALE = 1.0 / np.sqrt(1.0 + 1e-5)


def _conv(x, w, b=None, stride=1, pad=0, groups=1):
    out = jax.lax.conv_general_dilated(
        x, w, (stride, stride), [(pad, pad), (pad, pad)],
        dimension_numbers=('NCHW', 'OIHW', 'NCHW'), feature_group_count=groups)
    if b is not None:
        out = out + b[None, :, None, None]
    return out


def _basic(x, w, stride=1, pad=1):
    # Conv2d(bias=False) -> BatchNorm2d(affine=False, eval stats mean=0,var=1) -> ReLU
    return jax.nn.relu(_conv(x, w, stride=stride, pad=pad) * BN_SCALE)


def _unfold2d(x, ws):
    B, C, H, W = x.shape
    x = x.reshape(B, C, H // ws, ws, W // ws, ws)
    x = x.transpose(0, 1, 3, 5, 2, 4)
    return x.reshape(B, C * ws * ws, H // ws, W // ws)


def _resize_bilinear(x, H, W):
    return jax.image.resize(x, (x.shape[0], x.shape[1], H, W), method='bilinear')


def _gather_pts(img, xi, yi):
    B, C, Hf, Wf = img.shape
    valid = (xi >= 0) & (xi < Wf) & (yi >= 0) & (yi < Hf)
    xc = jnp.clip(xi, 0, Wf - 1).astype(jnp.int32)
    yc = jnp.clip(yi, 0, Hf - 1).astype(jnp.int32)
    vals = jax.vmap(lambda im, y, x: im[:, y, x].T)(img, yc, xc)
    return vals * valid[..., None].astype(img.dtype)


def _cubic_w(t):
    A = -0.75
    def k_out(s):
        return ((A * s - 5.0 * A) * s + 8.0 * A) * s - 4.0 * A
    def k_in(s):
        return ((A + 2.0) * s - (A + 3.0)) * s * s + 1.0
    return (k_out(t + 1.0), k_in(t), k_in(1.0 - t), k_out(2.0 - t))


def _grid_sample_pts(img, pos, H, W, mode):
    # InterpolateSparse2d: normalize pixel coords by (W-1,H-1), grid_sample align_corners=False, zeros padding
    B, C, Hf, Wf = img.shape
    gx = 2.0 * pos[..., 0] / (W - 1) - 1.0
    gy = 2.0 * pos[..., 1] / (H - 1) - 1.0
    ix = ((gx + 1.0) * Wf - 1.0) / 2.0
    iy = ((gy + 1.0) * Hf - 1.0) / 2.0
    if mode == 'nearest':
        return _gather_pts(img, jnp.round(ix).astype(jnp.int32), jnp.round(iy).astype(jnp.int32))
    x0 = jnp.floor(ix)
    y0 = jnp.floor(iy)
    tx = ix - x0
    ty = iy - y0
    x0i = x0.astype(jnp.int32)
    y0i = y0.astype(jnp.int32)
    if mode == 'bilinear':
        v00 = _gather_pts(img, x0i, y0i)
        v01 = _gather_pts(img, x0i + 1, y0i)
        v10 = _gather_pts(img, x0i, y0i + 1)
        v11 = _gather_pts(img, x0i + 1, y0i + 1)
        return (v00 * ((1 - tx) * (1 - ty))[..., None] + v01 * (tx * (1 - ty))[..., None]
                + v10 * ((1 - tx) * ty)[..., None] + v11 * (tx * ty)[..., None])
    wx = _cubic_w(tx)
    wy = _cubic_w(ty)
    out = 0.0
    for j in range(4):
        for i in range(4):
            v = _gather_pts(img, x0i - 1 + i, y0i - 1 + j)
            out = out + v * (wy[j] * wx[i])[..., None]
    return out


def _xfeat_model(x, p):
    xm = jnp.mean(x, axis=1, keepdims=True)
    mu = xm.mean(axis=(2, 3), keepdims=True)
    var = ((xm - mu) ** 2).mean(axis=(2, 3), keepdims=True)
    xn = (xm - mu) / jnp.sqrt(var + 1e-5)
    x1 = xn
    for w, s in zip(p['block1'], (1, 2, 1, 2)):
        x1 = _basic(x1, w, stride=s, pad=1)
    B, _, H, W = xn.shape
    sk = xn.reshape(B, 1, H // 4, 4, W // 4, 4).mean(axis=(3, 5))
    sk = _conv(sk, p['skip1_w'], p['skip1_b'])
    x2 = x1 + sk
    for w in p['block2']:
        x2 = _basic(x2, w, 1, 1)
    x3 = _basic(x2, p['block3'][0], 2, 1)
    x3 = _basic(x3, p['block3'][1], 1, 1)
    x3 = _basic(x3, p['block3'][2], 1, 0)
    x4 = _basic(x3, p['block4'][0], 2, 1)
    x4 = _basic(x4, p['block4'][1], 1, 1)
    x4 = _basic(x4, p['block4'][2], 1, 1)
    x5 = _basic(x4, p['block5'][0], 2, 1)
    x5 = _basic(x5, p['block5'][1], 1, 1)
    x5 = _basic(x5, p['block5'][2], 1, 1)
    x5 = _basic(x5, p['block5'][3], 1, 0)
    x4r = _resize_bilinear(x4, x3.shape[2], x3.shape[3])
    x5r = _resize_bilinear(x5, x3.shape[2], x3.shape[3])
    f = x3 + x4r + x5r
    f = _basic(f, p['fusion'][0], 1, 1)
    f = _basic(f, p['fusion'][1], 1, 1)
    feats = _conv(f, p['fusion_w'], p['fusion_b'])
    hh = _basic(feats, p['hm'][0], 1, 0)
    hh = _basic(hh, p['hm'][1], 1, 0)
    heatmap = jax.nn.sigmoid(_conv(hh, p['hm_w'], p['hm_b']))
    kk = _unfold2d(xn, 8)
    for w in p['kp']:
        kk = _basic(kk, w, 1, 0)
    kpts_logits = _conv(kk, p['kp_w'], p['kp_b'])
    return feats, kpts_logits, heatmap


def _get_kpts_heatmap(kpts_logits):
    scores = jax.nn.softmax(kpts_logits, axis=1)[:, :64]
    B, _, H, W = scores.shape
    hm = scores.transpose(0, 2, 3, 1).reshape(B, H, W, 8, 8)
    hm = hm.transpose(0, 1, 3, 2, 4).reshape(B, 1, H * 8, W * 8)
    return hm


def _forward(images, params):
    b, v, c, h, w = images.shape
    x = images.reshape(b * v, c, h, w)
    feats, kpts_logits, heatmap = _xfeat_model(x, params)
    # scale head on rearranged dense feats '(b v) c h w -> b (v c) h w'
    sf = feats.reshape(b, v * feats.shape[1], feats.shape[2], feats.shape[3])
    t = jax.nn.relu(_conv(sf, params['sh_w1'], params['sh_b1']))
    t = _conv(t, params['sh_wdw'], params['sh_bdw'], stride=4, pad=3, groups=64)
    t = jax.nn.relu(_conv(t, params['sh_w2'], params['sh_b2']))
    t = t.mean(axis=(2, 3))
    t_scale = t @ params['sh_wl'].T + params['sh_bl']
    kh = _get_kpts_heatmap(kpts_logits)
    Bv = kh.shape[0]
    flat = kh.reshape(Bv, -1)
    vals, inds = jax.lax.top_k(flat, TOP_K)
    ys = inds // w
    xs = inds % w
    kpts = jnp.stack([xs, ys], axis=-1)
    kf = kpts.astype(jnp.float32)
    s_near = _grid_sample_pts(kh, kf, h, w, 'nearest')[..., 0]
    s_bil = _grid_sample_pts(heatmap, kf, h, w, 'bilinear')[..., 0]
    scores = s_near * s_bil
    scores = jnp.where(jnp.all(kpts == 0, axis=-1), -1.0, scores)
    idxs = jnp.argsort(-scores, axis=-1)
    kx = jnp.take_along_axis(kpts[..., 0], idxs, axis=-1)
    ky = jnp.take_along_axis(kpts[..., 1], idxs, axis=-1)
    kpts = jnp.stack([kx, ky], axis=-1)
    scores = jnp.take_along_axis(scores, idxs, axis=-1)
    kpts = kpts.astype(jnp.float32)
    fs = _grid_sample_pts(feats, kpts, h, w, 'bicubic')
    fs = fs / jnp.maximum(jnp.linalg.norm(fs, axis=-1, keepdims=True), 1e-12)
    return fs, scores, kpts, t_scale


def setup_inputs(seed: int = 0):
    key = jax.random.key(seed)
    keys = iter(jax.random.split(key, 48))
    def rn(shape, s=0.1):
        return (s * jax.random.normal(next(keys), shape)).astype(jnp.float32)
    params = {
        'block1': [rn((4, 1, 3, 3)), rn((8, 4, 3, 3)), rn((8, 8, 3, 3)), rn((24, 8, 3, 3))],
        'skip1_w': rn((24, 1, 1, 1)), 'skip1_b': rn((24,)),
        'block2': [rn((24, 24, 3, 3)), rn((24, 24, 3, 3))],
        'block3': [rn((64, 24, 3, 3)), rn((64, 64, 3, 3)), rn((64, 64, 1, 1))],
        'block4': [rn((64, 64, 3, 3)), rn((64, 64, 3, 3)), rn((64, 64, 3, 3))],
        'block5': [rn((128, 64, 3, 3)), rn((128, 128, 3, 3)), rn((128, 128, 3, 3)), rn((64, 128, 1, 1))],
        'fusion': [rn((64, 64, 3, 3)), rn((64, 64, 3, 3))],
        'fusion_w': rn((64, 64, 1, 1)), 'fusion_b': rn((64,)),
        'hm': [rn((64, 64, 1, 1)), rn((64, 64, 1, 1))],
        'hm_w': rn((1, 64, 1, 1)), 'hm_b': rn((1,)),
        'kp': [rn((64, 64, 1, 1)), rn((64, 64, 1, 1)), rn((64, 64, 1, 1))],
        'kp_w': rn((65, 64, 1, 1)), 'kp_b': rn((65,)),
        'sh_w1': rn((64, 128, 1, 1)), 'sh_b1': rn((64,)),
        'sh_wdw': rn((64, 1, 4, 4)), 'sh_bdw': rn((64,)),
        'sh_w2': rn((64, 64, 1, 1)), 'sh_b2': rn((64,)),
        'sh_wl': rn((1, 64)), 'sh_bl': rn((1,)),
    }
    images = jax.random.normal(next(keys), (2, 2, 3, 512, 512), dtype=jnp.float32)
    return {'images': images, 'params': params}


def reference(images, params):
    return _forward(images, params)

if __name__ == "__main__":
    import jax
    _d = setup_inputs()
    print(jax.jit(kernel)(*tuple(_d.values())))

</pallas_src>

<mosaic_0001>
module attributes {stable_mosaic.version = 14 : i64} {
  func.func @_bicubic_body(%arg0: i32, %arg1: memref<1x1024x1xi32, #tpu.memory_space<vmem>>, %arg2: memref<1x1024x1xi32, #tpu.memory_space<vmem>>, %arg3: memref<1x64x4096xf32, #tpu.memory_space<vmem>>, %arg4: memref<1x1024x64xf32, #tpu.memory_space<vmem>>) attributes {dimension_semantics = [#tpu.dimension_semantics<arbitrary>], iteration_bounds = array<i64: 4>, scalar_prefetch = 0 : i64, scratch_operands = 0 : i64, tpu.core_type = #tpu.core_type<tc>, window_params = [{transform_indices = @transform_0, window_bounds = array<i64: 1, 1024, 1>}, {transform_indices = @transform_1, window_bounds = array<i64: 1, 1024, 1>}, {transform_indices = @transform_2, window_bounds = array<i64: 1, 64, 4096>}, {transform_indices = @transform_3, window_bounds = array<i64: 1, 1024, 64>}]} {
    %get3A = arith.constant 0 : index
    %get3A_0 = arith.constant 0 : index
    %get3A_1 = arith.constant 0 : index
    %get3A_2 = vector.load %arg1[%get3A, %get3A_0, %get3A_1] : memref<1x1024x1xi32, #tpu.memory_space<vmem>>, vector<1x1024x1xi32>
    %get3A_3 = vector.shape_cast %get3A_2 : vector<1x1024x1xi32> to vector<1024x1xi32>
    %get3A_4 = arith.constant 0 : index
    %get3A_5 = arith.constant 0 : index
    %get3A_6 = arith.constant 0 : index
    %get3A_7 = vector.load %arg2[%get3A_4, %get3A_5, %get3A_6] : memref<1x1024x1xi32, #tpu.memory_space<vmem>>, vector<1x1024x1xi32>
    %get3A_8 = vector.shape_cast %get3A_7 : vector<1x1024x1xi32> to vector<1024x1xi32>
    %convert_element_type3A = arith.sitofp %get3A_3 : vector<1024x1xi32> to vector<1024x1xf32>
    %mul3A = arith.constant 2.000000e+00 : f32
    %mul3A_9 = vector.broadcast %mul3A : f32 to vector<1024x1xf32>
    %mul3A_10 = arith.mulf %mul3A_9, %convert_element_type3A : vector<1024x1xf32>
    %div3A = arith.constant 5.110000e+02 : f32
    %div3A_11 = vector.broadcast %div3A : f32 to vector<1024x1xf32>
    %div3A_12 = arith.divf %mul3A_10, %div3A_11 : vector<1024x1xf32>
    %sub3A = arith.constant 1.000000e+00 : f32
    %sub3A_13 = vector.broadcast %sub3A : f32 to vector<1024x1xf32>
    %sub3A_14 = arith.subf %div3A_12, %sub3A_13 : vector<1024x1xf32>
    %add3A = arith.constant 1.000000e+00 : f32
    %add3A_15 = vector.broadcast %add3A : f32 to vector<1024x1xf32>
    %add3A_16 = arith.addf %sub3A_14, %add3A_15 : vector<1024x1xf32>
    %mul3A_17 = arith.constant 6.400000e+01 : f32
    %mul3A_18 = vector.broadcast %mul3A_17 : f32 to vector<1024x1xf32>
    %mul3A_19 = arith.mulf %add3A_16, %mul3A_18 : vector<1024x1xf32>
    %sub3A_20 = arith.constant 1.000000e+00 : f32
    %sub3A_21 = vector.broadcast %sub3A_20 : f32 to vector<1024x1xf32>
    %sub3A_22 = arith.subf %mul3A_19, %sub3A_21 : vector<1024x1xf32>
    %div3A_23 = arith.constant 2.000000e+00 : f32
    %div3A_24 = vector.broadcast %div3A_23 : f32 to vector<1024x1xf32>
    %div3A_25 = arith.divf %sub3A_22, %div3A_24 : vector<1024x1xf32>
    %floor3A = math.floor %div3A_25 : vector<1024x1xf32>
    %convert_element_type3A_26 = arith.fptosi %floor3A : vector<1024x1xf32> to vector<1024x1xi32>
    %sub3A_27 = arith.subf %div3A_25, %floor3A : vector<1024x1xf32>
    %convert_element_type3A_28 = arith.sitofp %get3A_8 : vector<1024x1xi32> to vector<1024x1xf32>
    %mul3A_29 = arith.constant 2.000000e+00 : f32
    %mul3A_30 = vector.broadcast %mul3A_29 : f32 to vector<1024x1xf32>
    %mul3A_31 = arith.mulf %mul3A_30, %convert_element_type3A_28 : vector<1024x1xf32>
    %div3A_32 = arith.constant 5.110000e+02 : f32
    %div3A_33 = vector.broadcast %div3A_32 : f32 to vector<1024x1xf32>
    %div3A_34 = arith.divf %mul3A_31, %div3A_33 : vector<1024x1xf32>
    %sub3A_35 = arith.constant 1.000000e+00 : f32
    %sub3A_36 = vector.broadcast %sub3A_35 : f32 to vector<1024x1xf32>
    %sub3A_37 = arith.subf %div3A_34, %sub3A_36 : vector<1024x1xf32>
    %add3A_38 = arith.constant 1.000000e+00 : f32
    %add3A_39 = vector.broadcast %add3A_38 : f32 to vector<1024x1xf32>
    %add3A_40 = arith.addf %sub3A_37, %add3A_39 : vector<1024x1xf32>
    %mul3A_41 = arith.constant 6.400000e+01 : f32
    %mul3A_42 = vector.broadcast %mul3A_41 : f32 to vector<1024x1xf32>
    %mul3A_43 = arith.mulf %add3A_40, %mul3A_42 : vector<1024x1xf32>
    %sub3A_44 = arith.constant 1.000000e+00 : f32
    %sub3A_45 = vector.broadcast %sub3A_44 : f32 to vector<1024x1xf32>
    %sub3A_46 = arith.subf %mul3A_43, %sub3A_45 : vector<1024x1xf32>
    %div3A_47 = arith.constant 2.000000e+00 : f32
    %div3A_48 = vector.broadcast %div3A_47 : f32 to vector<1024x1xf32>
    %div3A_49 = arith.divf %sub3A_46, %div3A_48 : vector<1024x1xf32>
    %floor3A_50 = math.floor %div3A_49 : vector<1024x1xf32>
    %convert_element_type3A_51 = arith.fptosi %floor3A_50 : vector<1024x1xf32> to vector<1024x1xi32>
    %sub3A_52 = arith.subf %div3A_49, %floor3A_50 : vector<1024x1xf32>
    %add3A_53 = arith.constant 1.000000e+00 : f32
    %add3A_54 = vector.broadcast %add3A_53 : f32 to vector<1024x1xf32>
    %add3A_55 = arith.addf %sub3A_27, %add3A_54 : vector<1024x1xf32>
    %mul3A_56 = arith.constant -7.500000e-01 : f32
    %mul3A_57 = vector.broadcast %mul3A_56 : f32 to vector<1024x1xf32>
    %mul3A_58 = arith.mulf %mul3A_57, %add3A_55 : vector<1024x1xf32>
    %sub3A_59 = arith.constant -3.750000e+00 : f32
    %sub3A_60 = vector.broadcast %sub3A_59 : f32 to vector<1024x1xf32>
    %sub3A_61 = arith.subf %mul3A_58, %sub3A_60 : vector<1024x1xf32>
    %mul3A_62 = arith.mulf %sub3A_61, %add3A_55 : vector<1024x1xf32>
    %add3A_63 = arith.constant -6.000000e+00 : f32
    %add3A_64 = vector.broadcast %add3A_63 : f32 to vector<1024x1xf32>
    %add3A_65 = arith.addf %mul3A_62, %add3A_64 : vector<1024x1xf32>
    %mul3A_66 = arith.mulf %add3A_65, %add3A_55 : vector<1024x1xf32>
    %sub3A_67 = arith.constant -3.000000e+00 : f32
    %sub3A_68 = vector.broadcast %sub3A_67 : f32 to vector<1024x1xf32>
    %sub3A_69 = arith.subf %mul3A_66, %sub3A_68 : vector<1024x1xf32>
    %mul3A_70 = arith.constant 1.250000e+00 : f32
    %mul3A_71 = vector.broadcast %mul3A_70 : f32 to vector<1024x1xf32>
    %mul3A_72 = arith.mulf %mul3A_71, %sub3A_27 : vector<1024x1xf32>
    %sub3A_73 = arith.constant 2.250000e+00 : f32
    %sub3A_74 = vector.broadcast %sub3A_73 : f32 to vector<1024x1xf32>
    %sub3A_75 = arith.subf %mul3A_72, %sub3A_74 : vector<1024x1xf32>
    %mul3A_76 = arith.mulf %sub3A_75, %sub3A_27 : vector<1024x1xf32>
    %mul3A_77 = arith.mulf %mul3A_76, %sub3A_27 : vector<1024x1xf32>
    %add3A_78 = arith.constant 1.000000e+00 : f32
    %add3A_79 = vector.broadcast %add3A_78 : f32 to vector<1024x1xf32>
    %add3A_80 = arith.addf %mul3A_77, %add3A_79 : vector<1024x1xf32>
    %sub3A_81 = arith.constant 1.000000e+00 : f32
    %sub3A_82 = vector.broadcast %sub3A_81 : f32 to vector<1024x1xf32>
    %sub3A_83 = arith.subf %sub3A_82, %sub3A_27 : vector<1024x1xf32>
    %mul3A_84 = arith.constant 1.250000e+00 : f32
    %mul3A_85 = vector.broadcast %mul3A_84 : f32 to vector<1024x1xf32>
    %mul3A_86 = arith.mulf %mul3A_85, %sub3A_83 : vector<1024x1xf32>
    %sub3A_87 = arith.constant 2.250000e+00 : f32
    %sub3A_88 = vector.broadcast %sub3A_87 : f32 to vector<1024x1xf32>
    %sub3A_89 = arith.subf %mul3A_86, %sub3A_88 : vector<1024x1xf32>
    %mul3A_90 = arith.mulf %sub3A_89, %sub3A_83 : vector<1024x1xf32>
    %mul3A_91 = arith.mulf %mul3A_90, %sub3A_83 : vector<1024x1xf32>
    %add3A_92 = arith.constant 1.000000e+00 : f32
    %add3A_93 = vector.broadcast %add3A_92 : f32 to vector<1024x1xf32>
    %add3A_94 = arith.addf %mul3A_91, %add3A_93 : vector<1024x1xf32>
    %sub3A_95 = arith.constant 2.000000e+00 : f32
    %sub3A_96 = vector.broadcast %sub3A_95 : f32 to vector<1024x1xf32>
    %sub3A_97 = arith.subf %sub3A_96, %sub3A_27 : vector<1024x1xf32>
    %mul3A_98 = arith.constant -7.500000e-01 : f32
    %mul3A_99 = vector.broadcast %mul3A_98 : f32 to vector<1024x1xf32>
    %mul3A_100 = arith.mulf %mul3A_99, %sub3A_97 : vector<1024x1xf32>
    %sub3A_101 = arith.constant -3.750000e+00 : f32
    %sub3A_102 = vector.broadcast %sub3A_101 : f32 to vector<1024x1xf32>
    %sub3A_103 = arith.subf %mul3A_100, %sub3A_102 : vector<1024x1xf32>
    %mul3A_104 = arith.mulf %sub3A_103, %sub3A_97 : vector<1024x1xf32>
    %add3A_105 = arith.constant -6.000000e+00 : f32
    %add3A_106 = vector.broadcast %add3A_105 : f32 to vector<1024x1xf32>
    %add3A_107 = arith.addf %mul3A_104, %add3A_106 : vector<1024x1xf32>
    %mul3A_108 = arith.mulf %add3A_107, %sub3A_97 : vector<1024x1xf32>
    %sub3A_109 = arith.constant -3.000000e+00 : f32
    %sub3A_110 = vector.broadcast %sub3A_109 : f32 to vector<1024x1xf32>
    %sub3A_111 = arith.subf %mul3A_108, %sub3A_110 : vector<1024x1xf32>
    %add3A_112 = arith.constant 1.000000e+00 : f32
    %add3A_113 = vector.broadcast %add3A_112 : f32 to vector<1024x1xf32>
    %add3A_114 = arith.addf %sub3A_52, %add3A_113 : vector<1024x1xf32>
    %mul3A_115 = arith.constant -7.500000e-01 : f32
    %mul3A_116 = vector.broadcast %mul3A_115 : f32 to vector<1024x1xf32>
    %mul3A_117 = arith.mulf %mul3A_116, %add3A_114 : vector<1024x1xf32>
    %sub3A_118 = arith.constant -3.750000e+00 : f32
    %sub3A_119 = vector.broadcast %sub3A_118 : f32 to vector<1024x1xf32>
    %sub3A_120 = arith.subf %mul3A_117, %sub3A_119 : vector<1024x1xf32>
    %mul3A_121 = arith.mulf %sub3A_120, %add3A_114 : vector<1024x1xf32>
    %add3A_122 = arith.constant -6.000000e+00 : f32
    %add3A_123 = vector.broadcast %add3A_122 : f32 to vector<1024x1xf32>
    %add3A_124 = arith.addf %mul3A_121, %add3A_123 : vector<1024x1xf32>
    %mul3A_125 = arith.mulf %add3A_124, %add3A_114 : vector<1024x1xf32>
    %sub3A_126 = arith.constant -3.000000e+00 : f32
    %sub3A_127 = vector.broadcast %sub3A_126 : f32 to vector<1024x1xf32>
    %sub3A_128 = arith.subf %mul3A_125, %sub3A_127 : vector<1024x1xf32>
    %mul3A_129 = arith.constant 1.250000e+00 : f32
    %mul3A_130 = vector.broadcast %mul3A_129 : f32 to vector<1024x1xf32>
    %mul3A_131 = arith.mulf %mul3A_130, %sub3A_52 : vector<1024x1xf32>
    %sub3A_132 = arith.constant 2.250000e+00 : f32
    %sub3A_133 = vector.broadcast %sub3A_132 : f32 to vector<1024x1xf32>
    %sub3A_134 = arith.subf %mul3A_131, %sub3A_133 : vector<1024x1xf32>
    %mul3A_135 = arith.mulf %sub3A_134, %sub3A_52 : vector<1024x1xf32>
    %mul3A_136 = arith.mulf %mul3A_135, %sub3A_52 : vector<1024x1xf32>
    %add3A_137 = arith.constant 1.000000e+00 : f32
    %add3A_138 = vector.broadcast %add3A_137 : f32 to vector<1024x1xf32>
    %add3A_139 = arith.addf %mul3A_136, %add3A_138 : vector<1024x1xf32>
    %sub3A_140 = arith.constant 1.000000e+00 : f32
    %sub3A_141 = vector.broadcast %sub3A_140 : f32 to vector<1024x1xf32>
    %sub3A_142 = arith.subf %sub3A_141, %sub3A_52 : vector<1024x1xf32>
    %mul3A_143 = arith.constant 1.250000e+00 : f32
    %mul3A_144 = vector.broadcast %mul3A_143 : f32 to vector<1024x1xf32>
    %mul3A_145 = arith.mulf %mul3A_144, %sub3A_142 : vector<1024x1xf32>
    %sub3A_146 = arith.constant 2.250000e+00 : f32
    %sub3A_147 = vector.broadcast %sub3A_146 : f32 to vector<1024x1xf32>
    %sub3A_148 = arith.subf %mul3A_145, %sub3A_147 : vector<1024x1xf32>
    %mul3A_149 = arith.mulf %sub3A_148, %sub3A_142 : vector<1024x1xf32>
    %mul3A_150 = arith.mulf %mul3A_149, %sub3A_142 : vector<1024x1xf32>
    %add3A_151 = arith.constant 1.000000e+00 : f32
    %add3A_152 = vector.broadcast %add3A_151 : f32 to vector<1024x1xf32>
    %add3A_153 = arith.addf %mul3A_150, %add3A_152 : vector<1024x1xf32>
    %sub3A_154 = arith.constant 2.000000e+00 : f32
    %sub3A_155 = vector.broadcast %sub3A_154 : f32 to vector<1024x1xf32>
    %sub3A_156 = arith.subf %sub3A_155, %sub3A_52 : vector<1024x1xf32>
    %mul3A_157 = arith.constant -7.500000e-01 : f32
    %mul3A_158 = vector.broadcast %mul3A_157 : f32 to vector<1024x1xf32>
    %mul3A_159 = arith.mulf %mul3A_158, %sub3A_156 : vector<1024x1xf32>
    %sub3A_160 = arith.constant -3.750000e+00 : f32
    %sub3A_161 = vector.broadcast %sub3A_160 : f32 to vector<1024x1xf32>
    %sub3A_162 = arith.subf %mul3A_159, %sub3A_161 : vector<1024x1xf32>
    %mul3A_163 = arith.mulf %sub3A_162, %sub3A_156 : vector<1024x1xf32>
    %add3A_164 = arith.constant -6.000000e+00 : f32
    %add3A_165 = vector.broadcast %add3A_164 : f32 to vector<1024x1xf32>
    %add3A_166 = arith.addf %mul3A_163, %add3A_165 : vector<1024x1xf32>
    %mul3A_167 = arith.mulf %add3A_166, %sub3A_156 : vector<1024x1xf32>
    %sub3A_168 = arith.constant -3.000000e+00 : f32
    %sub3A_169 = vector.broadcast %sub3A_168 : f32 to vector<1024x1xf32>
    %sub3A_170 = arith.subf %mul3A_167, %sub3A_169 : vector<1024x1xf32>
    %iota3A = tpu.iota {dimensions = array<i32: 1>} : vector<1024x64xi32>
    %broadcast_in_dim3A = arith.constant 0.000000e+00 : f32
    %broadcast_in_dim3A_171 = vector.broadcast %broadcast_in_dim3A : f32 to vector<1024x64xf32>
    %add3A_172 = arith.constant -1 : i32
    %add3A_173 = vector.broadcast %add3A_172 : i32 to vector<1024x1xi32>
    %add3A_174 = arith.addi %convert_element_type3A_26, %add3A_173 : vector<1024x1xi32>
    %ge3A = arith.constant 0 : i32
    %ge3A_175 = vector.broadcast %ge3A : i32 to vector<1024x1xi32>
    %ge3A_176 = arith.cmpi sge, %add3A_174, %ge3A_175 : vector<1024x1xi32>
    %lt3A = arith.constant 64 : i32
    %lt3A_177 = vector.broadcast %lt3A : i32 to vector<1024x1xi32>
    %lt3A_178 = arith.cmpi slt, %add3A_174, %lt3A_177 : vector<1024x1xi32>
    %and3A = arith.andi %ge3A_176, %lt3A_178 : vector<1024x1xi1>
    %jit3A = arith.constant 0 : i32
    %jit3A_179 = arith.constant 63 : i32
    %max3A = vector.broadcast %jit3A : i32 to vector<1024x1xi32>
    %max3A_180 = arith.maxsi %max3A, %add3A_174 : vector<1024x1xi32>
    %min3A = vector.broadcast %jit3A_179 : i32 to vector<1024x1xi32>
    %min3A_181 = arith.minsi %min3A, %max3A_180 : vector<1024x1xi32>
    %eq3A = vector.broadcast %min3A_181 : vector<1024x1xi32> to vector<1024x64xi32>
    %eq3A_182 = arith.cmpi eq, %iota3A, %eq3A : vector<1024x64xi32>
    %and3A_183 = vector.broadcast %and3A : vector<1024x1xi1> to vector<1024x64xi1>
    %and3A_184 = arith.andi %eq3A_182, %and3A_183 : vector<1024x64xi1>
    %jit3A_185 = arith.constant 0.000000e+00 : f32
    %broadcast_in_dim3A_186 = vector.shape_cast %sub3A_69 : vector<1024x1xf32> to vector<1024x1xf32>
    %broadcast_in_dim3A_187 = vector.broadcast %broadcast_in_dim3A_186 : vector<1024x1xf32> to vector<1024x64xf32>
    %broadcast_in_dim3A_188 = vector.broadcast %jit3A_185 : f32 to vector<1024x64xf32>
    %select_n3A = arith.select %and3A_184, %broadcast_in_dim3A_187, %broadcast_in_dim3A_188 : vector<1024x64xi1>, vector<1024x64xf32>
    %add3A_189 = arith.addf %broadcast_in_dim3A_171, %select_n3A : vector<1024x64xf32>
    %add3A_190 = arith.constant 0 : i32
    %add3A_191 = vector.broadcast %add3A_190 : i32 to vector<1024x1xi32>
    %add3A_192 = arith.addi %convert_element_type3A_26, %add3A_191 : vector<1024x1xi32>
    %ge3A_193 = arith.constant 0 : i32
    %ge3A_194 = vector.broadcast %ge3A_193 : i32 to vector<1024x1xi32>
    %ge3A_195 = arith.cmpi sge, %add3A_192, %ge3A_194 : vector<1024x1xi32>
    %lt3A_196 = arith.constant 64 : i32
    %lt3A_197 = vector.broadcast %lt3A_196 : i32 to vector<1024x1xi32>
    %lt3A_198 = arith.cmpi slt, %add3A_192, %lt3A_197 : vector<1024x1xi32>
    %and3A_199 = arith.andi %ge3A_195, %lt3A_198 : vector<1024x1xi1>
    %jit3A_200 = arith.constant 0 : i32
    %jit3A_201 = arith.constant 63 : i32
    %max3A_202 = vector.broadcast %jit3A_200 : i32 to vector<1024x1xi32>
    %max3A_203 = arith.maxsi %max3A_202, %add3A_192 : vector<1024x1xi32>
    %min3A_204 = vector.broadcast %jit3A_201 : i32 to vector<1024x1xi32>
    %min3A_205 = arith.minsi %min3A_204, %max3A_203 : vector<1024x1xi32>
    %eq3A_206 = vector.broadcast %min3A_205 : vector<1024x1xi32> to vector<1024x64xi32>
    %eq3A_207 = arith.cmpi eq, %iota3A, %eq3A_206 : vector<1024x64xi32>
    %and3A_208 = vector.broadcast %and3A_199 : vector<1024x1xi1> to vector<1024x64xi1>
    %and3A_209 = arith.andi %eq3A_207, %and3A_208 : vector<1024x64xi1>
    %jit3A_210 = arith.constant 0.000000e+00 : f32
    %broadcast_in_dim3A_211 = vector.shape_cast %add3A_80 : vector<1024x1xf32> to vector<1024x1xf32>
    %broadcast_in_dim3A_212 = vector.broadcast %broadcast_in_dim3A_211 : vector<1024x1xf32> to vector<1024x64xf32>
    %broadcast_in_dim3A_213 = vector.broadcast %jit3A_210 : f32 to vector<1024x64xf32>
    %select_n3A_214 = arith.select %and3A_209, %broadcast_in_dim3A_212, %broadcast_in_dim3A_213 : vector<1024x64xi1>, vector<1024x64xf32>
    %add3A_215 = arith.addf %add3A_189, %select_n3A_214 : vector<1024x64xf32>
    %add3A_216 = arith.constant 1 : i32
    %add3A_217 = vector.broadcast %add3A_216 : i32 to vector<1024x1xi32>
    %add3A_218 = arith.addi %convert_element_type3A_26, %add3A_217 : vector<1024x1xi32>
    %ge3A_219 = arith.constant 0 : i32
    %ge3A_220 = vector.broadcast %ge3A_219 : i32 to vector<1024x1xi32>
    %ge3A_221 = arith.cmpi sge, %add3A_218, %ge3A_220 : vector<1024x1xi32>
    %lt3A_222 = arith.constant 64 : i32
    %lt3A_223 = vector.broadcast %lt3A_222 : i32 to vector<1024x1xi32>
    %lt3A_224 = arith.cmpi slt, %add3A_218, %lt3A_223 : vector<1024x1xi32>
    %and3A_225 = arith.andi %ge3A_221, %lt3A_224 : vector<1024x1xi1>
    %jit3A_226 = arith.constant 0 : i32
    %jit3A_227 = arith.constant 63 : i32
    %max3A_228 = vector.broadcast %jit3A_226 : i32 to vector<1024x1xi32>
    %max3A_229 = arith.maxsi %max3A_228, %add3A_218 : vector<1024x1xi32>
    %min3A_230 = vector.broadcast %jit3A_227 : i32 to vector<1024x1xi32>
    %min3A_231 = arith.minsi %min3A_230, %max3A_229 : vector<1024x1xi32>
    %eq3A_232 = vector.broadcast %min3A_231 : vector<1024x1xi32> to vector<1024x64xi32>
    %eq3A_233 = arith.cmpi eq, %iota3A, %eq3A_232 : vector<1024x64xi32>
    %and3A_234 = vector.broadcast %and3A_225 : vector<1024x1xi1> to vector<1024x64xi1>
    %and3A_235 = arith.andi %eq3A_233, %and3A_234 : vector<1024x64xi1>
    %jit3A_236 = arith.constant 0.000000e+00 : f32
    %broadcast_in_dim3A_237 = vector.shape_cast %add3A_94 : vector<1024x1xf32> to vector<1024x1xf32>
    %broadcast_in_dim3A_238 = vector.broadcast %broadcast_in_dim3A_237 : vector<1024x1xf32> to vector<1024x64xf32>
    %broadcast_in_dim3A_239 = vector.broadcast %jit3A_236 : f32 to vector<1024x64xf32>
    %select_n3A_240 = arith.select %and3A_235, %broadcast_in_dim3A_238, %broadcast_in_dim3A_239 : vector<1024x64xi1>, vector<1024x64xf32>
    %add3A_241 = arith.addf %add3A_215, %select_n3A_240 : vector<1024x64xf32>
    %add3A_242 = arith.constant 2 : i32
    %add3A_243 = vector.broadcast %add3A_242 : i32 to vector<1024x1xi32>
    %add3A_244 = arith.addi %convert_element_type3A_26, %add3A_243 : vector<1024x1xi32>
    %ge3A_245 = arith.constant 0 : i32
    %ge3A_246 = vector.broadcast %ge3A_245 : i32 to vector<1024x1xi32>
    %ge3A_247 = arith.cmpi sge, %add3A_244, %ge3A_246 : vector<1024x1xi32>
    %lt3A_248 = arith.constant 64 : i32
    %lt3A_249 = vector.broadcast %lt3A_248 : i32 to vector<1024x1xi32>
    %lt3A_250 = arith.cmpi slt, %add3A_244, %lt3A_249 : vector<1024x1xi32>
    %and3A_251 = arith.andi %ge3A_247, %lt3A_250 : vector<1024x1xi1>
    %jit3A_252 = arith.constant 0 : i32
    %jit3A_253 = arith.constant 63 : i32
    %max3A_254 = vector.broadcast %jit3A_252 : i32 to vector<1024x1xi32>
    %max3A_255 = arith.maxsi %max3A_254, %add3A_244 : vector<1024x1xi32>
    %min3A_256 = vector.broadcast %jit3A_253 : i32 to vector<1024x1xi32>
    %min3A_257 = arith.minsi %min3A_256, %max3A_255 : vector<1024x1xi32>
    %eq3A_258 = vector.broadcast %min3A_257 : vector<1024x1xi32> to vector<1024x64xi32>
    %eq3A_259 = arith.cmpi eq, %iota3A, %eq3A_258 : vector<1024x64xi32>
    %and3A_260 = vector.broadcast %and3A_251 : vector<1024x1xi1> to vector<1024x64xi1>
    %and3A_261 = arith.andi %eq3A_259, %and3A_260 : vector<1024x64xi1>
    %jit3A_262 = arith.constant 0.000000e+00 : f32
    %broadcast_in_dim3A_263 = vector.shape_cast %sub3A_111 : vector<1024x1xf32> to vector<1024x1xf32>
    %broadcast_in_dim3A_264 = vector.broadcast %broadcast_in_dim3A_263 : vector<1024x1xf32> to vector<1024x64xf32>
    %broadcast_in_dim3A_265 = vector.broadcast %jit3A_262 : f32 to vector<1024x64xf32>
    %select_n3A_266 = arith.select %and3A_261, %broadcast_in_dim3A_264, %broadcast_in_dim3A_265 : vector<1024x64xi1>, vector<1024x64xf32>
    %add3A_267 = arith.addf %add3A_241, %select_n3A_266 : vector<1024x64xf32>
    %iota3A_268 = tpu.iota {dimensions = array<i32: 1>} : vector<1024x64xi32>
    %broadcast_in_dim3A_269 = arith.constant 0.000000e+00 : f32
    %broadcast_in_dim3A_270 = vector.broadcast %broadcast_in_dim3A_269 : f32 to vector<1024x64xf32>
    %add3A_271 = arith.constant -1 : i32
    %add3A_272 = vector.broadcast %add3A_271 : i32 to vector<1024x1xi32>
    %add3A_273 = arith.addi %convert_element_type3A_51, %add3A_272 : vector<1024x1xi32>
    %ge3A_274 = arith.constant 0 : i32
    %ge3A_275 = vector.broadcast %ge3A_274 : i32 to vector<1024x1xi32>
    %ge3A_276 = arith.cmpi sge, %add3A_273, %ge3A_275 : vector<1024x1xi32>
    %lt3A_277 = arith.constant 64 : i32
    %lt3A_278 = vector.broadcast %lt3A_277 : i32 to vector<1024x1xi32>
    %lt3A_279 = arith.cmpi slt, %add3A_273, %lt3A_278 : vector<1024x1xi32>
    %and3A_280 = arith.andi %ge3A_276, %lt3A_279 : vector<1024x1xi1>
    %jit3A_281 = arith.constant 0 : i32
    %jit3A_282 = arith.constant 63 : i32
    %max3A_283 = vector.broadcast %jit3A_281 : i32 to vector<1024x1xi32>
    %max3A_284 = arith.maxsi %max3A_283, %add3A_273 : vector<1024x1xi32>
    %min3A_285 = vector.broadcast %jit3A_282 : i32 to vector<1024x1xi32>
    %min3A_286 = arith.minsi %min3A_285, %max3A_284 : vector<1024x1xi32>
    %eq3A_287 = vector.broadcast %min3A_286 : vector<1024x1xi32> to vector<1024x64xi32>
    %eq3A_288 = arith.cmpi eq, %iota3A_268, %eq3A_287 : vector<1024x64xi32>
    %and3A_289 = vector.broadcast %and3A_280 : vector<1024x1xi1> to vector<1024x64xi1>
    %and3A_290 = arith.andi %eq3A_288, %and3A_289 : vector<1024x64xi1>
    %jit3A_291 = arith.constant 0.000000e+00 : f32
    %broadcast_in_dim3A_292 = vector.shape_cast %sub3A_128 : vector<1024x1xf32> to vector<1024x1xf32>
    %broadcast_in_dim3A_293 = vector.broadcast %broadcast_in_dim3A_292 : vector<1024x1xf32> to vector<1024x64xf32>
    %broadcast_in_dim3A_294 = vector.broadcast %jit3A_291 : f32 to vector<1024x64xf32>
    %select_n3A_295 = arith.select %and3A_290, %broadcast_in_dim3A_293, %broadcast_in_dim3A_294 : vector<1024x64xi1>, vector<1024x64xf32>
    %add3A_296 = arith.addf %broadcast_in_dim3A_270, %select_n3A_295 : vector<1024x64xf32>
    %add3A_297 = arith.constant 0 : i32
    %add3A_298 = vector.broadcast %add3A_297 : i32 to vector<1024x1xi32>
    %add3A_299 = arith.addi %convert_element_type3A_51, %add3A_298 : vector<1024x1xi32>
    %ge3A_300 = arith.constant 0 : i32
    %ge3A_301 = vector.broadcast %ge3A_300 : i32 to vector<1024x1xi32>
    %ge3A_302 = arith.cmpi sge, %add3A_299, %ge3A_301 : vector<1024x1xi32>
    %lt3A_303 = arith.constant 64 : i32
    %lt3A_304 = vector.broadcast %lt3A_303 : i32 to vector<1024x1xi32>
    %lt3A_305 = arith.cmpi slt, %add3A_299, %lt3A_304 : vector<1024x1xi32>
    %and3A_306 = arith.andi %ge3A_302, %lt3A_305 : vector<1024x1xi1>
    %jit3A_307 = arith.constant 0 : i32
    %jit3A_308 = arith.constant 63 : i32
    %max3A_309 = vector.broadcast %jit3A_307 : i32 to vector<1024x1xi32>
    %max3A_310 = arith.maxsi %max3A_309, %add3A_299 : vector<1024x1xi32>
    %min3A_311 = vector.broadcast %jit3A_308 : i32 to vector<1024x1xi32>
    %min3A_312 = arith.minsi %min3A_311, %max3A_310 : vector<1024x1xi32>
    %eq3A_313 = vector.broadcast %min3A_312 : vector<1024x1xi32> to vector<1024x64xi32>
    %eq3A_314 = arith.cmpi eq, %iota3A_268, %eq3A_313 : vector<1024x64xi32>
    %and3A_315 = vector.broadcast %and3A_306 : vector<1024x1xi1> to vector<1024x64xi1>
    %and3A_316 = arith.andi %eq3A_314, %and3A_315 : vector<1024x64xi1>
    %jit3A_317 = arith.constant 0.000000e+00 : f32
    %broadcast_in_dim3A_318 = vector.shape_cast %add3A_139 : vector<1024x1xf32> to vector<1024x1xf32>
    %broadcast_in_dim3A_319 = vector.broadcast %broadcast_in_dim3A_318 : vector<1024x1xf32> to vector<1024x64xf32>
    %broadcast_in_dim3A_320 = vector.broadcast %jit3A_317 : f32 to vector<1024x64xf32>
    %select_n3A_321 = arith.select %and3A_316, %broadcast_in_dim3A_319, %broadcast_in_dim3A_320 : vector<1024x64xi1>, vector<1024x64xf32>
    %add3A_322 = arith.addf %add3A_296, %select_n3A_321 : vector<1024x64xf32>
    %add3A_323 = arith.constant 1 : i32
    %add3A_324 = vector.broadcast %add3A_323 : i32 to vector<1024x1xi32>
    %add3A_325 = arith.addi %convert_element_type3A_51, %add3A_324 : vector<1024x1xi32>
    %ge3A_326 = arith.constant 0 : i32
    %ge3A_327 = vector.broadcast %ge3A_326 : i32 to vector<1024x1xi32>
    %ge3A_328 = arith.cmpi sge, %add3A_325, %ge3A_327 : vector<1024x1xi32>
    %lt3A_329 = arith.constant 64 : i32
    %lt3A_330 = vector.broadcast %lt3A_329 : i32 to vector<1024x1xi32>
    %lt3A_331 = arith.cmpi slt, %add3A_325, %lt3A_330 : vector<1024x1xi32>
    %and3A_332 = arith.andi %ge3A_328, %lt3A_331 : vector<1024x1xi1>
    %jit3A_333 = arith.constant 0 : i32
    %jit3A_334 = arith.constant 63 : i32
    %max3A_335 = vector.broadcast %jit3A_333 : i32 to vector<1024x1xi32>
    %max3A_336 = arith.maxsi %max3A_335, %add3A_325 : vector<1024x1xi32>
    %min3A_337 = vector.broadcast %jit3A_334 : i32 to vector<1024x1xi32>
    %min3A_338 = arith.minsi %min3A_337, %max3A_336 : vector<1024x1xi32>
    %eq3A_339 = vector.broadcast %min3A_338 : vector<1024x1xi32> to vector<1024x64xi32>
    %eq3A_340 = arith.cmpi eq, %iota3A_268, %eq3A_339 : vector<1024x64xi32>
    %and3A_341 = vector.broadcast %and3A_332 : vector<1024x1xi1> to vector<1024x64xi1>
    %and3A_342 = arith.andi %eq3A_340, %and3A_341 : vector<1024x64xi1>
    %jit3A_343 = arith.constant 0.000000e+00 : f32
    %broadcast_in_dim3A_344 = vector.shape_cast %add3A_153 : vector<1024x1xf32> to vector<1024x1xf32>
    %broadcast_in_dim3A_345 = vector.broadcast %broadcast_in_dim3A_344 : vector<1024x1xf32> to vector<1024x64xf32>
    %broadcast_in_dim3A_346 = vector.broadcast %jit3A_343 : f32 to vector<1024x64xf32>
    %select_n3A_347 = arith.select %and3A_342, %broadcast_in_dim3A_345, %broadcast_in_dim3A_346 : vector<1024x64xi1>, vector<1024x64xf32>
    %add3A_348 = arith.addf %add3A_322, %select_n3A_347 : vector<1024x64xf32>
    %add3A_349 = arith.constant 2 : i32
    %add3A_350 = vector.broadcast %add3A_349 : i32 to vector<1024x1xi32>
    %add3A_351 = arith.addi %convert_element_type3A_51, %add3A_350 : vector<1024x1xi32>
    %ge3A_352 = arith.constant 0 : i32
    %ge3A_353 = vector.broadcast %ge3A_352 : i32 to vector<1024x1xi32>
    %ge3A_354 = arith.cmpi sge, %add3A_351, %ge3A_353 : vector<1024x1xi32>
    %lt3A_355 = arith.constant 64 : i32
    %lt3A_356 = vector.broadcast %lt3A_355 : i32 to vector<1024x1xi32>
    %lt3A_357 = arith.cmpi slt, %add3A_351, %lt3A_356 : vector<1024x1xi32>
    %and3A_358 = arith.andi %ge3A_354, %lt3A_357 : vector<1024x1xi1>
    %jit3A_359 = arith.constant 0 : i32
    %jit3A_360 = arith.constant 63 : i32
    %max3A_361 = vector.broadcast %jit3A_359 : i32 to vector<1024x1xi32>
    %max3A_362 = arith.maxsi %max3A_361, %add3A_351 : vector<1024x1xi32>
    %min3A_363 = vector.broadcast %jit3A_360 : i32 to vector<1024x1xi32>
    %min3A_364 = arith.minsi %min3A_363, %max3A_362 : vector<1024x1xi32>
    %eq3A_365 = vector.broadcast %min3A_364 : vector<1024x1xi32> to vector<1024x64xi32>
    %eq3A_366 = arith.cmpi eq, %iota3A_268, %eq3A_365 : vector<1024x64xi32>
    %and3A_367 = vector.broadcast %and3A_358 : vector<1024x1xi1> to vector<1024x64xi1>
    %and3A_368 = arith.andi %eq3A_366, %and3A_367 : vector<1024x64xi1>
    %jit3A_369 = arith.constant 0.000000e+00 : f32
    %broadcast_in_dim3A_370 = vector.shape_cast %sub3A_170 : vector<1024x1xf32> to vector<1024x1xf32>
    %broadcast_in_dim3A_371 = vector.broadcast %broadcast_in_dim3A_370 : vector<1024x1xf32> to vector<1024x64xf32>
    %broadcast_in_dim3A_372 = vector.broadcast %jit3A_369 : f32 to vector<1024x64xf32>
    %select_n3A_373 = arith.select %and3A_368, %broadcast_in_dim3A_371, %broadcast_in_dim3A_372 : vector<1024x64xi1>, vector<1024x64xf32>
    %add3A_374 = arith.addf %add3A_348, %select_n3A_373 : vector<1024x64xf32>
    %broadcast_in_dim3A_375 = arith.constant 0.000000e+00 : f32
    %broadcast_in_dim3A_376 = vector.broadcast %broadcast_in_dim3A_375 : f32 to vector<1024x64xf32>
    %iota3A_377 = tpu.iota {dimensions = array<i32: 1>} : vector<64x1024xi32>
    %add3A_378 = arith.constant 0 : i32
    %add3A_379 = vector.broadcast %add3A_378 : i32 to vector<64x1024xi32>
    %add3A_380 = arith.addi %iota3A_377, %add3A_379 : vector<64x1024xi32>
    %jit3A_381 = arith.constant 64 : i32
    %div3A_382 = vector.broadcast %jit3A_381 : i32 to vector<64x1024xi32>
    %div3A_383 = arith.divsi %add3A_380, %div3A_382 : vector<64x1024xi32>
    %sign3A = arith.constant 0 : i32
    %sign3A_384 = vector.broadcast %sign3A : i32 to vector<64x1024xi32>
    %sign3A_385 = arith.cmpi sgt, %add3A_380, %sign3A_384 : vector<64x1024xi32>
    %sign3A_386 = arith.extui %sign3A_385 : vector<64x1024xi1> to vector<64x1024xi32>
    %sign3A_387 = arith.constant 0 : i32
    %sign3A_388 = vector.broadcast %sign3A_387 : i32 to vector<64x1024xi32>
    %sign3A_389 = arith.cmpi slt, %add3A_380, %sign3A_388 : vector<64x1024xi32>
    %sign3A_390 = arith.extui %sign3A_389 : vector<64x1024xi1> to vector<64x1024xi32>
    %sign3A_391 = arith.subi %sign3A_386, %sign3A_390 : vector<64x1024xi32>
    %sign3A_392 = arith.constant 0 : i32
    %sign3A_393 = arith.cmpi sgt, %jit3A_381, %sign3A_392 : i32
    %sign3A_394 = arith.extui %sign3A_393 : i1 to i32
    %sign3A_395 = arith.constant 0 : i32
    %sign3A_396 = arith.cmpi slt, %jit3A_381, %sign3A_395 : i32
    %sign3A_397 = arith.extui %sign3A_396 : i1 to i32
    %sign3A_398 = arith.subi %sign3A_394, %sign3A_397 : i32
    %ne3A = vector.broadcast %sign3A_398 : i32 to vector<64x1024xi32>
    %ne3A_399 = arith.cmpi ne, %sign3A_391, %ne3A : vector<64x1024xi32>
    %rem3A = vector.broadcast %jit3A_381 : i32 to vector<64x1024xi32>
    %rem3A_400 = arith.remsi %add3A_380, %rem3A : vector<64x1024xi32>
    %ne3A_401 = arith.constant 0 : i32
    %ne3A_402 = vector.broadcast %ne3A_401 : i32 to vector<64x1024xi32>
    %ne3A_403 = arith.cmpi ne, %rem3A_400, %ne3A_402 : vector<64x1024xi32>
    %and3A_404 = arith.andi %ne3A_399, %ne3A_403 : vector<64x1024xi1>
    %sub3A_405 = arith.constant 1 : i32
    %sub3A_406 = vector.broadcast %sub3A_405 : i32 to vector<64x1024xi32>
    %sub3A_407 = arith.subi %div3A_383, %sub3A_406 : vector<64x1024xi32>
    %select_n3A_408 = arith.select %and3A_404, %sub3A_407, %div3A_383 : vector<64x1024xi1>, vector<64x1024xi32>
    %jit3A_409 = arith.constant 64 : i32
    %eq3A_410 = arith.constant 0 : i32
    %eq3A_411 = arith.cmpi eq, %jit3A_409, %eq3A_410 : i32
    %jit3A_412 = arith.constant 1 : i32
    %select_n3A_413 = arith.select %eq3A_411, %jit3A_412, %jit3A_409 : i32
    %rem3A_414 = vector.broadcast %select_n3A_413 : i32 to vector<64x1024xi32>
    %rem3A_415 = arith.remsi %add3A_380, %rem3A_414 : vector<64x1024xi32>
    %ne3A_416 = arith.constant 0 : i32
    %ne3A_417 = vector.broadcast %ne3A_416 : i32 to vector<64x1024xi32>
    %ne3A_418 = arith.cmpi ne, %rem3A_415, %ne3A_417 : vector<64x1024xi32>
    %lt3A_419 = arith.constant 0 : i32
    %lt3A_420 = vector.broadcast %lt3A_419 : i32 to vector<64x1024xi32>
    %lt3A_421 = arith.cmpi slt, %rem3A_415, %lt3A_420 : vector<64x1024xi32>
    %lt3A_422 = arith.constant 0 : i32
    %lt3A_423 = arith.cmpi slt, %select_n3A_413, %lt3A_422 : i32
    %ne3A_424 = vector.broadcast %lt3A_423 : i1 to vector<64x1024xi1>
    %ne3A_425 = vector.broadcast %ne3A_424 : vector<64x1024xi1> to vector<64x1024xi1>
    %ne3A_426 = arith.xori %lt3A_421, %ne3A_425 : vector<64x1024xi1>
    %and3A_427 = arith.andi %ne3A_426, %ne3A_418 : vector<64x1024xi1>
    %add3A_428 = vector.broadcast %select_n3A_413 : i32 to vector<64x1024xi32>
    %add3A_429 = arith.addi %rem3A_415, %add3A_428 : vector<64x1024xi32>
    %select_n3A_430 = arith.select %and3A_427, %add3A_429, %rem3A_415 : vector<64x1024xi1>, vector<64x1024xi32>
    %iota3A_431 = tpu.iota {dimensions = array<i32: 0>} : vector<64x1024xi32>
    %eq3A_432 = arith.cmpi eq, %select_n3A_408, %iota3A_431 : vector<64x1024xi32>
    %jit3A_433 = arith.constant 1.000000e+00 : f32
    %jit3A_434 = arith.constant 0.000000e+00 : f32
    %broadcast_in_dim3A_435 = vector.broadcast %jit3A_433 : f32 to vector<64x1024xf32>
    %broadcast_in_dim3A_436 = vector.broadcast %jit3A_434 : f32 to vector<64x1024xf32>
    %select_n3A_437 = arith.select %eq3A_432, %broadcast_in_dim3A_435, %broadcast_in_dim3A_436 : vector<64x1024xi1>, vector<64x1024xf32>
    %eq3A_438 = arith.cmpi eq, %select_n3A_430, %iota3A_431 : vector<64x1024xi32>
    %jit3A_439 = arith.constant 1.000000e+00 : f32
    %jit3A_440 = arith.constant 0.000000e+00 : f32
    %broadcast_in_dim3A_441 = vector.broadcast %jit3A_439 : f32 to vector<64x1024xf32>
    %broadcast_in_dim3A_442 = vector.broadcast %jit3A_440 : f32 to vector<64x1024xf32>
    %select_n3A_443 = arith.select %eq3A_438, %broadcast_in_dim3A_441, %broadcast_in_dim3A_442 : vector<64x1024xi1>, vector<64x1024xf32>
    %dot_general3A = arith.constant dense<0.000000e+00> : vector<1024x1024xf32>
    %dot_general3A_444 = tpu.matmul %add3A_374, %select_n3A_437, %dot_general3A {dimension_numbers = #tpu.dot_dimension_numbers<[1], [0], [0], [1], [0, 0, 1, 1], [], []>, precision = #tpu.contract_precision<fp32>, transpose_lhs_hint = false} : vector<1024x64xf32>, vector<64x1024xf32>, vector<1024x1024xf32> -> vector<1024x1024xf32>
    %dot_general3A_445 = arith.constant dense<0.000000e+00> : vector<1024x1024xf32>
    %dot_general3A_446 = tpu.matmul %add3A_267, %select_n3A_443, %dot_general3A_445 {dimension_numbers = #tpu.dot_dimension_numbers<[1], [0], [0], [1], [0, 0, 1, 1], [], []>, precision = #tpu.contract_precision<fp32>, transpose_lhs_hint = false} : vector<1024x64xf32>, vector<64x1024xf32>, vector<1024x1024xf32> -> vector<1024x1024xf32>
    %mul3A_447 = arith.mulf %dot_general3A_444, %dot_general3A_446 : vector<1024x1024xf32>
    %get3A_448 = arith.constant 0 : index
    %get3A_449 = arith.constant 0 : index
    %get3A_450 = arith.constant 0 : index
    %get3A_451 = vector.load %arg3[%get3A_448, %get3A_449, %get3A_450] : memref<1x64x4096xf32, #tpu.memory_space<vmem>>, vector<1x64x1024xf32>
    %get3A_452 = vector.shape_cast %get3A_451 : vector<1x64x1024xf32> to vector<64x1024xf32>
    %dot_general3A_453 = arith.constant dense<0.000000e+00> : vector<1024x64xf32>
    %dot_general3A_454 = tpu.matmul %mul3A_447, %get3A_452, %dot_general3A_453 {dimension_numbers = #tpu.dot_dimension_numbers<[1], [1], [0], [0], [0, 0, 1, 0], [], []>, precision = #tpu.contract_precision<fp32>, transpose_lhs_hint = false} : vector<1024x1024xf32>, vector<64x1024xf32>, vector<1024x64xf32> -> vector<1024x64xf32>
    %add3A_455 = arith.addf %broadcast_in_dim3A_376, %dot_general3A_454 : vector<1024x64xf32>
    %iota3A_456 = tpu.iota {dimensions = array<i32: 1>} : vector<64x1024xi32>
    %add3A_457 = arith.constant 1024 : i32
    %add3A_458 = vector.broadcast %add3A_457 : i32 to vector<64x1024xi32>
    %add3A_459 = arith.addi %iota3A_456, %add3A_458 : vector<64x1024xi32>
    %jit3A_460 = arith.constant 64 : i32
    %div3A_461 = vector.broadcast %jit3A_460 : i32 to vector<64x1024xi32>
    %div3A_462 = arith.divsi %add3A_459, %div3A_461 : vector<64x1024xi32>
    %sign3A_463 = arith.constant 0 : i32
    %sign3A_464 = vector.broadcast %sign3A_463 : i32 to vector<64x1024xi32>
    %sign3A_465 = arith.cmpi sgt, %add3A_459, %sign3A_464 : vector<64x1024xi32>
    %sign3A_466 = arith.extui %sign3A_465 : vector<64x1024xi1> to vector<64x1024xi32>
    %sign3A_467 = arith.constant 0 : i32
    %sign3A_468 = vector.broadcast %sign3A_467 : i32 to vector<64x1024xi32>
    %sign3A_469 = arith.cmpi slt, %add3A_459, %sign3A_468 : vector<64x1024xi32>
    %sign3A_470 = arith.extui %sign3A_469 : vector<64x1024xi1> to vector<64x1024xi32>
    %sign3A_471 = arith.subi %sign3A_466, %sign3A_470 : vector<64x1024xi32>
    %sign3A_472 = arith.constant 0 : i32
    %sign3A_473 = arith.cmpi sgt, %jit3A_460, %sign3A_472 : i32
    %sign3A_474 = arith.extui %sign3A_473 : i1 to i32
    %sign3A_475 = arith.constant 0 : i32
    %sign3A_476 = arith.cmpi slt, %jit3A_460, %sign3A_475 : i32
    %sign3A_477 = arith.extui %sign3A_476 : i1 to i32
    %sign3A_478 = arith.subi %sign3A_474, %sign3A_477 : i32
    %ne3A_479 = vector.broadcast %sign3A_478 : i32 to vector<64x1024xi32>
    %ne3A_480 = arith.cmpi ne, %sign3A_471, %ne3A_479 : vector<64x1024xi32>
    %rem3A_481 = vector.broadcast %jit3A_460 : i32 to vector<64x1024xi32>
    %rem3A_482 = arith.remsi %add3A_459, %rem3A_481 : vector<64x1024xi32>
    %ne3A_483 = arith.constant 0 : i32
    %ne3A_484 = vector.broadcast %ne3A_483 : i32 to vector<64x1024xi32>
    %ne3A_485 = arith.cmpi ne, %rem3A_482, %ne3A_484 : vector<64x1024xi32>
    %and3A_486 = arith.andi %ne3A_480, %ne3A_485 : vector<64x1024xi1>
    %sub3A_487 = arith.constant 1 : i32
    %sub3A_488 = vector.broadcast %sub3A_487 : i32 to vector<64x1024xi32>
    %sub3A_489 = arith.subi %div3A_462, %sub3A_488 : vector<64x1024xi32>
    %select_n3A_490 = arith.select %and3A_486, %sub3A_489, %div3A_462 : vector<64x1024xi1>, vector<64x1024xi32>
    %jit3A_491 = arith.constant 64 : i32
    %eq3A_492 = arith.constant 0 : i32
    %eq3A_493 = arith.cmpi eq, %jit3A_491, %eq3A_492 : i32
    %jit3A_494 = arith.constant 1 : i32
    %select_n3A_495 = arith.select %eq3A_493, %jit3A_494, %jit3A_491 : i32
    %rem3A_496 = vector.broadcast %select_n3A_495 : i32 to vector<64x1024xi32>
    %rem3A_497 = arith.remsi %add3A_459, %rem3A_496 : vector<64x1024xi32>
    %ne3A_498 = arith.constant 0 : i32
    %ne3A_499 = vector.broadcast %ne3A_498 : i32 to vector<64x1024xi32>
    %ne3A_500 = arith.cmpi ne, %rem3A_497, %ne3A_499 : vector<64x1024xi32>
    %lt3A_501 = arith.constant 0 : i32
    %lt3A_502 = vector.broadcast %lt3A_501 : i32 to vector<64x1024xi32>
    %lt3A_503 = arith.cmpi slt, %rem3A_497, %lt3A_502 : vector<64x1024xi32>
    %lt3A_504 = arith.constant 0 : i32
    %lt3A_505 = arith.cmpi slt, %select_n3A_495, %lt3A_504 : i32
    %ne3A_506 = vector.broadcast %lt3A_505 : i1 to vector<64x1024xi1>
    %ne3A_507 = vector.broadcast %ne3A_506 : vector<64x1024xi1> to vector<64x1024xi1>
    %ne3A_508 = arith.xori %lt3A_503, %ne3A_507 : vector<64x1024xi1>
    %and3A_509 = arith.andi %ne3A_508, %ne3A_500 : vector<64x1024xi1>
    %add3A_510 = vector.broadcast %select_n3A_495 : i32 to vector<64x1024xi32>
    %add3A_511 = arith.addi %rem3A_497, %add3A_510 : vector<64x1024xi32>
    %select_n3A_512 = arith.select %and3A_509, %add3A_511, %rem3A_497 : vector<64x1024xi1>, vector<64x1024xi32>
    %iota3A_513 = tpu.iota {dimensions = array<i32: 0>} : vector<64x1024xi32>
    %eq3A_514 = arith.cmpi eq, %select_n3A_490, %iota3A_513 : vector<64x1024xi32>
    %jit3A_515 = arith.constant 1.000000e+00 : f32
    %jit3A_516 = arith.constant 0.000000e+00 : f32
    %broadcast_in_dim3A_517 = vector.broadcast %jit3A_515 : f32 to vector<64x1024xf32>
    %broadcast_in_dim3A_518 = vector.broadcast %jit3A_516 : f32 to vector<64x1024xf32>
    %select_n3A_519 = arith.select %eq3A_514, %broadcast_in_dim3A_517, %broadcast_in_dim3A_518 : vector<64x1024xi1>, vector<64x1024xf32>
    %eq3A_520 = arith.cmpi eq, %select_n3A_512, %iota3A_513 : vector<64x1024xi32>
    %jit3A_521 = arith.constant 1.000000e+00 : f32
    %jit3A_522 = arith.constant 0.000000e+00 : f32
    %broadcast_in_dim3A_523 = vector.broadcast %jit3A_521 : f32 to vector<64x1024xf32>
    %broadcast_in_dim3A_524 = vector.broadcast %jit3A_522 : f32 to vector<64x1024xf32>
    %select_n3A_525 = arith.select %eq3A_520, %broadcast_in_dim3A_523, %broadcast_in_dim3A_524 : vector<64x1024xi1>, vector<64x1024xf32>
    %dot_general3A_526 = arith.constant dense<0.000000e+00> : vector<1024x1024xf32>
    %dot_general3A_527 = tpu.matmul %add3A_374, %select_n3A_519, %dot_general3A_526 {dimension_numbers = #tpu.dot_dimension_numbers<[1], [0], [0], [1], [0, 0, 1, 1], [], []>, precision = #tpu.contract_precision<fp32>, transpose_lhs_hint = false} : vector<1024x64xf32>, vector<64x1024xf32>, vector<1024x1024xf32> -> vector<1024x1024xf32>
    %dot_general3A_528 = arith.constant dense<0.000000e+00> : vector<1024x1024xf32>
    %dot_general3A_529 = tpu.matmul %add3A_267, %select_n3A_525, %dot_general3A_528 {dimension_numbers = #tpu.dot_dimension_numbers<[1], [0], [0], [1], [0, 0, 1, 1], [], []>, precision = #tpu.contract_precision<fp32>, transpose_lhs_hint = false} : vector<1024x64xf32>, vector<64x1024xf32>, vector<1024x1024xf32> -> vector<1024x1024xf32>
    %mul3A_530 = arith.mulf %dot_general3A_527, %dot_general3A_529 : vector<1024x1024xf32>
    %get3A_531 = arith.constant 0 : index
    %get3A_532 = arith.constant 0 : index
    %get3A_533 = arith.constant 1024 : index
    %get3A_534 = vector.load %arg3[%get3A_531, %get3A_532, %get3A_533] : memref<1x64x4096xf32, #tpu.memory_space<vmem>>, vector<1x64x1024xf32>
    %get3A_535 = vector.shape_cast %get3A_534 : vector<1x64x1024xf32> to vector<64x1024xf32>
    %dot_general3A_536 = arith.constant dense<0.000000e+00> : vector<1024x64xf32>
    %dot_general3A_537 = tpu.matmul %mul3A_530, %get3A_535, %dot_general3A_536 {dimension_numbers = #tpu.dot_dimension_numbers<[1], [1], [0], [0], [0, 0, 1, 0], [], []>, precision = #tpu.contract_precision<fp32>, transpose_lhs_hint = false} : vector<1024x1024xf32>, vector<64x1024xf32>, vector<1024x64xf32> -> vector<1024x64xf32>
    %add3A_538 = arith.addf %add3A_455, %dot_general3A_537 : vector<1024x64xf32>
    %iota3A_539 = tpu.iota {dimensions = array<i32: 1>} : vector<64x1024xi32>
    %add3A_540 = arith.constant 2048 : i32
    %add3A_541 = vector.broadcast %add3A_540 : i32 to vector<64x1024xi32>
    %add3A_542 = arith.addi %iota3A_539, %add3A_541 : vector<64x1024xi32>
    %jit3A_543 = arith.constant 64 : i32
    %div3A_544 = vector.broadcast %jit3A_543 : i32 to vector<64x1024xi32>
    %div3A_545 = arith.divsi %add3A_542, %div3A_544 : vector<64x1024xi32>
    %sign3A_546 = arith.constant 0 : i32
    %sign3A_547 = vector.broadcast %sign3A_546 : i32 to vector<64x1024xi32>
    %sign3A_548 = arith.cmpi sgt, %add3A_542, %sign3A_547 : vector<64x1024xi32>
    %sign3A_549 = arith.extui %sign3A_548 : vector<64x1024xi1> to vector<64x1024xi32>
    %sign3A_550 = arith.constant 0 : i32
    %sign3A_551 = vector.broadcast %sign3A_550 : i32 to vector<64x1024xi32>
    %sign3A_552 = arith.cmpi slt, %add3A_542, %sign3A_551 : vector<64x1024xi32>
    %sign3A_553 = arith.extui %sign3A_552 : vector<64x1024xi1> to vector<64x1024xi32>
    %sign3A_554 = arith.subi %sign3A_549, %sign3A_553 : vector<64x1024xi32>
    %sign3A_555 = arith.constant 0 : i32
    %sign3A_556 = arith.cmpi sgt, %jit3A_543, %sign3A_555 : i32
    %sign3A_557 = arith.extui %sign3A_556 : i1 to i32
    %sign3A_558 = arith.constant 0 : i32
    %sign3A_559 = arith.cmpi slt, %jit3A_543, %sign3A_558 : i32
    %sign3A_560 = arith.extui %sign3A_559 : i1 to i32
    %sign3A_561 = arith.subi %sign3A_557, %sign3A_560 : i32
    %ne3A_562 = vector.broadcast %sign3A_561 : i32 to vector<64x1024xi32>
    %ne3A_563 = arith.cmpi ne, %sign3A_554, %ne3A_562 : vector<64x1024xi32>
    %rem3A_564 = vector.broadcast %jit3A_543 : i32 to vector<64x1024xi32>
    %rem3A_565 = arith.remsi %add3A_542, %rem3A_564 : vector<64x1024xi32>
    %ne3A_566 = arith.constant 0 : i32
    %ne3A_567 = vector.broadcast %ne3A_566 : i32 to vector<64x1024xi32>
    %ne3A_568 = arith.cmpi ne, %rem3A_565, %ne3A_567 : vector<64x1024xi32>
    %and3A_569 = arith.andi %ne3A_563, %ne3A_568 : vector<64x1024xi1>
    %sub3A_570 = arith.constant 1 : i32
    %sub3A_571 = vector.broadcast %sub3A_570 : i32 to vector<64x1024xi32>
    %sub3A_572 = arith.subi %div3A_545, %sub3A_571 : vector<64x1024xi32>
    %select_n3A_573 = arith.select %and3A_569, %sub3A_572, %div3A_545 : vector<64x1024xi1>, vector<64x1024xi32>
    %jit3A_574 = arith.constant 64 : i32
    %eq3A_575 = arith.constant 0 : i32
    %eq3A_576 = arith.cmpi eq, %jit3A_574, %eq3A_575 : i32
    %jit3A_577 = arith.constant 1 : i32
    %select_n3A_578 = arith.select %eq3A_576, %jit3A_577, %jit3A_574 : i32
    %rem3A_579 = vector.broadcast %select_n3A_578 : i32 to vector<64x1024xi32>
    %rem3A_580 = arith.remsi %add3A_542, %rem3A_579 : vector<64x1024xi32>
    %ne3A_581 = arith.constant 0 : i32
    %ne3A_582 = vector.broadcast %ne3A_581 : i32 to vector<64x1024xi32>
    %ne3A_583 = arith.cmpi ne, %rem3A_580, %ne3A_582 : vector<64x1024xi32>
    %lt3A_584 = arith.constant 0 : i32
    %lt3A_585 = vector.broadcast %lt3A_584 : i32 to vector<64x1024xi32>
    %lt3A_586 = arith.cmpi slt, %rem3A_580, %lt3A_585 : vector<64x1024xi32>
    %lt3A_587 = arith.constant 0 : i32
    %lt3A_588 = arith.cmpi slt, %select_n3A_578, %lt3A_587 : i32
    %ne3A_589 = vector.broadcast %lt3A_588 : i1 to vector<64x1024xi1>
    %ne3A_590 = vector.broadcast %ne3A_589 : vector<64x1024xi1> to vector<64x1024xi1>
    %ne3A_591 = arith.xori %lt3A_586, %ne3A_590 : vector<64x1024xi1>
    %and3A_592 = arith.andi %ne3A_591, %ne3A_583 : vector<64x1024xi1>
    %add3A_593 = vector.broadcast %select_n3A_578 : i32 to vector<64x1024xi32>
    %add3A_594 = arith.addi %rem3A_580, %add3A_593 : vector<64x1024xi32>
    %select_n3A_595 = arith.select %and3A_592, %add3A_594, %rem3A_580 : vector<64x1024xi1>, vector<64x1024xi32>
    %iota3A_596 = tpu.iota {dimensions = array<i32: 0>} : vector<64x1024xi32>
    %eq3A_597 = arith.cmpi eq, %select_n3A_573, %iota3A_596 : vector<64x1024xi32>
    %jit3A_598 = arith.constant 1.000000e+00 : f32
    %jit3A_599 = arith.constant 0.000000e+00 : f32
    %broadcast_in_dim3A_600 = vector.broadcast %jit3A_598 : f32 to vector<64x1024xf32>
    %broadcast_in_dim3A_601 = vector.broadcast %jit3A_599 : f32 to vector<64x1024xf32>
    %select_n3A_602 = arith.select %eq3A_597, %broadcast_in_dim3A_600, %broadcast_in_dim3A_601 : vector<64x1024xi1>, vector<64x1024xf32>
    %eq3A_603 = arith.cmpi eq, %select_n3A_595, %iota3A_596 : vector<64x1024xi32>
    %jit3A_604 = arith.constant 1.000000e+00 : f32
    %jit3A_605 = arith.constant 0.000000e+00 : f32
    %broadcast_in_dim3A_606 = vector.broadcast %jit3A_604 : f32 to vector<64x1024xf32>
    %broadcast_in_dim3A_607 = vector.broadcast %jit3A_605 : f32 to vector<64x1024xf32>
    %select_n3A_608 = arith.select %eq3A_603, %broadcast_in_dim3A_606, %broadcast_in_dim3A_607 : vector<64x1024xi1>, vector<64x1024xf32>
    %dot_general3A_609 = arith.constant dense<0.000000e+00> : vector<1024x1024xf32>
    %dot_general3A_610 = tpu.matmul %add3A_374, %select_n3A_602, %dot_general3A_609 {dimension_numbers = #tpu.dot_dimension_numbers<[1], [0], [0], [1], [0, 0, 1, 1], [], []>, precision = #tpu.contract_precision<fp32>, transpose_lhs_hint = false} : vector<1024x64xf32>, vector<64x1024xf32>, vector<1024x1024xf32> -> vector<1024x1024xf32>
    %dot_general3A_611 = arith.constant dense<0.000000e+00> : vector<1024x1024xf32>
    %dot_general3A_612 = tpu.matmul %add3A_267, %select_n3A_608, %dot_general3A_611 {dimension_numbers = #tpu.dot_dimension_numbers<[1], [0], [0], [1], [0, 0, 1, 1], [], []>, precision = #tpu.contract_precision<fp32>, transpose_lhs_hint = false} : vector<1024x64xf32>, vector<64x1024xf32>, vector<1024x1024xf32> -> vector<1024x1024xf32>
    %mul3A_613 = arith.mulf %dot_general3A_610, %dot_general3A_612 : vector<1024x1024xf32>
    %get3A_614 = arith.constant 0 : index
    %get3A_615 = arith.constant 0 : index
    %get3A_616 = arith.constant 2048 : index
    %get3A_617 = vector.load %arg3[%get3A_614, %get3A_615, %get3A_616] : memref<1x64x4096xf32, #tpu.memory_space<vmem>>, vector<1x64x1024xf32>
    %get3A_618 = vector.shape_cast %get3A_617 : vector<1x64x1024xf32> to vector<64x1024xf32>
    %dot_general3A_619 = arith.constant dense<0.000000e+00> : vector<1024x64xf32>
    %dot_general3A_620 = tpu.matmul %mul3A_613, %get3A_618, %dot_general3A_619 {dimension_numbers = #tpu.dot_dimension_numbers<[1], [1], [0], [0], [0, 0, 1, 0], [], []>, precision = #tpu.contract_precision<fp32>, transpose_lhs_hint = false} : vector<1024x1024xf32>, vector<64x1024xf32>, vector<1024x64xf32> -> vector<1024x64xf32>
    %add3A_621 = arith.addf %add3A_538, %dot_general3A_620 : vector<1024x64xf32>
    %iota3A_622 = tpu.iota {dimensions = array<i32: 1>} : vector<64x1024xi32>
    %add3A_623 = arith.constant 3072 : i32
    %add3A_624 = vector.broadcast %add3A_623 : i32 to vector<64x1024xi32>
    %add3A_625 = arith.addi %iota3A_622, %add3A_624 : vector<64x1024xi32>
    %jit3A_626 = arith.constant 64 : i32
    %div3A_627 = vector.broadcast %jit3A_626 : i32 to vector<64x1024xi32>
    %div3A_628 = arith.divsi %add3A_625, %div3A_627 : vector<64x1024xi32>
    %sign3A_629 = arith.constant 0 : i32
    %sign3A_630 = vector.broadcast %sign3A_629 : i32 to vector<64x1024xi32>
    %sign3A_631 = arith.cmpi sgt, %add3A_625, %sign3A_630 : vector<64x1024xi32>
    %sign3A_632 = arith.extui %sign3A_631 : vector<64x1024xi1> to vector<64x1024xi32>
    %sign3A_633 = arith.constant 0 : i32
    %sign3A_634 = vector.broadcast %sign3A_633 : i32 to vector<64x1024xi32>
    %sign3A_635 = arith.cmpi slt, %add3A_625, %sign3A_634 : vector<64x1024xi32>
    %sign3A_636 = arith.extui %sign3A_635 : vector<64x1024xi1> to vector<64x1024xi32>
    %sign3A_637 = arith.subi %sign3A_632, %sign3A_636 : vector<64x1024xi32>
    %sign3A_638 = arith.constant 0 : i32
    %sign3A_639 = arith.cmpi sgt, %jit3A_626, %sign3A_638 : i32
    %sign3A_640 = arith.extui %sign3A_639 : i1 to i32
    %sign3A_641 = arith.constant 0 : i32
    %sign3A_642 = arith.cmpi slt, %jit3A_626, %sign3A_641 : i32
    %sign3A_643 = arith.extui %sign3A_642 : i1 to i32
    %sign3A_644 = arith.subi %sign3A_640, %sign3A_643 : i32
    %ne3A_645 = vector.broadcast %sign3A_644 : i32 to vector<64x1024xi32>
    %ne3A_646 = arith.cmpi ne, %sign3A_637, %ne3A_645 : vector<64x1024xi32>
    %rem3A_647 = vector.broadcast %jit3A_626 : i32 to vector<64x1024xi32>
    %rem3A_648 = arith.remsi %add3A_625, %rem3A_647 : vector<64x1024xi32>
    %ne3A_649 = arith.constant 0 : i32
    %ne3A_650 = vector.broadcast %ne3A_649 : i32 to vector<64x1024xi32>
    %ne3A_651 = arith.cmpi ne, %rem3A_648, %ne3A_650 : vector<64x1024xi32>
    %and3A_652 = arith.andi %ne3A_646, %ne3A_651 : vector<64x1024xi1>
    %sub3A_653 = arith.constant 1 : i32
    %sub3A_654 = vector.broadcast %sub3A_653 : i32 to vector<64x1024xi32>
    %sub3A_655 = arith.subi %div3A_628, %sub3A_654 : vector<64x1024xi32>
    %select_n3A_656 = arith.select %and3A_652, %sub3A_655, %div3A_628 : vector<64x1024xi1>, vector<64x1024xi32>
    %jit3A_657 = arith.constant 64 : i32
    %eq3A_658 = arith.constant 0 : i32
    %eq3A_659 = arith.cmpi eq, %jit3A_657, %eq3A_658 : i32
    %jit3A_660 = arith.constant 1 : i32
    %select_n3A_661 = arith.select %eq3A_659, %jit3A_660, %jit3A_657 : i32
    %rem3A_662 = vector.broadcast %select_n3A_661 : i32 to vector<64x1024xi32>
    %rem3A_663 = arith.remsi %add3A_625, %rem3A_662 : vector<64x1024xi32>
    %ne3A_664 = arith.constant 0 : i32
    %ne3A_665 = vector.broadcast %ne3A_664 : i32 to vector<64x1024xi32>
    %ne3A_666 = arith.cmpi ne, %rem3A_663, %ne3A_665 : vector<64x1024xi32>
    %lt3A_667 = arith.constant 0 : i32
    %lt3A_668 = vector.broadcast %lt3A_667 : i32 to vector<64x1024xi32>
    %lt3A_669 = arith.cmpi slt, %rem3A_663, %lt3A_668 : vector<64x1024xi32>
    %lt3A_670 = arith.constant 0 : i32
    %lt3A_671 = arith.cmpi slt, %select_n3A_661, %lt3A_670 : i32
    %ne3A_672 = vector.broadcast %lt3A_671 : i1 to vector<64x1024xi1>
    %ne3A_673 = vector.broadcast %ne3A_672 : vector<64x1024xi1> to vector<64x1024xi1>
    %ne3A_674 = arith.xori %lt3A_669, %ne3A_673 : vector<64x1024xi1>
    %and3A_675 = arith.andi %ne3A_674, %ne3A_666 : vector<64x1024xi1>
    %add3A_676 = vector.broadcast %select_n3A_661 : i32 to vector<64x1024xi32>
    %add3A_677 = arith.addi %rem3A_663, %add3A_676 : vector<64x1024xi32>
    %select_n3A_678 = arith.select %and3A_675, %add3A_677, %rem3A_663 : vector<64x1024xi1>, vector<64x1024xi32>
    %iota3A_679 = tpu.iota {dimensions = array<i32: 0>} : vector<64x1024xi32>
    %eq3A_680 = arith.cmpi eq, %select_n3A_656, %iota3A_679 : vector<64x1024xi32>
    %jit3A_681 = arith.constant 1.000000e+00 : f32
    %jit3A_682 = arith.constant 0.000000e+00 : f32
    %broadcast_in_dim3A_683 = vector.broadcast %jit3A_681 : f32 to vector<64x1024xf32>
    %broadcast_in_dim3A_684 = vector.broadcast %jit3A_682 : f32 to vector<64x1024xf32>
    %select_n3A_685 = arith.select %eq3A_680, %broadcast_in_dim3A_683, %broadcast_in_dim3A_684 : vector<64x1024xi1>, vector<64x1024xf32>
    %eq3A_686 = arith.cmpi eq, %select_n3A_678, %iota3A_679 : vector<64x1024xi32>
    %jit3A_687 = arith.constant 1.000000e+00 : f32
    %jit3A_688 = arith.constant 0.000000e+00 : f32
    %broadcast_in_dim3A_689 = vector.broadcast %jit3A_687 : f32 to vector<64x1024xf32>
    %broadcast_in_dim3A_690 = vector.broadcast %jit3A_688 : f32 to vector<64x1024xf32>
    %select_n3A_691 = arith.select %eq3A_686, %broadcast_in_dim3A_689, %broadcast_in_dim3A_690 : vector<64x1024xi1>, vector<64x1024xf32>
    %dot_general3A_692 = arith.constant dense<0.000000e+00> : vector<1024x1024xf32>
    %dot_general3A_693 = tpu.matmul %add3A_374, %select_n3A_685, %dot_general3A_692 {dimension_numbers = #tpu.dot_dimension_numbers<[1], [0], [0], [1], [0, 0, 1, 1], [], []>, precision = #tpu.contract_precision<fp32>, transpose_lhs_hint = false} : vector<1024x64xf32>, vector<64x1024xf32>, vector<1024x1024xf32> -> vector<1024x1024xf32>
    %dot_general3A_694 = arith.constant dense<0.000000e+00> : vector<1024x1024xf32>
    %dot_general3A_695 = tpu.matmul %add3A_267, %select_n3A_691, %dot_general3A_694 {dimension_numbers = #tpu.dot_dimension_numbers<[1], [0], [0], [1], [0, 0, 1, 1], [], []>, precision = #tpu.contract_precision<fp32>, transpose_lhs_hint = false} : vector<1024x64xf32>, vector<64x1024xf32>, vector<1024x1024xf32> -> vector<1024x1024xf32>
    %mul3A_696 = arith.mulf %dot_general3A_693, %dot_general3A_695 : vector<1024x1024xf32>
    %get3A_697 = arith.constant 0 : index
    %get3A_698 = arith.constant 0 : index
    %get3A_699 = arith.constant 3072 : index
    %get3A_700 = vector.load %arg3[%get3A_697, %get3A_698, %get3A_699] : memref<1x64x4096xf32, #tpu.memory_space<vmem>>, vector<1x64x1024xf32>
    %get3A_701 = vector.shape_cast %get3A_700 : vector<1x64x1024xf32> to vector<64x1024xf32>
    %dot_general3A_702 = arith.constant dense<0.000000e+00> : vector<1024x64xf32>
    %dot_general3A_703 = tpu.matmul %mul3A_696, %get3A_701, %dot_general3A_702 {dimension_numbers = #tpu.dot_dimension_numbers<[1], [1], [0], [0], [0, 0, 1, 0], [], []>, precision = #tpu.contract_precision<fp32>, transpose_lhs_hint = false} : vector<1024x1024xf32>, vector<64x1024xf32>, vector<1024x64xf32> -> vector<1024x64xf32>
    %add3A_704 = arith.addf %add3A_621, %dot_general3A_703 : vector<1024x64xf32>
    %mul3A_705 = arith.mulf %add3A_704, %add3A_704 : vector<1024x64xf32>
    %reduce_sum3A = arith.constant dense<0.000000e+00> : vector<1024xf32>
    %reduce_sum3A_706 = vector.multi_reduction <add>, %mul3A_705, %reduce_sum3A [1] : vector<1024x64xf32> to vector<1024xf32>
    %broadcast_in_dim3A_707 = vector.shape_cast %reduce_sum3A_706 : vector<1024xf32> to vector<1024x1xf32>
    %sqrt3A = math.sqrt %broadcast_in_dim3A_707 : vector<1024x1xf32>
    %max3A_708 = arith.constant 9.99999996E-13 : f32
    %max3A_709 = vector.broadcast %max3A_708 : f32 to vector<1024x1xf32>
    %max3A_710 = arith.maximumf %sqrt3A, %max3A_709 : vector<1024x1xf32>
    %div3A_711 = vector.broadcast %max3A_710 : vector<1024x1xf32> to vector<1024x64xf32>
    %div3A_712 = arith.divf %add3A_704, %div3A_711 : vector<1024x64xf32>
    %swap3A = arith.constant 0 : index
    %swap3A_713 = arith.constant 0 : index
    %swap3A_714 = arith.constant 0 : index
    %swap3A_715 = vector.load %arg4[%swap3A, %swap3A_713, %swap3A_714] : memref<1x1024x64xf32, #tpu.memory_space<vmem>>, vector<1x1024x64xf32>
    %swap3A_716 = vector.shape_cast %swap3A_715 : vector<1x1024x64xf32> to vector<1024x64xf32>
    %swap3A_717 = vector.shape_cast %div3A_712 : vector<1024x64xf32> to vector<1x1024x64xf32>
    tpu.vector_store %arg4[%swap3A, %swap3A_713, %swap3A_714], %swap3A_717 {strides = array<i32>} : memref<1x1024x64xf32, #tpu.memory_space<vmem>>, vector<1x1024x64xf32>,
    return
  }
  func.func @transform_0(%arg0: i32) -> (i32, i32, i32) {
    %c0_i32 = arith.constant 0 : i32
    %c0_i32_0 = arith.constant 0 : i32
    %c0_i32_1 = arith.constant 0 : i32
    return %arg0, %c0_i32, %c0_i32_0 : i32, i32, i32
  }
  func.func @transform_1(%arg0: i32) -> (i32, i32, i32) {
    %c0_i32 = arith.constant 0 : i32
    %c0_i32_0 = arith.constant 0 : i32
    %c0_i32_1 = arith.constant 0 : i32
    return %arg0, %c0_i32, %c0_i32_0 : i32, i32, i32
  }
  func.func @transform_2(%arg0: i32) -> (i32, i32, i32) {
    %c0_i32 = arith.constant 0 : i32
    %c0_i32_0 = arith.constant 0 : i32
    %c0_i32_1 = arith.constant 0 : i32
    return %arg0, %c0_i32, %c0_i32_0 : i32, i32, i32
  }
  func.func @transform_3(%arg0: i32) -> (i32, i32, i32) {
    %c0_i32 = arith.constant 0 : i32
    %c0_i32_0 = arith.constant 0 : i32
    %c0_i32_1 = arith.constant 0 : i32
    return %arg0, %c0_i32, %c0_i32_0 : i32, i32, i32
  }
}

</mosaic_0001>

<sc_bundles>
// kernel: gather_offload_async_start.1
scs
__scs_entry_jumppad:
0x0: {  	(pc) =	sbr.rel $0x88, $3  }
0x1: {  	(tag) =	ssettag $0x0;
	lr =	simm.s32 $0x1  }
0x2: {  	[smem:$0x3F79] =	sst lr;
	_ =	strace $0xD0000000  }
0x3: {  	_ = 	snop  }
0x4: {  	_ = 	snop  }
0x5: {  	_ = 	snop  }
0x6: {  	_ = 	snop  }
0x7: {  	_ = 	snop  }
__scs_overlays_trampoline_lowered:
0x8: {  	[smem:$0x3F88] =	sst s0  }
0x9: {  	[smem:$0x3F89] =	sst s1  }
0xa: {  	[smem:$0x3F8A] =	sst s2  }
0xb: {  	[smem:$0x3F8B] =	sst s3  }
0xc: {  	[smem:$0x3F8C] =	sst s4  }
0xd: {  	[smem:$0x3F8D] =	sst s5  }
0xe: {  	[smem:$0x3F8E] =	sst s6  }
0xf: {  	[smem:$0x3F8F] =	sst s7  }
0x10: {  	[smem:$0x3F90] =	sst s8  }
0x11: {  	[smem:$0x3F91] =	sst s9;
	s0 =	simm.s32 @!p0 $0x0  }
0x12: {  	s1 =	sld [smem:$0x3F77];
	s0 =	simm.s32 @p0 $0x1  }
0x13: {  	[smem:$0x3F92] =	sst s0;
	s0 =	simm.s32 @!p1 $0x0  }
0x14: {  	s2 =	sld [smem:$0x3F76];
	s0 =	simm.s32 @p1 $0x1  }
0x15: {  	[smem:$0x3F93] =	sst s0;
	s0 =	simm.s32 @!p2 $0x0  }
0x16: {  	s3 =	sld [smem:$0x3FDB];
	s0 =	simm.s32 @p2 $0x1  }
0x17: {  	s4 =	simm.s32 $0x1BF5;
	[smem:$0x3F95] =	sst s0  }
0x18: {  	s0 =	sld [smem:$0x3F78];
	_ =	swait.ge [sflag:s4], $0x0  }
0x19: {  	s7 =	sld [smem:$0x3F79]  }
0x1a: {  	s8 =	sadd.s32 $0xFFFFE003, lr  }
0x1b: {  	s9 =	sadd.s32 $0xFFFFFEF7, lr;
	s5 =	simm.s32 $0xFFFFFFFF;
	p2 =	slt.u32 s8, $0xFFFFF086  }
0x1c: {  	p1 =	slt.u32 s9, $0xF7A;
	s5 =	simm.s32 @!p2 $0x0  }
0x1d: {  	s5 =	simm.s32 @p1 $0x1;
	p0 =	seq.s32 s7, s2  }
0x1e: {  	s7 =	smul.u32 @!p0 $0xF7A, s2;
	p2 =	seq.s32 @!p0 s5, $0x0  }
0x1f: {  	s9 =	smul.u32 $0xF7A, s1;
	s8 =	simm.s32 @!p0 $0x1BF5;
	p2 =	por !p2, p0  }
0x20: {  	[sflag:s8] =	ssyncset.s32 @!p0 $0xFFFFF086;
	s6 =	sadd.s32 @!p0 s3, s7;
	s7 =	simm.s32 @!p0 $0x108  }
0x21: {  	s3 =	sadd.s32 s3, s9;
	s6 =	sadd.s32 @!p0 $0x88, s6;
	s7 =	simm.s32 @p2 $0x1082  }
0x22: {  	[simem:s7], [sflag:s8] =	dma.local @!p0 [hbm:s6], $0xF7A  }
0x23: {  	s9 =	sor.u32 $0xD0000000, s2;
	s6 =	simm.s32 $0x108;
	_ =	swait.ge @!p0 [sflag:s8], $0x0  }
0x24: {  	s3 =	sadd.s32 $0x88, s3;
	s6 =	simm.s32 @!p1 $0x1082;
	[sflag:s4] =	ssyncset.s32 $0xFFFFF086  }
0x25: {  	[simem:s6], [sflag:s4] =	dma.local [hbm:s3], $0xF7A  }
0x26: {  	[smem:$0x3F79] =	sst s1;
	(tag) =	ssettag s2;
	_ =	strace s9  }
0x27: {  	s1 =	sld [smem:$0x3F89]  }
0x28: {  	s2 =	sld [smem:$0x3F8A]  }
0x29: {  	s4 =	sld [smem:$0x3F8C]  }
0x2a: {  	p0 =	seq.s32 s5, $0x0;
	s5 =	sld [smem:$0x3F8D]  }
0x2b: {  	s6 =	sld [smem:$0x3F8E]  }
0x2c: {  	s7 =	sld [smem:$0x3F8F]  }
0x2d: {  	s3 =	simm.s32 $0x108;
	s8 =	sld [smem:$0x3F90]  }
0x2e: {  	s3 =	simm.s32 @!p0 $0x1082;
	s9 =	sld [smem:$0x3F91]  }
0x2f: {  	lr =	sadd.s32 s0, s3;
	s0 =	sld [smem:$0x3F88]  }
0x30: {  	s3 =	sld [smem:$0x3F8B]  }
0x31: {  	[smem:$0x3F94] =	sst s10  }
0x32: {  	s10 =	sld [smem:$0x3F92];
	_ =	sdelay $0x3  }
0x33: {  	p0 =	seq.s32 s10, $0x1;
	s10 =	sld [smem:$0x3F94];
	_ =	sdelay $0x3  }
0x34: {  	[smem:$0x3F94] =	sst s10  }
0x35: {  	s10 =	sld [smem:$0x3F93];
	_ =	sdelay $0x3  }
0x36: {  	p1 =	seq.s32 s10, $0x1;
	s10 =	sld [smem:$0x3F94];
	_ =	sdelay $0x3  }
0x37: {  	[smem:$0x3F94] =	sst s10  }
0x38: {  	s10 =	sld [smem:$0x3F95]  }
0x39: {  	_ = 	snop;
	(pc) =	sbr.ind lr, $3  }
0x3a: {  	_ = 	snop  }
0x3b: {  	_ = 	snop  }
0x3c: {  	p2 =	seq.s32 s10, $0x1;
	s10 =	sld [smem:$0x3F94]  }
0x3d: {  	_ =	shalt  }
0x3e: {  	_ =	shalt  }
0x3f: {  	_ =	shalt  }
0x40: {  	_ =	shalt  }
0x41: {  	_ =	shalt  }
0x42: {  	_ =	shalt  }
0x43: {  	_ =	shalt  }
0x44: {  	_ =	shalt  }
0x45: {  	_ =	shalt  }
0x46: {  	_ =	shalt  }
0x47: {  	_ =	shalt  }
0x48: {  	_ =	shalt  }
0x49: {  	_ =	shalt  }
0x4a: {  	_ =	shalt  }
0x4b: {  	_ =	shalt  }
0x4c: {  	_ =	shalt  }
0x4d: {  	_ =	shalt  }
0x4e: {  	_ =	shalt  }
0x4f: {  	_ =	shalt  }
0x50: {  	_ =	shalt  }
0x51: {  	_ =	shalt  }
0x52: {  	_ =	shalt  }
0x53: {  	_ =	shalt  }
0x54: {  	_ =	shalt  }
0x55: {  	_ =	shalt  }
0x56: {  	_ =	shalt  }
0x57: {  	_ =	shalt  }
0x58: {  	_ =	shalt  }
0x59: {  	_ =	shalt  }
0x5a: {  	_ =	shalt  }
0x5b: {  	_ =	shalt  }
0x5c: {  	_ =	shalt  }
0x5d: {  	_ =	shalt  }
0x5e: {  	_ =	shalt  }
0x5f: {  	_ =	shalt  }
0x60: {  	_ =	shalt  }
0x61: {  	_ =	shalt  }
0x62: {  	_ =	shalt  }
0x63: {  	_ =	shalt  }
0x64: {  	_ =	shalt  }
0x65: {  	_ =	shalt  }
0x66: {  	_ =	shalt  }
0x67: {  	_ =	shalt  }
0x68: {  	_ =	shalt  }
0x69: {  	_ =	shalt  }
0x6a: {  	_ =	shalt  }
0x6b: {  	_ =	shalt  }
0x6c: {  	_ =	shalt  }
0x6d: {  	_ =	shalt  }
0x6e: {  	_ =	shalt  }
0x6f: {  	_ =	shalt  }
0x70: {  	_ =	shalt  }
0x71: {  	_ =	shalt  }
0x72: {  	_ =	shalt  }
0x73: {  	_ =	shalt  }
0x74: {  	_ =	shalt  }
0x75: {  	_ =	shalt  }
0x76: {  	_ =	shalt  }
0x77: {  	_ =	shalt  }
0x78: {  	_ =	shalt  }
0x79: {  	_ =	shalt  }
0x7a: {  	_ =	shalt  }
0x7b: {  	_ =	shalt  }
0x7c: {  	_ =	shalt  }
0x7d: {  	_ =	shalt  }
0x7e: {  	_ =	shalt  }
0x7f: {  	_ =	shalt  }
0x80: {  	_ =	shalt  }
0x81: {  	_ =	shalt  }
0x82: {  	_ =	shalt  }
0x83: {  	_ =	shalt  }
0x84: {  	_ =	shalt  }
0x85: {  	_ =	shalt  }
0x86: {  	_ =	shalt  }
0x87: {  	_ =	shalt  }
.Lfunc_end0:
.L_simem_size_0:
called_computation.1_lowered:
.L_overlay_start_0:
0x88: {  	s2 =	sld [smem:$0x3FD9]  }
0x89: {  	s3 =	sld [smem:$0x3FFE];
	_ =	sdelay $0x1  }
0x8a: {  	s1 =	srdreg.scid  }
0x8b: {  	s0 =	sand.u32 $0x1, s1  }
0x8c: {  	s15 =	sshll.u32 s0, $0xA;
	s2 =	sadd.s32 s3, s2  }
0x8d: {  	s2 =	sadd.s32 s2, s15  }
0x8e: {  	[smem:$0x3FA0] =	sst s2  }
0x8f: {  	_ = 	snop  }
0x90: {  	s2 =	sld [smem:$0x3FD0];
	_ =	sdelay $0x2  }
0x91: {  	s4 =	simm.s32 $0xB;
	s16 =	simm.s32 $0x10  }
0x92: {  	[smem:s16], [sflag:s4] =	dma.local [hbm:s2], $0x1  }
0x93: {  	_ =	swait.eq [sflag:s4], $0x1  }
0x94: {  	[sflag:s4] =	ssyncset.done $0x0  }
0x95: {  	s17 =	sld [smem:$0x10];
	[sflag:s4] =	ssyncadd.s32 $0xFFFFFFFF  }
0x96: {  	s18 =	sld [smem:$0x11];
	(tm) =	ssettm $0x1  }
0x97: {  	s19 =	sld [smem:$0x3FFB];
	_ =	sdelay $0x3  }
0x98: {  	_ =	strace s19  }
0x99: {  	s2 =	sld [smem:$0x3FFC];
	_ =	sdelay $0x3  }
0x9a: {  	_ =	strace s2  }
0x9b: {  	s2 =	sld [smem:$0x3FFD];
	_ =	sdelay $0x3  }
0x9c: {  	_ =	strace s2  }
0x9d: {  	_ =	strace $0x8FFFFFFF  }
0x9e: {  	s20 =	sld [smem:$0x3FDB];
	_ =	sdelay $0x1  }
0x9f: {  	s5 =	simm.s32 $_scs_section_size  }
0xa0: {  	s6 =	simm.s32 $_size__tile_overlayer_lowered;
	s7 =	simm.s32 $_tile_overlayer_lowered  }
0xa1: {  	s8 =	simm.s32 $0x1BFF;
	s21 =	sshll.u32 s7, $0x1;
	s5 =	sadd.s32 s5, s20  }
0xa2: {  	s22 =	simm.s32 $0x0;
	s6 =	sshll.u32 s6, $0x1;
	s7 =	sadd.s32 s21, s5  }
0xa3: {  	[timem:s22], [sflag:s8] =	dma.local [hbm:s7], s6  }
0xa4: {  	_ =	swait.ge [sflag:s8], s6  }
0xa5: {  	s6 =	ssub.s32 $0x0, s6;
	[sflag:s8] =	ssyncset.done $0x0  }
0xa6: {  	[sflag:s8] =	ssyncadd.s32 s6;
	_ =	sdelay $0x1  }
0xa7: {  	s23 =	simm.s32 $0x1B8B  }
0xa8: {  	_ =	swait.ge [sflag:s23], $0x1  }
0xa9: {  	[sflag:s23] =	ssyncset.done $0x0  }
0xaa: {  	[sflag:s23] =	ssyncadd.s32 $0xFFFFFFFF  }
0xab: {  	s6 =	sld [smem:$0x0]  }
0xac: {  	s7 =	sand.u32 $0xFFFFFFFE, s1  }
0xad: {  	p0 =	sne.s32 s1, s7  }
0xae: {  	s7 =	sshll.u32 @p0 s7, $0xE  }
0xaf: {  	s7 =	sadd.s32 @p0 $0x11B8D, s7;
	s8 =	sshll.u32 @p0 s6, $0x11  }
0xb0: {  	s7 =	sor.u32 @p0 s8, s7  }
0xb1: {  	[sflag:s7] =	ssyncadd.remote.s32 @p0 $0x1;
	_ =	sdelay $0x1  }
0xb2: {  	s7 =	simm.s32 @p0 $0x1B8D  }
0xb3: {  	_ =	swait.eq @p0 [sflag:s7], $0x1  }
0xb4: {  	[sflag:s7] =	ssyncadd.s32 @p0 $0xFFFFFFFF  }
0xb5: {  	s8 =	sshll.u32 @!p0 s1, $0xE  }
0xb6: {  	s8 =	sor.u32 @!p0 $0x4000, s8;
	s7 =	simm.s32 @!p0 $0x1B8D  }
0xb7: {  	s6 =	sshll.u32 @!p0 s6, $0x11;
	s8 =	sadd.s32 @!p0 $0x11B8D, s8;
	_ =	swait.eq @!p0 [sflag:s7], $0x1  }
0xb8: {  	s6 =	sor.u32 @!p0 s6, s8;
	[sflag:s7] =	ssyncadd.s32 @!p0 $0xFFFFFFFF  }
0xb9: {  	s25 =	simm.s32 $0x1B8E;
	s24 =	sld [smem:$0x3FFE];
	[sflag:s6] =	ssyncadd.remote.s32 @!p0 $0x1  }
0xba: {  	s26 =	simm.s32 $execute0_lowered;
	[smem:$0x3FD2] =	sst s25  }
0xbb: {  	s7 =	sshll.u32 s26, $0x1;
	_ =	strace $0x80000052;
	[dreg:$0x1] =	wrdreg $0xFFFFFFFF  }
0xbc: {  	s28 =	simm.s32 $_size_execute0_lowered;
	s5 =	sadd.s32 s5, s7;
	[dreg:$0x0] =	wrdreg $0x0  }
0xbd: {  	s7 =	sshll.u32 s28, $0x1;
	[dreg:$0x2] =	wrdreg s5  }
0xbe: {  	[dreg:$0x3] =	wrdreg s7  }
0xbf: {  	[dreg:$0x4] =	wrdreg $0xC0  }
0xc0: {  	_ =	task [dreg:s22], $0x5FFFF  }
0xc1: {  	[dreg:$0x1] =	wrdreg $0xFFFFFFFF  }
0xc2: {  	[dreg:$0x0] =	wrdreg $0x60  }
0xc3: {  	[dreg:$0x2] =	wrdreg s17  }
0xc4: {  	[dreg:$0x3] =	wrdreg s24  }
0xc5: {  	[dreg:$0x4] =	wrdreg s18  }
0xc6: {  	[dreg:$0x5] =	wrdreg $0x9  }
0xc7: {  	_ =	task.clear_ibuf [dreg:s22], $0x6FFFF;
	_ =	strace $0x90000052  }
0xc8: {  	s29 =	simm.s32 $0x9;
	_ =	strace $0x80000054  }
0xc9: {  	_ =	swait.ge [sflag:s29], $0x1  }
0xca: {  	[sflag:s29] =	ssyncadd.s32 $0xFFFFFFFF  }
0xcb: {  	_ =	strace $0x90000054  }
0xcc: {  	_ =	sfence  }
0xcd: {  	s30 =	sld [smem:$0x0];
	_ =	sdelay $0x2  }
0xce: {  	s31 =	sshll.u32 s1, $0xD;
	s1 =	sshrl.u32 s1, $0x2  }
0xcf: {  	s4 =	sand.u32 $0x4000, s31;
	s1 =	sadd.s32 s1, s30  }
0xd0: {  	s0 =	sor.u32 s4, s0;
	s1 =	sshll.u32 s1, $0x11  }
0xd1: {  	s0 =	sor.u32 s1, s0  }
0xd2: {  	s0 =	sadd.s32 $0x8F2B, s0  }
0xd3: {  	[sflag:s0] =	ssyncadd.remote.s32 $0x1  }
0xd4: {  	_ =	sfence.sel $0xFFFF  }
0xd5: {  	[dreg:$0x0] =	wrdreg $0xFFFFFFFF;
	(pc) =	sbr.abs _section_cstart, $3  }
0xd6: {  	[dreg:$0x1] =	wrdreg $0xFFFFFFFF  }
0xd7: {  	_ =	task.clear_ibuf [dreg:s22], $0x2FFFF;
	_ =	strace $0x9FFFFFFF  }
0xd8: {  	(tm) =	ssettm $0x7FFFFFFF  }
0xd9: {  	_ =	shalt  }
tec
execute0_lowered:
.L_overlay_start_1:
0x0: {  	(tag) =	ssettag $0x1  }
0x1: {  	s2 =	rddreg [dreg:$0x0]  }
0x2: {  	s1 =	srdreg.scid;
	s5 =	rddreg [dreg:$0x1]  }
0x3: {  	s0 =	stileid.u32;
	s3 =	rddreg [dreg:$0x2]  }
0x4: {  	s9 =	simm.s32 $0x1;
	s10 =	simm.s32 $0x3;
	s1 =	sshll.u32 s1, $0x6  }
0x5: {  	s13 =	simm.s32 $0x0;
	s4 =	sshll.u32 s0, $0x7;
	s6 =	sand.u32 $0x40, s1  }
0x6: {  	s12 =	simm.s32 $0x0;
	s5 =	sadd.s32 $0x1A00, s5;
	s4 =	sor.u32 s4, s6  }
0x7: {  	s1 =	rddreg [dreg:$0x3];
	_ =	strace $0x80000053;
	s8 =	ssub.s32 $0x1000, s4  }
.Ltmp0:
0x8: {  	s6 =	simm.s32 $0x1;
	s7 =	sand.u32 $0x7C0, s8;
	(pc) =	sbr.rel .LBB2_1-.Ltmp0, $4  }
0x9: {  	[sflag:s6] =	ssyncpa.u1 $0x0;
	s11 =	smov.u32 s4;
	p0 =	sne.s32 s7, $0x0  }
0xa: {  	s8 =	sshrl.u32 s8, $0xB;
	s7 =	simm.s32 $0x2;
	s9 =	simm.s32 @!p0 $0x0  }
0xb: {  	[sflag:s7] =	ssyncpa.u1 $0x0;
	p0 =	por $0x0, $0x0;
	s8 =	sadd.s32 s9, s8  }
0xc: {  	vm0 =	vmmov $0xffff;
	[sflag:s10] =	ssyncpa.u1 $0x0;
	s10 =	simm.s32 $0x0;
	s9 =	sadd.s32 $0x1, s8  }
.LBB2_4:
0xd: {  	v3 =	vshrl.u32 v0, $0x8;
	v62 =	vshll.u32 v0, $0xD;
	v2 =	vand.u32 $0x1F80, v2  }
0xe: {  	v3 =	vand.u32 $0x3F, v3;
	v0 =	vand.u32 $0x6000, v62;
	v2 =	vsel vm1, $0xFFFFFF80, v2  }
0xf: {  	v3 =	vsel vm1, $0xFFFFFFFF, v3;
	v0 =	vsel vm1, $0xFFFFE000, v0;
	v4 =	vand.u32 $0xFFFFFC00, v2  }
0x10: {  	v0 =	vadd.s32 v0, v4;
	v63 =	vand.u32 $0xFFFFFC00, v3  }
0x11: {  	v2 =	vand.u32 $0x380, v2;
	v0 =	vadd.s32 v63, v0  }
0x12: {  	v3 =	vand.u32 $0x7F, v3;
	v0 =	vor.u32 v2, v0  }
0x13: {  	v0 =	vor.u32 v3, v0;
	_ =	sdelay $0x1  }
0x14: {  	(ifvalue) =	ssetifvalue $0x7FFFFFFF;
	s15 =	sadd.s32 $0x10, s15  }
0x15: {  	[tilespmem:s15], [sflag:$0x1] =	stream.indirect_vreg.gather [hbm4b:s2+s10], $0x1, v1, vm0, $0x4038;
	[tilespmem:$0x100] =	vst v63  }
0x16: {  	(ifvalue) =	ssetifvalue $0x7FFFFFFF;
	s15 =	sadd.s32 $0x10, s15  }
0x17: {  	[tilespmem:s15], [sflag:$0x1] =	stream.indirect_vreg.gather [hbm4b:s2+s10], $0x1, v0, vm0, $0x4038;
	[tilespmem:$0x100] =	vst v63  }
0x18: {  	_ =	swait.ge [sflag:s6], $0x40  }
0x19: {  	s30 =	sshrl.u32 s13, $0x3;
	[sflag:s6] =	ssyncset.done $0x0  }
0x1a: {  	s31 =	sand.u32 $0x7, s13;
	s15 =	sadd.s32 s3, s30;
	[sflag:s6] =	ssyncadd.s32 $0xFFFFFFC0  }
0x1b: {  	[hbm4b:s15+s31] =	stream.linear.scatter [tilespmem:s14], [sflag:$0x3], $0x40, $0x38;
	[tilespmem:$0x100] =	vst v63  }
.LBB2_5:
0x1c: {  	s15 =	sadd.s32 $0x800, s11  }
0x1d: {  	p2 =	sgt.s32 s15, $0xFFF  }
0x1e: {  	s15 =	smov.u32 @p2 s4;
	p2 =	sne.s32 s12, s9  }
.Ltmp1:
0x1f: {  	p1 =	slt.u32 s12, $0x2;
	(pc) =	sbr.rel @!p2 .LBB2_6-.Ltmp1, $4  }
0x20: {  	s14 =	simm.s32 @!p1 $0x3  }
0x21: {  	s16 =	sadd.s32 $0x1, s12;
	_ =	swait.ge @!p1 [sflag:s14], $0x40  }
0x22: {  	s13 =	smov.u32 s11;
	p0 =	por !p0, !p0;
	[sflag:s14] =	ssyncset.done @!p1 $0x0  }
0x23: {  	s12 =	smov.u32 s16;
	s11 =	smov.u32 s15;
	[sflag:s14] =	ssyncadd.s32 @!p1 $0xFFFFFFC0  }
.LBB2_1:
0x24: {  	p1 =	sge.u32 s12, s8  }
0x25: {  	s14 =	sxor.u32 @!p1 $0xFFFFFFFF, s12  }
0x26: {  	s31 =	sadd.s32 $0xFFFFFFFF, s12;
	s15 =	sshrl.u32 @!p1 s11, $0x3;
	s14 =	sshll.u32 @!p1 s14, $0x6  }
0x27: {  	s16 =	sand.u32 @!p1 $0x7, s11;
	s15 =	sadd.s32 @!p1 s5, s15;
	s14 =	sand.u32 @!p1 $0x40, s14  }
0x28: {  	[tilespmem:s14], [sflag:$0x2] =	stream.linear.gather @!p1 [hbm4b:s15+s16], $0x40, $0x38;
	[tilespmem:$0x100] =	vst v63  }
0x29: {  	p1 =	sge.u32 s31, s8  }
.Ltmp2:
0x2a: {  	_ = 	snop;
	(pc) =	sbr.rel @p1 .LBB2_5-.Ltmp2, $1  }
0x2b: {  	_ =	sdelay $0x3  }
0x2c: {  	s14 =	simm.s32 $0x1  }
0x2d: {  	_ =	swait.ge [sflag:s7], $0x40;
	s14 =	simm.s32 @!p0 $0x0  }
0x2e: {  	[sflag:s7] =	ssyncset.done $0x0;
	s14 =	sshll.u32 s14, $0x6  }
0x2f: {  	[sflag:s7] =	ssyncadd.s32 $0xFFFFFFC0;
	(ifvalue) =	ssetifvalue $0x7FFFFFFF;
	v0 =	vld.msk [tilespmem:s14+$0x0 ss:$0x1], $0xffff;
	_ =	sdelay $0x2  }
0x30: {  	s15 =	sadd.s32 $0x10, s14  }
0x31: {  	v3 =	vld.msk [tilespmem:s15+$0x0 ss:$0x1], $0xffff  }
0x32: {  	vm1 =	veq.s32 v0, $0x80000000;
	v1 =	vshll.u32 v0, $0x5  }
0x33: {  	v2 =	vshrl.u32 v0, $0x8;
	v0 =	vshll.u32 v0, $0xD;
	v1 =	vand.u32 $0x1F80, v1  }
0x34: {  	v2 =	vand.u32 $0x3F, v2;
	v0 =	vand.u32 $0x6000, v0;
	v1 =	vsel vm1, $0xFFFFFF80, v1  }
0x35: {  	v2 =	vsel vm1, $0xFFFFFFFF, v2;
	v0 =	vsel vm1, $0xFFFFE000, v0;
	v4 =	vand.u32 $0xFFFFFC00, v1  }
0x36: {  	v62 =	vshrl.u32 v3, $0x8;
	v61 =	vand.u32 $0xFFFFFC00, v2;
	v0 =	vadd.s32 v0, v4  }
0x37: {  	vm1 =	veq.s32 v3, $0x80000000;
	v1 =	vand.u32 $0x380, v1;
	v0 =	vadd.s32 v61, v0  }
0x38: {  	v2 =	vand.u32 $0x7F, v2;
	v0 =	vor.u32 v1, v0;
	v1 =	vshll.u32 v3, $0x5  }
0x39: {  	s17 =	sadd.s32 $0x10, s15;
	v4 =	vand.u32 $0x3F, v62;
	v3 =	vshll.u32 v3, $0xD;
	v1 =	vand.u32 $0x1F80, v1  }
0x3a: {  	v2 =	vor.u32 v2, v0;
	v0 =	vld.msk [tilespmem:s17+$0x0 ss:$0x1], $0xffff;
	v3 =	vand.u32 $0x6000, v3;
	v1 =	vsel vm1, $0xFFFFFF80, v1  }
0x3b: {  	v4 =	vsel vm1, $0xFFFFFFFF, v4;
	v3 =	vsel vm1, $0xFFFFE000, v3;
	v5 =	vand.u32 $0xFFFFFC00, v1  }
0x3c: {  	s31 =	sshll.u32 s12, $0x6;
	v63 =	vand.u32 $0xFFFFFC00, v4;
	v3 =	vadd.s32 v3, v5  }
0x3d: {  	s16 =	simm.s32 $0x20;
	s15 =	sor.u32 $0x80, s14;
	s14 =	sand.u32 $0x40, s31;
	v1 =	vand.u32 $0x380, v1;
	v3 =	vadd.s32 v63, v3  }
0x3e: {  	s14 =	sor.u32 $0x80, s14;
	v4 =	vand.u32 $0x7F, v4;
	(ifvalue) =	ssetifvalue $0x7FFFFFFF;
	s17 =	sadd.s32 $0x10, s17;
	v1 =	vor.u32 v1, v3  }
0x3f: {  	[tilespmem:s15], [sflag:$0x1] =	stream.indirect_vreg.gather [hbm4b:s2+s10], $0x1, v2, vm0, $0x4038;
	vm1 =	veq.s32 v0, $0x80000000;
	v2 =	vshll.u32 v0, $0x5;
	v1 =	vor.u32 v4, v1;
	[tilespmem:$0x100] =	vst v63  }
.LBB2_3:
0x40: {  	s16 =	sadd.s32 $0x10, s16;
	v3 =	vshrl.u32 v0, $0x8;
	v4 =	vshll.u32 v0, $0xD;
	v0 =	vld.msk [tilespmem:s17+$0x0 ss:$0x1], $0xffff;
	v2 =	vand.u32 $0x1F80, v2  }
0x41: {  	p1 =	slt.u32 s16, $0x30;
	v3 =	vand.u32 $0x3F, v3;
	v4 =	vand.u32 $0x6000, v4;
	v2 =	vsel vm1, $0xFFFFFF80, v2  }
.Ltmp3:
0x42: {  	v3 =	vsel vm1, $0xFFFFFFFF, v3;
	v4 =	vsel vm1, $0xFFFFE000, v4;
	v5 =	vand.u32 $0xFFFFFC00, v2;
	(pc) =	sbr.rel @p1 .LBB2_3-.Ltmp3, $4  }
0x43: {  	s15 =	sadd.s32 $0x10, s15;
	v4 =	vadd.s32 v4, v5;
	v5 =	vand.u32 $0xFFFFFC00, v3;
	(ifvalue) =	ssetifvalue $0x7FFFFFFF  }
0x44: {  	v2 =	vand.u32 $0x380, v2;
	v4 =	vadd.s32 v5, v4;
	[tilespmem:s15], [sflag:$0x1] =	stream.indirect_vreg.gather [hbm4b:s2+s10], $0x1, v1, vm0, $0x4038;
	[tilespmem:$0x100] =	vst v63  }
0x45: {  	v1 =	vand.u32 $0x7F, v3;
	v3 =	vor.u32 v2, v4  }
0x46: {  	s17 =	sadd.s32 $0x10, s17;
	vm1 =	veq.s32 v0, $0x80000000;
	v2 =	vshll.u32 v0, $0x5;
	v1 =	vor.u32 v1, v3  }
.Ltmp4:
0x47: {  	_ = 	snop;
	(pc) =	sbr.rel .LBB2_4-.Ltmp4, $1  }
0x48: {  	_ =	sdelay $0x3  }
.LBB2_6:
0x49: {  	_ =	sfence.sel $0x180000  }
0x4a: {  	s2 =	simm.s32 $0x2;
	[bflag:$0x0] =	sbarrier.arrive $0xFFFF  }
0x4b: {  	s30 =	simm.s32 $0x3;
	[sflag:s2] =	ssyncpa.u1 $0x1  }
0x4c: {  	s31 =	simm.s32 $0x1;
	[sflag:s30] =	ssyncpa.u1 $0x1  }
0x4d: {  	[sflag:s31] =	ssyncpa.u1 $0x1  }
0x4e: {  	p0 =	sne.s32 s0, $0x0;
	_ =	strace $0x90000053  }
0x4f: {  	s0 =	sadd.s32 @!p0 $0x100000, s1;
	[bflag:$0x2] =	sbarrier.arrive $0xFFFF  }
0x50: {  	[sflag:s0] =	ssyncadd.tile.s32 @!p0 $0x1;
	_ =	shalt  }
.Lfunc_end2:
_tile_overlayer_lowered:
.L_overlay_start_2:
0x51: {  	(tag) =	ssettag $0x2  }
0x52: {  	s0 =	rddreg [dreg:$0x0];
	s2 =	stileid.u32  }
0x53: {  	s1 =	rddreg [dreg:$0x1];
	p0 =	sne.s32 s2, $0x0  }
0x54: {  	s3 =	rddreg [dreg:$0x2];
	[bflag:$0x3] =	sbarrier.arrive $0xFFFF;
	s2 =	simm.s32 @!p0 $0x1C01  }
0x55: {  	[timem:s3], [sflag:s2] =	dma.local @!p0 [hbm:s0], s1  }
0x56: {  	s0 =	simm.s32 @!p0 $0x1  }
0x57: {  	_ =	swait.ge @!p0 [sflag:s0], s1  }
0x58: {  	s1 =	ssub.s32 @!p0 $0x0, s1;
	[sflag:s0] =	ssyncset.done @!p0 $0x0  }
0x59: {  	[sflag:s0] =	ssyncadd.s32 @!p0 s1  }
0x5a: {  	[bflag:$0x3] =	sbarrier.arrive $0xFFFF  }
0x5b: {  	_ =	shalt  }

// kernel: gather_offload_async_start.2
scs
__scs_entry_jumppad:
0x0: {  	(pc) =	sbr.rel $0x88, $3  }
0x1: {  	(tag) =	ssettag $0x0;
	lr =	simm.s32 $0x1  }
0x2: {  	[smem:$0x3F79] =	sst lr;
	_ =	strace $0xD0000000  }
0x3: {  	_ = 	snop  }
0x4: {  	_ = 	snop  }
0x5: {  	_ = 	snop  }
0x6: {  	_ = 	snop  }
0x7: {  	_ = 	snop  }
__scs_overlays_trampoline_lowered:
0x8: {  	[smem:$0x3F88] =	sst s0  }
0x9: {  	[smem:$0x3F89] =	sst s1  }
0xa: {  	[smem:$0x3F8A] =	sst s2  }
0xb: {  	[smem:$0x3F8B] =	sst s3  }
0xc: {  	[smem:$0x3F8C] =	sst s4  }
0xd: {  	[smem:$0x3F8D] =	sst s5  }
0xe: {  	[smem:$0x3F8E] =	sst s6  }
0xf: {  	[smem:$0x3F8F] =	sst s7  }
0x10: {  	[smem:$0x3F90] =	sst s8  }
0x11: {  	[smem:$0x3F91] =	sst s9;
	s0 =	simm.s32 @!p0 $0x0  }
0x12: {  	s1 =	sld [smem:$0x3F77];
	s0 =	simm.s32 @p0 $0x1  }
0x13: {  	[smem:$0x3F92] =	sst s0;
	s0 =	simm.s32 @!p1 $0x0  }
0x14: {  	s2 =	sld [smem:$0x3F76];
	s0 =	simm.s32 @p1 $0x1  }
0x15: {  	[smem:$0x3F93] =	sst s0;
	s0 =	simm.s32 @!p2 $0x0  }
0x16: {  	s3 =	sld [smem:$0x3FDB];
	s0 =	simm.s32 @p2 $0x1  }
0x17: {  	s4 =	simm.s32 $0x1BF5;
	[smem:$0x3F95] =	sst s0  }
0x18: {  	s0 =	sld [smem:$0x3F78];
	_ =	swait.ge [sflag:s4], $0x0  }
0x19: {  	s7 =	sld [smem:$0x3F79]  }
0x1a: {  	s8 =	sadd.s32 $0xFFFFE003, lr  }
0x1b: {  	s9 =	sadd.s32 $0xFFFFFEF7, lr;
	s5 =	simm.s32 $0xFFFFFFFF;
	p2 =	slt.u32 s8, $0xFFFFF086  }
0x1c: {  	p1 =	slt.u32 s9, $0xF7A;
	s5 =	simm.s32 @!p2 $0x0  }
0x1d: {  	s5 =	simm.s32 @p1 $0x1;
	p0 =	seq.s32 s7, s2  }
0x1e: {  	s7 =	smul.u32 @!p0 $0xF7A, s2;
	p2 =	seq.s32 @!p0 s5, $0x0  }
0x1f: {  	s9 =	smul.u32 $0xF7A, s1;
	s8 =	simm.s32 @!p0 $0x1BF5;
	p2 =	por !p2, p0  }
0x20: {  	[sflag:s8] =	ssyncset.s32 @!p0 $0xFFFFF086;
	s6 =	sadd.s32 @!p0 s3, s7;
	s7 =	simm.s32 @!p0 $0x108  }
0x21: {  	s3 =	sadd.s32 s3, s9;
	s6 =	sadd.s32 @!p0 $0x88, s6;
	s7 =	simm.s32 @p2 $0x1082  }
0x22: {  	[simem:s7], [sflag:s8] =	dma.local @!p0 [hbm:s6], $0xF7A  }
0x23: {  	s9 =	sor.u32 $0xD0000000, s2;
	s6 =	simm.s32 $0x108;
	_ =	swait.ge @!p0 [sflag:s8], $0x0  }
0x24: {  	s3 =	sadd.s32 $0x88, s3;
	s6 =	simm.s32 @!p1 $0x1082;
	[sflag:s4] =	ssyncset.s32 $0xFFFFF086  }
0x25: {  	[simem:s6], [sflag:s4] =	dma.local [hbm:s3], $0xF7A  }
0x26: {  	[smem:$0x3F79] =	sst s1;
	(tag) =	ssettag s2;
	_ =	strace s9  }
0x27: {  	s1 =	sld [smem:$0x3F89]  }
0x28: {  	s2 =	sld [smem:$0x3F8A]  }
0x29: {  	s4 =	sld [smem:$0x3F8C]  }
0x2a: {  	p0 =	seq.s32 s5, $0x0;
	s5 =	sld [smem:$0x3F8D]  }
0x2b: {  	s6 =	sld [smem:$0x3F8E]  }
0x2c: {  	s7 =	sld [smem:$0x3F8F]  }
0x2d: {  	s3 =	simm.s32 $0x108;
	s8 =	sld [smem:$0x3F90]  }
0x2e: {  	s3 =	simm.s32 @!p0 $0x1082;
	s9 =	sld [smem:$0x3F91]  }
0x2f: {  	lr =	sadd.s32 s0, s3;
	s0 =	sld [smem:$0x3F88]  }
0x30: {  	s3 =	sld [smem:$0x3F8B]  }
0x31: {  	[smem:$0x3F94] =	sst s10  }
0x32: {  	s10 =	sld [smem:$0x3F92];
	_ =	sdelay $0x3  }
0x33: {  	p0 =	seq.s32 s10, $0x1;
	s10 =	sld [smem:$0x3F94];
	_ =	sdelay $0x3  }
0x34: {  	[smem:$0x3F94] =	sst s10  }
0x35: {  	s10 =	sld [smem:$0x3F93];
	_ =	sdelay $0x3  }
0x36: {  	p1 =	seq.s32 s10, $0x1;
	s10 =	sld [smem:$0x3F94];
	_ =	sdelay $0x3  }
0x37: {  	[smem:$0x3F94] =	sst s10  }
0x38: {  	s10 =	sld [smem:$0x3F95]  }
0x39: {  	_ = 	snop;
	(pc) =	sbr.ind lr, $3  }
0x3a: {  	_ = 	snop  }
0x3b: {  	_ = 	snop  }
0x3c: {  	p2 =	seq.s32 s10, $0x1;
	s10 =	sld [smem:$0x3F94]  }
0x3d: {  	_ =	shalt  }
0x3e: {  	_ =	shalt  }
0x3f: {  	_ =	shalt  }
0x40: {  	_ =	shalt  }
0x41: {  	_ =	shalt  }
0x42: {  	_ =	shalt  }
0x43: {  	_ =	shalt  }
0x44: {  	_ =	shalt  }
0x45: {  	_ =	shalt  }
0x46: {  	_ =	shalt  }
0x47: {  	_ =	shalt  }
0x48: {  	_ =	shalt  }
0x49: {  	_ =	shalt  }
0x4a: {  	_ =	shalt  }
0x4b: {  	_ =	shalt  }
0x4c: {  	_ =	shalt  }
0x4d: {  	_ =	shalt  }
0x4e: {  	_ =	shalt  }
0x4f: {  	_ =	shalt  }
0x50: {  	_ =	shalt  }
0x51: {  	_ =	shalt  }
0x52: {  	_ =	shalt  }
0x53: {  	_ =	shalt  }
0x54: {  	_ =	shalt  }
0x55: {  	_ =	shalt  }
0x56: {  	_ =	shalt  }
0x57: {  	_ =	shalt  }
0x58: {  	_ =	shalt  }
0x59: {  	_ =	shalt  }
0x5a: {  	_ =	shalt  }
0x5b: {  	_ =	shalt  }
0x5c: {  	_ =	shalt  }
0x5d: {  	_ =	shalt  }
0x5e: {  	_ =	shalt  }
0x5f: {  	_ =	shalt  }
0x60: {  	_ =	shalt  }
0x61: {  	_ =	shalt  }
0x62: {  	_ =	shalt  }
0x63: {  	_ =	shalt  }
0x64: {  	_ =	shalt  }
0x65: {  	_ =	shalt  }
0x66: {  	_ =	shalt  }
0x67: {  	_ =	shalt  }
0x68: {  	_ =	shalt  }
0x69: {  	_ =	shalt  }
0x6a: {  	_ =	shalt  }
0x6b: {  	_ =	shalt  }
0x6c: {  	_ =	shalt  }
0x6d: {  	_ =	shalt  }
0x6e: {  	_ =	shalt  }
0x6f: {  	_ =	shalt  }
0x70: {  	_ =	shalt  }
0x71: {  	_ =	shalt  }
0x72: {  	_ =	shalt  }
0x73: {  	_ =	shalt  }
0x74: {  	_ =	shalt  }
0x75: {  	_ =	shalt  }
0x76: {  	_ =	shalt  }
0x77: {  	_ =	shalt  }
0x78: {  	_ =	shalt  }
0x79: {  	_ =	shalt  }
0x7a: {  	_ =	shalt  }
0x7b: {  	_ =	shalt  }
0x7c: {  	_ =	shalt  }
0x7d: {  	_ =	shalt  }
0x7e: {  	_ =	shalt  }
0x7f: {  	_ =	shalt  }
0x80: {  	_ =	shalt  }
0x81: {  	_ =	shalt  }
0x82: {  	_ =	shalt  }
0x83: {  	_ =	shalt  }
0x84: {  	_ =	shalt  }
0x85: {  	_ =	shalt  }
0x86: {  	_ =	shalt  }
0x87: {  	_ =	shalt  }
.Lfunc_end0:
.L_simem_size_0:
called_computation.2_lowered:
.L_overlay_start_0:
0x88: {  	s2 =	sld [smem:$0x3FD9]  }
0x89: {  	s3 =	sld [smem:$0x3FFE];
	_ =	sdelay $0x1  }
0x8a: {  	s1 =	srdreg.scid  }
0x8b: {  	s0 =	sand.u32 $0x1, s1  }
0x8c: {  	s14 =	sshll.u32 s0, $0xA;
	s2 =	sadd.s32 s3, s2  }
0x8d: {  	s2 =	sadd.s32 s2, s14  }
0x8e: {  	[smem:$0x3FA0] =	sst s2  }
0x8f: {  	_ = 	snop  }
0x90: {  	s2 =	sld [smem:$0x3FD0];
	_ =	sdelay $0x2  }
0x91: {  	s15 =	simm.s32 $0xB;
	s4 =	simm.s32 $0x10  }
0x92: {  	[smem:s4], [sflag:s15] =	dma.local [hbm:s2], $0x1  }
0x93: {  	_ =	swait.eq [sflag:s15], $0x1  }
0x94: {  	[sflag:s15] =	ssyncset.done $0x0  }
0x95: {  	[sflag:s15] =	ssyncadd.s32 $0xFFFFFFFF  }
0x96: {  	s16 =	sld [smem:$0x10];
	(tm) =	ssettm $0x1  }
0x97: {  	s17 =	sld [smem:$0x3FFB];
	_ =	sdelay $0x3  }
0x98: {  	_ =	strace s17  }
0x99: {  	s3 =	sld [smem:$0x3FFC];
	_ =	sdelay $0x3  }
0x9a: {  	_ =	strace s3  }
0x9b: {  	s3 =	sld [smem:$0x3FFD];
	_ =	sdelay $0x3  }
0x9c: {  	_ =	strace s3  }
0x9d: {  	_ =	strace $0x8FFFFFFF  }
0x9e: {  	s18 =	sld [smem:$0x3FDB];
	_ =	sdelay $0x1  }
0x9f: {  	s19 =	simm.s32 $_scs_section_size  }
0xa0: {  	s5 =	simm.s32 $_size__tile_overlayer_lowered;
	s6 =	simm.s32 $_tile_overlayer_lowered  }
0xa1: {  	s22 =	simm.s32 $0x1BFF;
	s21 =	sshll.u32 s6, $0x1;
	s3 =	sadd.s32 s19, s18  }
0xa2: {  	s7 =	simm.s32 $0x0;
	s20 =	sshll.u32 s5, $0x1;
	s5 =	sadd.s32 s21, s3  }
0xa3: {  	[timem:s7], [sflag:s22] =	dma.local [hbm:s5], s20  }
0xa4: {  	_ =	swait.ge [sflag:s22], s20  }
0xa5: {  	s4 =	ssub.s32 $0x0, s20;
	[sflag:s22] =	ssyncset.done $0x0  }
0xa6: {  	[sflag:s22] =	ssyncadd.s32 s4;
	_ =	sdelay $0x1  }
0xa7: {  	s23 =	simm.s32 $0x1B8B  }
0xa8: {  	_ =	swait.ge [sflag:s23], $0x1  }
0xa9: {  	[sflag:s23] =	ssyncset.done $0x0  }
0xaa: {  	s25 =	simm.s32 $0x1B8E;
	s24 =	sld [smem:$0x3FFE];
	[sflag:s23] =	ssyncadd.s32 $0xFFFFFFFF  }
0xab: {  	s26 =	simm.s32 $execute0_lowered;
	[smem:$0x3FD2] =	sst s25  }
0xac: {  	s5 =	sshll.u32 s26, $0x1;
	_ =	strace $0x8000004F;
	[dreg:$0x1] =	wrdreg $0xFFFFFFFF  }
0xad: {  	s28 =	simm.s32 $_size_execute0_lowered;
	s3 =	sadd.s32 s3, s5;
	[dreg:$0x0] =	wrdreg $0x0  }
0xae: {  	s5 =	sshll.u32 s28, $0x1;
	[dreg:$0x2] =	wrdreg s3  }
0xaf: {  	[dreg:$0x3] =	wrdreg s5  }
0xb0: {  	[dreg:$0x4] =	wrdreg $0xC0  }
0xb1: {  	_ =	task [dreg:s7], $0x5FFFF  }
0xb2: {  	[dreg:$0x1] =	wrdreg $0xFFFFFFFF  }
0xb3: {  	[dreg:$0x0] =	wrdreg $0x60  }
0xb4: {  	[dreg:$0x2] =	wrdreg s16  }
0xb5: {  	[dreg:$0x3] =	wrdreg s24  }
0xb6: {  	[dreg:$0x4] =	wrdreg $0xA  }
0xb7: {  	_ =	task.clear_ibuf [dreg:s7], $0x5FFFF;
	_ =	strace $0x9000004F  }
0xb8: {  	s29 =	simm.s32 $0xA;
	_ =	strace $0x80000051  }
0xb9: {  	_ =	swait.ge [sflag:s29], $0x1  }
0xba: {  	[sflag:s29] =	ssyncadd.s32 $0xFFFFFFFF  }
0xbb: {  	_ =	strace $0x90000051  }
0xbc: {  	_ =	sfence  }
0xbd: {  	s30 =	sld [smem:$0x0];
	_ =	sdelay $0x2  }
0xbe: {  	s31 =	sshll.u32 s1, $0xD;
	s1 =	sshrl.u32 s1, $0x2  }
0xbf: {  	s3 =	sand.u32 $0x4000, s31;
	s1 =	sadd.s32 s1, s30  }
0xc0: {  	s0 =	sor.u32 s3, s0;
	s1 =	sshll.u32 s1, $0x11  }
0xc1: {  	s0 =	sor.u32 s1, s0  }
0xc2: {  	s0 =	sadd.s32 $0x8F2B, s0  }
0xc3: {  	[sflag:s0] =	ssyncadd.remote.s32 $0x1  }
0xc4: {  	_ =	sfence.sel $0xFFFF  }
0xc5: {  	[dreg:$0x0] =	wrdreg $0xFFFFFFFF;
	(pc) =	sbr.abs _section_cstart, $3  }
0xc6: {  	[dreg:$0x1] =	wrdreg $0xFFFFFFFF  }
0xc7: {  	_ =	task.clear_ibuf [dreg:s7], $0x2FFFF;
	_ =	strace $0x9FFFFFFF  }
0xc8: {  	(tm) =	ssettm $0x7FFFFFFF  }
0xc9: {  	_ =	shalt  }
tec
execute0_lowered:
.L_overlay_start_1:
0x0: {  	(tag) =	ssettag $0x1  }
0x1: {  	s1 =	srdreg.scid;
	s2 =	rddreg [dreg:$0x0]  }
0x2: {  	s0 =	stileid.u32;
	s5 =	rddreg [dreg:$0x1];
	s6 =	simm.s32 $0x1  }
0x3: {  	s9 =	simm.s32 $0x1;
	s10 =	simm.s32 $0x3;
	s1 =	sshll.u32 s1, $0x6  }
0x4: {  	s13 =	simm.s32 $0x0;
	s3 =	sshll.u32 s0, $0x7;
	s4 =	sand.u32 $0x40, s1  }
0x5: {  	s12 =	simm.s32 $0x0;
	s1 =	rddreg [dreg:$0x2];
	s3 =	sor.u32 s3, s4  }
0x6: {  	_ =	strace $0x80000050;
	s4 =	sadd.s32 $0x3000, s5;
	s8 =	ssub.s32 $0x1000, s3  }
.Ltmp0:
0x7: {  	s5 =	sadd.s32 $0x1C00, s5;
	s7 =	sand.u32 $0x7C0, s8;
	(pc) =	sbr.rel .LBB2_1-.Ltmp0, $4  }
0x8: {  	[sflag:s6] =	ssyncpa.u1 $0x0;
	s11 =	smov.u32 s3;
	p0 =	sne.s32 s7, $0x0  }
0x9: {  	s8 =	sshrl.u32 s8, $0xB;
	s7 =	simm.s32 $0x2;
	s9 =	simm.s32 @!p0 $0x0  }
0xa: {  	[sflag:s7] =	ssyncpa.u1 $0x0;
	p0 =	por $0x0, $0x0;
	s8 =	sadd.s32 s9, s8  }
0xb: {  	vm0 =	vmmov $0xffff;
	[sflag:s10] =	ssyncpa.u1 $0x0;
	s10 =	simm.s32 $0x0;
	s9 =	sadd.s32 $0x1, s8  }
.LBB2_4:
0xc: {  	v3 =	vshrl.u32 v0, $0x8;
	v62 =	vshll.u32 v0, $0xD;
	v2 =	vand.u32 $0x1F80, v2  }
0xd: {  	v3 =	vand.u32 $0x3F, v3;
	v0 =	vand.u32 $0x6000, v62;
	v2 =	vsel vm1, $0xFFFFFF80, v2  }
0xe: {  	v3 =	vsel vm1, $0xFFFFFFFF, v3;
	v0 =	vsel vm1, $0xFFFFE000, v0;
	v4 =	vand.u32 $0xFFFFFC00, v2  }
0xf: {  	v0 =	vadd.s32 v0, v4;
	v63 =	vand.u32 $0xFFFFFC00, v3  }
0x10: {  	v2 =	vand.u32 $0x380, v2;
	v0 =	vadd.s32 v63, v0  }
0x11: {  	v3 =	vand.u32 $0x7F, v3;
	v0 =	vor.u32 v2, v0  }
0x12: {  	v0 =	vor.u32 v3, v0;
	_ =	sdelay $0x1  }
0x13: {  	(ifvalue) =	ssetifvalue $0x7FFFFFFF;
	s15 =	sadd.s32 $0x10, s15  }
0x14: {  	[tilespmem:s15], [sflag:$0x1] =	stream.indirect_vreg.gather [hbm4b:s2+s10], $0x1, v1, vm0, $0x4038;
	[tilespmem:$0x100] =	vst v63  }
0x15: {  	(ifvalue) =	ssetifvalue $0x7FFFFFFF;
	s15 =	sadd.s32 $0x10, s15  }
0x16: {  	[tilespmem:s15], [sflag:$0x1] =	stream.indirect_vreg.gather [hbm4b:s2+s10], $0x1, v0, vm0, $0x4038;
	[tilespmem:$0x100] =	vst v63  }
0x17: {  	_ =	swait.ge [sflag:s6], $0x40  }
0x18: {  	s30 =	sshrl.u32 s13, $0x3;
	[sflag:s6] =	ssyncset.done $0x0  }
0x19: {  	s31 =	sand.u32 $0x7, s13;
	s15 =	sadd.s32 s5, s30;
	[sflag:s6] =	ssyncadd.s32 $0xFFFFFFC0  }
0x1a: {  	[hbm4b:s15+s31] =	stream.linear.scatter [tilespmem:s14], [sflag:$0x3], $0x40, $0x38;
	[tilespmem:$0x100] =	vst v63  }
.LBB2_5:
0x1b: {  	s15 =	sadd.s32 $0x800, s11  }
0x1c: {  	p2 =	sgt.s32 s15, $0xFFF  }
0x1d: {  	s15 =	smov.u32 @p2 s3;
	p2 =	sne.s32 s12, s9  }
.Ltmp1:
0x1e: {  	p1 =	slt.u32 s12, $0x2;
	(pc) =	sbr.rel @!p2 .LBB2_6-.Ltmp1, $4  }
0x1f: {  	s14 =	simm.s32 @!p1 $0x3  }
0x20: {  	s16 =	sadd.s32 $0x1, s12;
	_ =	swait.ge @!p1 [sflag:s14], $0x40  }
0x21: {  	s13 =	smov.u32 s11;
	p0 =	por !p0, !p0;
	[sflag:s14] =	ssyncset.done @!p1 $0x0  }
0x22: {  	s12 =	smov.u32 s16;
	s11 =	smov.u32 s15;
	[sflag:s14] =	ssyncadd.s32 @!p1 $0xFFFFFFC0  }
.LBB2_1:
0x23: {  	p1 =	sge.u32 s12, s8  }
0x24: {  	s14 =	sxor.u32 @!p1 $0xFFFFFFFF, s12  }
0x25: {  	s31 =	sadd.s32 $0xFFFFFFFF, s12;
	s15 =	sshrl.u32 @!p1 s11, $0x3;
	s14 =	sshll.u32 @!p1 s14, $0x6  }
0x26: {  	s16 =	sand.u32 @!p1 $0x7, s11;
	s15 =	sadd.s32 @!p1 s4, s15;
	s14 =	sand.u32 @!p1 $0x40, s14  }
0x27: {  	[tilespmem:s14], [sflag:$0x2] =	stream.linear.gather @!p1 [hbm4b:s15+s16], $0x40, $0x38;
	[tilespmem:$0x100] =	vst v63  }
0x28: {  	p1 =	sge.u32 s31, s8  }
.Ltmp2:
0x29: {  	_ = 	snop;
	(pc) =	sbr.rel @p1 .LBB2_5-.Ltmp2, $1  }
0x2a: {  	_ =	sdelay $0x3  }
0x2b: {  	s14 =	simm.s32 $0x1  }
0x2c: {  	_ =	swait.ge [sflag:s7], $0x40;
	s14 =	simm.s32 @!p0 $0x0  }
0x2d: {  	[sflag:s7] =	ssyncset.done $0x0;
	s14 =	sshll.u32 s14, $0x6  }
0x2e: {  	[sflag:s7] =	ssyncadd.s32 $0xFFFFFFC0;
	(ifvalue) =	ssetifvalue $0x7FFFFFFF;
	v0 =	vld.msk [tilespmem:s14+$0x0 ss:$0x1], $0xffff;
	_ =	sdelay $0x2  }
0x2f: {  	s15 =	sadd.s32 $0x10, s14  }
0x30: {  	v3 =	vld.msk [tilespmem:s15+$0x0 ss:$0x1], $0xffff  }
0x31: {  	vm1 =	veq.s32 v0, $0x80000000;
	v1 =	vshll.u32 v0, $0x5  }
0x32: {  	v2 =	vshrl.u32 v0, $0x8;
	v0 =	vshll.u32 v0, $0xD;
	v1 =	vand.u32 $0x1F80, v1  }
0x33: {  	v2 =	vand.u32 $0x3F, v2;
	v0 =	vand.u32 $0x6000, v0;
	v1 =	vsel vm1, $0xFFFFFF80, v1  }
0x34: {  	v2 =	vsel vm1, $0xFFFFFFFF, v2;
	v0 =	vsel vm1, $0xFFFFE000, v0;
	v4 =	vand.u32 $0xFFFFFC00, v1  }
0x35: {  	v62 =	vshrl.u32 v3, $0x8;
	v61 =	vand.u32 $0xFFFFFC00, v2;
	v0 =	vadd.s32 v0, v4  }
0x36: {  	vm1 =	veq.s32 v3, $0x80000000;
	v1 =	vand.u32 $0x380, v1;
	v0 =	vadd.s32 v61, v0  }
0x37: {  	v2 =	vand.u32 $0x7F, v2;
	v0 =	vor.u32 v1, v0;
	v1 =	vshll.u32 v3, $0x5  }
0x38: {  	s17 =	sadd.s32 $0x10, s15;
	v4 =	vand.u32 $0x3F, v62;
	v3 =	vshll.u32 v3, $0xD;
	v1 =	vand.u32 $0x1F80, v1  }
0x39: {  	v2 =	vor.u32 v2, v0;
	v0 =	vld.msk [tilespmem:s17+$0x0 ss:$0x1], $0xffff;
	v3 =	vand.u32 $0x6000, v3;
	v1 =	vsel vm1, $0xFFFFFF80, v1  }
0x3a: {  	v4 =	vsel vm1, $0xFFFFFFFF, v4;
	v3 =	vsel vm1, $0xFFFFE000, v3;
	v5 =	vand.u32 $0xFFFFFC00, v1  }
0x3b: {  	s31 =	sshll.u32 s12, $0x6;
	v63 =	vand.u32 $0xFFFFFC00, v4;
	v3 =	vadd.s32 v3, v5  }
0x3c: {  	s16 =	simm.s32 $0x20;
	s15 =	sor.u32 $0x80, s14;
	s14 =	sand.u32 $0x40, s31;
	v1 =	vand.u32 $0x380, v1;
	v3 =	vadd.s32 v63, v3  }
0x3d: {  	s14 =	sor.u32 $0x80, s14;
	v4 =	vand.u32 $0x7F, v4;
	(ifvalue) =	ssetifvalue $0x7FFFFFFF;
	s17 =	sadd.s32 $0x10, s17;
	v1 =	vor.u32 v1, v3  }
0x3e: {  	[tilespmem:s15], [sflag:$0x1] =	stream.indirect_vreg.gather [hbm4b:s2+s10], $0x1, v2, vm0, $0x4038;
	vm1 =	veq.s32 v0, $0x80000000;
	v2 =	vshll.u32 v0, $0x5;
	v1 =	vor.u32 v4, v1;
	[tilespmem:$0x100] =	vst v63  }
.LBB2_3:
0x3f: {  	s16 =	sadd.s32 $0x10, s16;
	v3 =	vshrl.u32 v0, $0x8;
	v4 =	vshll.u32 v0, $0xD;
	v0 =	vld.msk [tilespmem:s17+$0x0 ss:$0x1], $0xffff;
	v2 =	vand.u32 $0x1F80, v2  }
0x40: {  	p1 =	slt.u32 s16, $0x30;
	v3 =	vand.u32 $0x3F, v3;
	v4 =	vand.u32 $0x6000, v4;
	v2 =	vsel vm1, $0xFFFFFF80, v2  }
.Ltmp3:
0x41: {  	v3 =	vsel vm1, $0xFFFFFFFF, v3;
	v4 =	vsel vm1, $0xFFFFE000, v4;
	v5 =	vand.u32 $0xFFFFFC00, v2;
	(pc) =	sbr.rel @p1 .LBB2_3-.Ltmp3, $4  }
0x42: {  	s15 =	sadd.s32 $0x10, s15;
	v4 =	vadd.s32 v4, v5;
	v5 =	vand.u32 $0xFFFFFC00, v3;
	(ifvalue) =	ssetifvalue $0x7FFFFFFF  }
0x43: {  	v2 =	vand.u32 $0x380, v2;
	v4 =	vadd.s32 v5, v4;
	[tilespmem:s15], [sflag:$0x1] =	stream.indirect_vreg.gather [hbm4b:s2+s10], $0x1, v1, vm0, $0x4038;
	[tilespmem:$0x100] =	vst v63  }
0x44: {  	v1 =	vand.u32 $0x7F, v3;
	v3 =	vor.u32 v2, v4  }
0x45: {  	s17 =	sadd.s32 $0x10, s17;
	vm1 =	veq.s32 v0, $0x80000000;
	v2 =	vshll.u32 v0, $0x5;
	v1 =	vor.u32 v1, v3  }
.Ltmp4:
0x46: {  	_ = 	snop;
	(pc) =	sbr.rel .LBB2_4-.Ltmp4, $1  }
0x47: {  	_ =	sdelay $0x3  }
.LBB2_6:
0x48: {  	_ =	sfence.sel $0x180000  }
0x49: {  	s2 =	simm.s32 $0x2;
	[bflag:$0x0] =	sbarrier.arrive $0xFFFF  }
0x4a: {  	s30 =	simm.s32 $0x3;
	[sflag:s2] =	ssyncpa.u1 $0x1  }
0x4b: {  	s31 =	simm.s32 $0x1;
	[sflag:s30] =	ssyncpa.u1 $0x1  }
0x4c: {  	[sflag:s31] =	ssyncpa.u1 $0x1  }
0x4d: {  	p0 =	sne.s32 s0, $0x0;
	_ =	strace $0x90000050  }
0x4e: {  	s0 =	sadd.s32 @!p0 $0x100000, s1;
	[bflag:$0x2] =	sbarrier.arrive $0xFFFF  }
0x4f: {  	[sflag:s0] =	ssyncadd.tile.s32 @!p0 $0x1;
	_ =	shalt  }
.Lfunc_end2:
_tile_overlayer_lowered:
.L_overlay_start_2:
0x50: {  	(tag) =	ssettag $0x2  }
0x51: {  	s0 =	rddreg [dreg:$0x0];
	s2 =	stileid.u32  }
0x52: {  	s1 =	rddreg [dreg:$0x1];
	p0 =	sne.s32 s2, $0x0  }
0x53: {  	s3 =	rddreg [dreg:$0x2];
	[bflag:$0x3] =	sbarrier.arrive $0xFFFF;
	s2 =	simm.s32 @!p0 $0x1C01  }
0x54: {  	[timem:s3], [sflag:s2] =	dma.local @!p0 [hbm:s0], s1  }
0x55: {  	s0 =	simm.s32 @!p0 $0x1  }
0x56: {  	_ =	swait.ge @!p0 [sflag:s0], s1  }
0x57: {  	s1 =	ssub.s32 @!p0 $0x0, s1;
	[sflag:s0] =	ssyncset.done @!p0 $0x0  }
0x58: {  	[sflag:s0] =	ssyncadd.s32 @!p0 s1  }
0x59: {  	[bflag:$0x3] =	sbarrier.arrive $0xFFFF  }
0x5a: {  	_ =	shalt  }

// kernel: gather_offload_async_start.3
scs
__scs_entry_jumppad:
0x0: {  	(pc) =	sbr.rel $0x88, $3  }
0x1: {  	(tag) =	ssettag $0x0;
	lr =	simm.s32 $0x1  }
0x2: {  	[smem:$0x3F79] =	sst lr;
	_ =	strace $0xD0000000  }
0x3: {  	_ = 	snop  }
0x4: {  	_ = 	snop  }
0x5: {  	_ = 	snop  }
0x6: {  	_ = 	snop  }
0x7: {  	_ = 	snop  }
__scs_overlays_trampoline_lowered:
0x8: {  	[smem:$0x3F88] =	sst s0  }
0x9: {  	[smem:$0x3F89] =	sst s1  }
0xa: {  	[smem:$0x3F8A] =	sst s2  }
0xb: {  	[smem:$0x3F8B] =	sst s3  }
0xc: {  	[smem:$0x3F8C] =	sst s4  }
0xd: {  	[smem:$0x3F8D] =	sst s5  }
0xe: {  	[smem:$0x3F8E] =	sst s6  }
0xf: {  	[smem:$0x3F8F] =	sst s7  }
0x10: {  	[smem:$0x3F90] =	sst s8  }
0x11: {  	[smem:$0x3F91] =	sst s9;
	s0 =	simm.s32 @!p0 $0x0  }
0x12: {  	s1 =	sld [smem:$0x3F77];
	s0 =	simm.s32 @p0 $0x1  }
0x13: {  	[smem:$0x3F92] =	sst s0;
	s0 =	simm.s32 @!p1 $0x0  }
0x14: {  	s2 =	sld [smem:$0x3F76];
	s0 =	simm.s32 @p1 $0x1  }
0x15: {  	[smem:$0x3F93] =	sst s0;
	s0 =	simm.s32 @!p2 $0x0  }
0x16: {  	s3 =	sld [smem:$0x3FDB];
	s0 =	simm.s32 @p2 $0x1  }
0x17: {  	s4 =	simm.s32 $0x1BF5;
	[smem:$0x3F95] =	sst s0  }
0x18: {  	s0 =	sld [smem:$0x3F78];
	_ =	swait.ge [sflag:s4], $0x0  }
0x19: {  	s7 =	sld [smem:$0x3F79]  }
0x1a: {  	s8 =	sadd.s32 $0xFFFFE003, lr  }
0x1b: {  	s9 =	sadd.s32 $0xFFFFFEF7, lr;
	s5 =	simm.s32 $0xFFFFFFFF;
	p2 =	slt.u32 s8, $0xFFFFF086  }
0x1c: {  	p1 =	slt.u32 s9, $0xF7A;
	s5 =	simm.s32 @!p2 $0x0  }
0x1d: {  	s5 =	simm.s32 @p1 $0x1;
	p0 =	seq.s32 s7, s2  }
0x1e: {  	s7 =	smul.u32 @!p0 $0xF7A, s2;
	p2 =	seq.s32 @!p0 s5, $0x0  }
0x1f: {  	s9 =	smul.u32 $0xF7A, s1;
	s8 =	simm.s32 @!p0 $0x1BF5;
	p2 =	por !p2, p0  }
0x20: {  	[sflag:s8] =	ssyncset.s32 @!p0 $0xFFFFF086;
	s6 =	sadd.s32 @!p0 s3, s7;
	s7 =	simm.s32 @!p0 $0x108  }
0x21: {  	s3 =	sadd.s32 s3, s9;
	s6 =	sadd.s32 @!p0 $0x88, s6;
	s7 =	simm.s32 @p2 $0x1082  }
0x22: {  	[simem:s7], [sflag:s8] =	dma.local @!p0 [hbm:s6], $0xF7A  }
0x23: {  	s9 =	sor.u32 $0xD0000000, s2;
	s6 =	simm.s32 $0x108;
	_ =	swait.ge @!p0 [sflag:s8], $0x0  }
0x24: {  	s3 =	sadd.s32 $0x88, s3;
	s6 =	simm.s32 @!p1 $0x1082;
	[sflag:s4] =	ssyncset.s32 $0xFFFFF086  }
0x25: {  	[simem:s6], [sflag:s4] =	dma.local [hbm:s3], $0xF7A  }
0x26: {  	[smem:$0x3F79] =	sst s1;
	(tag) =	ssettag s2;
	_ =	strace s9  }
0x27: {  	s1 =	sld [smem:$0x3F89]  }
0x28: {  	s2 =	sld [smem:$0x3F8A]  }
0x29: {  	s4 =	sld [smem:$0x3F8C]  }
0x2a: {  	p0 =	seq.s32 s5, $0x0;
	s5 =	sld [smem:$0x3F8D]  }
0x2b: {  	s6 =	sld [smem:$0x3F8E]  }
0x2c: {  	s7 =	sld [smem:$0x3F8F]  }
0x2d: {  	s3 =	simm.s32 $0x108;
	s8 =	sld [smem:$0x3F90]  }
0x2e: {  	s3 =	simm.s32 @!p0 $0x1082;
	s9 =	sld [smem:$0x3F91]  }
0x2f: {  	lr =	sadd.s32 s0, s3;
	s0 =	sld [smem:$0x3F88]  }
0x30: {  	s3 =	sld [smem:$0x3F8B]  }
0x31: {  	[smem:$0x3F94] =	sst s10  }
0x32: {  	s10 =	sld [smem:$0x3F92];
	_ =	sdelay $0x3  }
0x33: {  	p0 =	seq.s32 s10, $0x1;
	s10 =	sld [smem:$0x3F94];
	_ =	sdelay $0x3  }
0x34: {  	[smem:$0x3F94] =	sst s10  }
0x35: {  	s10 =	sld [smem:$0x3F93];
	_ =	sdelay $0x3  }
0x36: {  	p1 =	seq.s32 s10, $0x1;
	s10 =	sld [smem:$0x3F94];
	_ =	sdelay $0x3  }
0x37: {  	[smem:$0x3F94] =	sst s10  }
0x38: {  	s10 =	sld [smem:$0x3F95]  }
0x39: {  	_ = 	snop;
	(pc) =	sbr.ind lr, $3  }
0x3a: {  	_ = 	snop  }
0x3b: {  	_ = 	snop  }
0x3c: {  	p2 =	seq.s32 s10, $0x1;
	s10 =	sld [smem:$0x3F94]  }
0x3d: {  	_ =	shalt  }
0x3e: {  	_ =	shalt  }
0x3f: {  	_ =	shalt  }
0x40: {  	_ =	shalt  }
0x41: {  	_ =	shalt  }
0x42: {  	_ =	shalt  }
0x43: {  	_ =	shalt  }
0x44: {  	_ =	shalt  }
0x45: {  	_ =	shalt  }
0x46: {  	_ =	shalt  }
0x47: {  	_ =	shalt  }
0x48: {  	_ =	shalt  }
0x49: {  	_ =	shalt  }
0x4a: {  	_ =	shalt  }
0x4b: {  	_ =	shalt  }
0x4c: {  	_ =	shalt  }
0x4d: {  	_ =	shalt  }
0x4e: {  	_ =	shalt  }
0x4f: {  	_ =	shalt  }
0x50: {  	_ =	shalt  }
0x51: {  	_ =	shalt  }
0x52: {  	_ =	shalt  }
0x53: {  	_ =	shalt  }
0x54: {  	_ =	shalt  }
0x55: {  	_ =	shalt  }
0x56: {  	_ =	shalt  }
0x57: {  	_ =	shalt  }
0x58: {  	_ =	shalt  }
0x59: {  	_ =	shalt  }
0x5a: {  	_ =	shalt  }
0x5b: {  	_ =	shalt  }
0x5c: {  	_ =	shalt  }
0x5d: {  	_ =	shalt  }
0x5e: {  	_ =	shalt  }
0x5f: {  	_ =	shalt  }
0x60: {  	_ =	shalt  }
0x61: {  	_ =	shalt  }
0x62: {  	_ =	shalt  }
0x63: {  	_ =	shalt  }
0x64: {  	_ =	shalt  }
0x65: {  	_ =	shalt  }
0x66: {  	_ =	shalt  }
0x67: {  	_ =	shalt  }
0x68: {  	_ =	shalt  }
0x69: {  	_ =	shalt  }
0x6a: {  	_ =	shalt  }
0x6b: {  	_ =	shalt  }
0x6c: {  	_ =	shalt  }
0x6d: {  	_ =	shalt  }
0x6e: {  	_ =	shalt  }
0x6f: {  	_ =	shalt  }
0x70: {  	_ =	shalt  }
0x71: {  	_ =	shalt  }
0x72: {  	_ =	shalt  }
0x73: {  	_ =	shalt  }
0x74: {  	_ =	shalt  }
0x75: {  	_ =	shalt  }
0x76: {  	_ =	shalt  }
0x77: {  	_ =	shalt  }
0x78: {  	_ =	shalt  }
0x79: {  	_ =	shalt  }
0x7a: {  	_ =	shalt  }
0x7b: {  	_ =	shalt  }
0x7c: {  	_ =	shalt  }
0x7d: {  	_ =	shalt  }
0x7e: {  	_ =	shalt  }
0x7f: {  	_ =	shalt  }
0x80: {  	_ =	shalt  }
0x81: {  	_ =	shalt  }
0x82: {  	_ =	shalt  }
0x83: {  	_ =	shalt  }
0x84: {  	_ =	shalt  }
0x85: {  	_ =	shalt  }
0x86: {  	_ =	shalt  }
0x87: {  	_ =	shalt  }
.Lfunc_end0:
.L_simem_size_0:
called_computation.3_lowered:
.L_overlay_start_0:
0x88: {  	s2 =	sld [smem:$0x3FD9]  }
0x89: {  	s3 =	sld [smem:$0x3FFE];
	_ =	sdelay $0x1  }
0x8a: {  	s1 =	srdreg.scid  }
0x8b: {  	s0 =	sand.u32 $0x1, s1  }
0x8c: {  	s15 =	sshll.u32 s0, $0xA;
	s2 =	sadd.s32 s3, s2  }
0x8d: {  	s2 =	sadd.s32 s2, s15  }
0x8e: {  	[smem:$0x3FA0] =	sst s2  }
0x8f: {  	_ = 	snop  }
0x90: {  	s2 =	sld [smem:$0x3FD0];
	_ =	sdelay $0x2  }
0x91: {  	s16 =	simm.s32 $0xB;
	s4 =	simm.s32 $0x10  }
0x92: {  	[smem:s4], [sflag:s16] =	dma.local [hbm:s2], $0x1  }
0x93: {  	_ =	swait.eq [sflag:s16], $0x1  }
0x94: {  	[sflag:s16] =	ssyncset.done $0x0  }
0x95: {  	[sflag:s16] =	ssyncadd.s32 $0xFFFFFFFF  }
0x96: {  	s17 =	sld [smem:$0x10];
	(tm) =	ssettm $0x1  }
0x97: {  	s18 =	sld [smem:$0x3FFB];
	_ =	sdelay $0x3  }
0x98: {  	_ =	strace s18  }
0x99: {  	s2 =	sld [smem:$0x3FFC];
	_ =	sdelay $0x3  }
0x9a: {  	_ =	strace s2  }
0x9b: {  	s2 =	sld [smem:$0x3FFD];
	_ =	sdelay $0x3  }
0x9c: {  	_ =	strace s2  }
0x9d: {  	_ =	strace $0x8FFFFFFF  }
0x9e: {  	s19 =	sld [smem:$0x3FDB];
	_ =	sdelay $0x1  }
0x9f: {  	s20 =	simm.s32 $_scs_section_size  }
0xa0: {  	s5 =	simm.s32 $_size__tile_overlayer_lowered;
	s6 =	simm.s32 $_tile_overlayer_lowered  }
0xa1: {  	s7 =	simm.s32 $0x1BFF;
	s21 =	sshll.u32 s6, $0x1;
	s4 =	sadd.s32 s20, s19  }
0xa2: {  	s22 =	simm.s32 $0x0;
	s5 =	sshll.u32 s5, $0x1;
	s6 =	sadd.s32 s21, s4  }
0xa3: {  	[timem:s22], [sflag:s7] =	dma.local [hbm:s6], s5  }
0xa4: {  	_ =	swait.ge [sflag:s7], s5  }
0xa5: {  	s5 =	ssub.s32 $0x0, s5;
	[sflag:s7] =	ssyncset.done $0x0  }
0xa6: {  	[sflag:s7] =	ssyncadd.s32 s5;
	_ =	sdelay $0x1  }
0xa7: {  	s23 =	simm.s32 $0x1B8B  }
0xa8: {  	_ =	swait.ge [sflag:s23], $0x1  }
0xa9: {  	[sflag:s23] =	ssyncset.done $0x0  }
0xaa: {  	[sflag:s23] =	ssyncadd.s32 $0xFFFFFFFF  }
0xab: {  	s5 =	sld [smem:$0x0]  }
0xac: {  	s6 =	sand.u32 $0xFFFFFFFE, s1  }
0xad: {  	p0 =	sne.s32 s1, s6  }
0xae: {  	s6 =	sshll.u32 @p0 s6, $0xE  }
0xaf: {  	s6 =	sadd.s32 @p0 $0x11B8D, s6;
	s7 =	sshll.u32 @p0 s5, $0x11  }
0xb0: {  	s6 =	sor.u32 @p0 s7, s6  }
0xb1: {  	[sflag:s6] =	ssyncadd.remote.s32 @p0 $0x1;
	_ =	sdelay $0x1  }
0xb2: {  	s6 =	simm.s32 @p0 $0x1B8D  }
0xb3: {  	_ =	swait.eq @p0 [sflag:s6], $0x1  }
0xb4: {  	[sflag:s6] =	ssyncadd.s32 @p0 $0xFFFFFFFF  }
0xb5: {  	s7 =	sshll.u32 @!p0 s1, $0xE  }
0xb6: {  	s7 =	sor.u32 @!p0 $0x4000, s7;
	s6 =	simm.s32 @!p0 $0x1B8D  }
0xb7: {  	s5 =	sshll.u32 @!p0 s5, $0x11;
	s7 =	sadd.s32 @!p0 $0x11B8D, s7;
	_ =	swait.eq @!p0 [sflag:s6], $0x1  }
0xb8: {  	s5 =	sor.u32 @!p0 s5, s7;
	[sflag:s6] =	ssyncadd.s32 @!p0 $0xFFFFFFFF  }
0xb9: {  	s25 =	simm.s32 $0x1B8E;
	s24 =	sld [smem:$0x3FFE];
	[sflag:s5] =	ssyncadd.remote.s32 @!p0 $0x1  }
0xba: {  	s26 =	simm.s32 $execute0_lowered;
	[smem:$0x3FD2] =	sst s25  }
0xbb: {  	s6 =	sshll.u32 s26, $0x1;
	_ =	strace $0x8000004C;
	[dreg:$0x1] =	wrdreg $0xFFFFFFFF  }
0xbc: {  	s28 =	simm.s32 $_size_execute0_lowered;
	s4 =	sadd.s32 s4, s6;
	[dreg:$0x0] =	wrdreg $0x0  }
0xbd: {  	s6 =	sshll.u32 s28, $0x1;
	[dreg:$0x2] =	wrdreg s4  }
0xbe: {  	[dreg:$0x3] =	wrdreg s6  }
0xbf: {  	[dreg:$0x4] =	wrdreg $0xC0  }
0xc0: {  	_ =	task [dreg:s22], $0x5FFFF  }
0xc1: {  	[dreg:$0x1] =	wrdreg $0xFFFFFFFF  }
0xc2: {  	[dreg:$0x0] =	wrdreg $0x60  }
0xc3: {  	[dreg:$0x2] =	wrdreg s17  }
0xc4: {  	[dreg:$0x3] =	wrdreg s24  }
0xc5: {  	[dreg:$0x4] =	wrdreg $0x9  }
0xc6: {  	_ =	task.clear_ibuf [dreg:s22], $0x5FFFF;
	_ =	strace $0x9000004C  }
0xc7: {  	s29 =	simm.s32 $0x9;
	_ =	strace $0x8000004E  }
0xc8: {  	_ =	swait.ge [sflag:s29], $0x1  }
0xc9: {  	[sflag:s29] =	ssyncadd.s32 $0xFFFFFFFF  }
0xca: {  	_ =	strace $0x9000004E  }
0xcb: {  	_ =	sfence  }
0xcc: {  	s30 =	sld [smem:$0x0];
	_ =	sdelay $0x2  }
0xcd: {  	s31 =	sshll.u32 s1, $0xD;
	s1 =	sshrl.u32 s1, $0x2  }
0xce: {  	s4 =	sand.u32 $0x4000, s31;
	s1 =	sadd.s32 s1, s30  }
0xcf: {  	s0 =	sor.u32 s4, s0;
	s1 =	sshll.u32 s1, $0x11  }
0xd0: {  	s0 =	sor.u32 s1, s0  }
0xd1: {  	s0 =	sadd.s32 $0x8F2B, s0  }
0xd2: {  	[sflag:s0] =	ssyncadd.remote.s32 $0x1  }
0xd3: {  	_ =	sfence.sel $0xFFFF  }
0xd4: {  	[dreg:$0x0] =	wrdreg $0xFFFFFFFF;
	(pc) =	sbr.abs _section_cstart, $3  }
0xd5: {  	[dreg:$0x1] =	wrdreg $0xFFFFFFFF  }
0xd6: {  	_ =	task.clear_ibuf [dreg:s22], $0x2FFFF;
	_ =	strace $0x9FFFFFFF  }
0xd7: {  	(tm) =	ssettm $0x7FFFFFFF  }
tec
execute0_lowered:
.L_overlay_start_1:
0x0: {  	(tag) =	ssettag $0x1  }
0x1: {  	s1 =	srdreg.scid;
	s2 =	rddreg [dreg:$0x0]  }
0x2: {  	s0 =	stileid.u32;
	s5 =	rddreg [dreg:$0x1];
	s6 =	simm.s32 $0x1  }
0x3: {  	s9 =	simm.s32 $0x1;
	s10 =	simm.s32 $0x3;
	s1 =	sshll.u32 s1, $0x6  }
0x4: {  	s13 =	simm.s32 $0x0;
	s3 =	sshll.u32 s0, $0x7;
	s4 =	sand.u32 $0x40, s1  }
0x5: {  	s12 =	simm.s32 $0x0;
	s1 =	rddreg [dreg:$0x2];
	s3 =	sor.u32 s3, s4  }
0x6: {  	_ =	strace $0x8000004D;
	s4 =	sadd.s32 $0x3200, s5;
	s8 =	ssub.s32 $0x1000, s3  }
.Ltmp0:
0x7: {  	s5 =	sadd.s32 $0x1E00, s5;
	s7 =	sand.u32 $0x7C0, s8;
	(pc) =	sbr.rel .LBB2_1-.Ltmp0, $4  }
0x8: {  	[sflag:s6] =	ssyncpa.u1 $0x0;
	s11 =	smov.u32 s3;
	p0 =	sne.s32 s7, $0x0  }
0x9: {  	s8 =	sshrl.u32 s8, $0xB;
	s7 =	simm.s32 $0x2;
	s9 =	simm.s32 @!p0 $0x0  }
0xa: {  	[sflag:s7] =	ssyncpa.u1 $0x0;
	p0 =	por $0x0, $0x0;
	s8 =	sadd.s32 s9, s8  }
0xb: {  	vm0 =	vmmov $0xffff;
	[sflag:s10] =	ssyncpa.u1 $0x0;
	s10 =	simm.s32 $0x0;
	s9 =	sadd.s32 $0x1, s8  }
.LBB2_4:
0xc: {  	v3 =	vshrl.u32 v0, $0x8;
	v62 =	vshll.u32 v0, $0xD;
	v2 =	vand.u32 $0x1F80, v2  }
0xd: {  	v3 =	vand.u32 $0x3F, v3;
	v0 =	vand.u32 $0x6000, v62;
	v2 =	vsel vm1, $0xFFFFFF80, v2  }
0xe: {  	v3 =	vsel vm1, $0xFFFFFFFF, v3;
	v0 =	vsel vm1, $0xFFFFE000, v0;
	v4 =	vand.u32 $0xFFFFFC00, v2  }
0xf: {  	v0 =	vadd.s32 v0, v4;
	v63 =	vand.u32 $0xFFFFFC00, v3  }
0x10: {  	v2 =	vand.u32 $0x380, v2;
	v0 =	vadd.s32 v63, v0  }
0x11: {  	v3 =	vand.u32 $0x7F, v3;
	v0 =	vor.u32 v2, v0  }
0x12: {  	v0 =	vor.u32 v3, v0;
	_ =	sdelay $0x1  }
0x13: {  	(ifvalue) =	ssetifvalue $0x7FFFFFFF;
	s15 =	sadd.s32 $0x10, s15  }
0x14: {  	[tilespmem:s15], [sflag:$0x1] =	stream.indirect_vreg.gather [hbm4b:s2+s10], $0x1, v1, vm0, $0x4038;
	[tilespmem:$0x100] =	vst v63  }
0x15: {  	(ifvalue) =	ssetifvalue $0x7FFFFFFF;
	s15 =	sadd.s32 $0x10, s15  }
0x16: {  	[tilespmem:s15], [sflag:$0x1] =	stream.indirect_vreg.gather [hbm4b:s2+s10], $0x1, v0, vm0, $0x4038;
	[tilespmem:$0x100] =	vst v63  }
0x17: {  	_ =	swait.ge [sflag:s6], $0x40  }
0x18: {  	s30 =	sshrl.u32 s13, $0x3;
	[sflag:s6] =	ssyncset.done $0x0  }
0x19: {  	s31 =	sand.u32 $0x7, s13;
	s15 =	sadd.s32 s5, s30;
	[sflag:s6] =	ssyncadd.s32 $0xFFFFFFC0  }
0x1a: {  	[hbm4b:s15+s31] =	stream.linear.scatter [tilespmem:s14], [sflag:$0x3], $0x40, $0x38;
	[tilespmem:$0x100] =	vst v63  }
.LBB2_5:
0x1b: {  	s15 =	sadd.s32 $0x800, s11  }
0x1c: {  	p2 =	sgt.s32 s15, $0xFFF  }
0x1d: {  	s15 =	smov.u32 @p2 s3;
	p2 =	sne.s32 s12, s9  }
.Ltmp1:
0x1e: {  	p1 =	slt.u32 s12, $0x2;
	(pc) =	sbr.rel @!p2 .LBB2_6-.Ltmp1, $4  }
0x1f: {  	s14 =	simm.s32 @!p1 $0x3  }
0x20: {  	s16 =	sadd.s32 $0x1, s12;
	_ =	swait.ge @!p1 [sflag:s14], $0x40  }
0x21: {  	s13 =	smov.u32 s11;
	p0 =	por !p0, !p0;
	[sflag:s14] =	ssyncset.done @!p1 $0x0  }
0x22: {  	s12 =	smov.u32 s16;
	s11 =	smov.u32 s15;
	[sflag:s14] =	ssyncadd.s32 @!p1 $0xFFFFFFC0  }
.LBB2_1:
0x23: {  	p1 =	sge.u32 s12, s8  }
0x24: {  	s14 =	sxor.u32 @!p1 $0xFFFFFFFF, s12  }
0x25: {  	s31 =	sadd.s32 $0xFFFFFFFF, s12;
	s15 =	sshrl.u32 @!p1 s11, $0x3;
	s14 =	sshll.u32 @!p1 s14, $0x6  }
0x26: {  	s16 =	sand.u32 @!p1 $0x7, s11;
	s15 =	sadd.s32 @!p1 s4, s15;
	s14 =	sand.u32 @!p1 $0x40, s14  }
0x27: {  	[tilespmem:s14], [sflag:$0x2] =	stream.linear.gather @!p1 [hbm4b:s15+s16], $0x40, $0x38;
	[tilespmem:$0x100] =	vst v63  }
0x28: {  	p1 =	sge.u32 s31, s8  }
.Ltmp2:
0x29: {  	_ = 	snop;
	(pc) =	sbr.rel @p1 .LBB2_5-.Ltmp2, $1  }
0x2a: {  	_ =	sdelay $0x3  }
0x2b: {  	s14 =	simm.s32 $0x1  }
0x2c: {  	_ =	swait.ge [sflag:s7], $0x40;
	s14 =	simm.s32 @!p0 $0x0  }
0x2d: {  	[sflag:s7] =	ssyncset.done $0x0;
	s14 =	sshll.u32 s14, $0x6  }
0x2e: {  	[sflag:s7] =	ssyncadd.s32 $0xFFFFFFC0;
	(ifvalue) =	ssetifvalue $0x7FFFFFFF;
	v0 =	vld.msk [tilespmem:s14+$0x0 ss:$0x1], $0xffff;
	_ =	sdelay $0x2  }
0x2f: {  	s15 =	sadd.s32 $0x10, s14  }
0x30: {  	v3 =	vld.msk [tilespmem:s15+$0x0 ss:$0x1], $0xffff  }
0x31: {  	vm1 =	veq.s32 v0, $0x80000000;
	v1 =	vshll.u32 v0, $0x5  }
0x32: {  	v2 =	vshrl.u32 v0, $0x8;
	v0 =	vshll.u32 v0, $0xD;
	v1 =	vand.u32 $0x1F80, v1  }
0x33: {  	v2 =	vand.u32 $0x3F, v2;
	v0 =	vand.u32 $0x6000, v0;
	v1 =	vsel vm1, $0xFFFFFF80, v1  }
0x34: {  	v2 =	vsel vm1, $0xFFFFFFFF, v2;
	v0 =	vsel vm1, $0xFFFFE000, v0;
	v4 =	vand.u32 $0xFFFFFC00, v1  }
0x35: {  	v62 =	vshrl.u32 v3, $0x8;
	v61 =	vand.u32 $0xFFFFFC00, v2;
	v0 =	vadd.s32 v0, v4  }
0x36: {  	vm1 =	veq.s32 v3, $0x80000000;
	v1 =	vand.u32 $0x380, v1;
	v0 =	vadd.s32 v61, v0  }
0x37: {  	v2 =	vand.u32 $0x7F, v2;
	v0 =	vor.u32 v1, v0;
	v1 =	vshll.u32 v3, $0x5  }
0x38: {  	s17 =	sadd.s32 $0x10, s15;
	v4 =	vand.u32 $0x3F, v62;
	v3 =	vshll.u32 v3, $0xD;
	v1 =	vand.u32 $0x1F80, v1  }
0x39: {  	v2 =	vor.u32 v2, v0;
	v0 =	vld.msk [tilespmem:s17+$0x0 ss:$0x1], $0xffff;
	v3 =	vand.u32 $0x6000, v3;
	v1 =	vsel vm1, $0xFFFFFF80, v1  }
0x3a: {  	v4 =	vsel vm1, $0xFFFFFFFF, v4;
	v3 =	vsel vm1, $0xFFFFE000, v3;
	v5 =	vand.u32 $0xFFFFFC00, v1  }
0x3b: {  	s31 =	sshll.u32 s12, $0x6;
	v63 =	vand.u32 $0xFFFFFC00, v4;
	v3 =	vadd.s32 v3, v5  }
0x3c: {  	s16 =	simm.s32 $0x20;
	s15 =	sor.u32 $0x80, s14;
	s14 =	sand.u32 $0x40, s31;
	v1 =	vand.u32 $0x380, v1;
	v3 =	vadd.s32 v63, v3  }
0x3d: {  	s14 =	sor.u32 $0x80, s14;
	v4 =	vand.u32 $0x7F, v4;
	(ifvalue) =	ssetifvalue $0x7FFFFFFF;
	s17 =	sadd.s32 $0x10, s17;
	v1 =	vor.u32 v1, v3  }
0x3e: {  	[tilespmem:s15], [sflag:$0x1] =	stream.indirect_vreg.gather [hbm4b:s2+s10], $0x1, v2, vm0, $0x4038;
	vm1 =	veq.s32 v0, $0x80000000;
	v2 =	vshll.u32 v0, $0x5;
	v1 =	vor.u32 v4, v1;
	[tilespmem:$0x100] =	vst v63  }
.LBB2_3:
0x3f: {  	s16 =	sadd.s32 $0x10, s16;
	v3 =	vshrl.u32 v0, $0x8;
	v4 =	vshll.u32 v0, $0xD;
	v0 =	vld.msk [tilespmem:s17+$0x0 ss:$0x1], $0xffff;
	v2 =	vand.u32 $0x1F80, v2  }
0x40: {  	p1 =	slt.u32 s16, $0x30;
	v3 =	vand.u32 $0x3F, v3;
	v4 =	vand.u32 $0x6000, v4;
	v2 =	vsel vm1, $0xFFFFFF80, v2  }
.Ltmp3:
0x41: {  	v3 =	vsel vm1, $0xFFFFFFFF, v3;
	v4 =	vsel vm1, $0xFFFFE000, v4;
	v5 =	vand.u32 $0xFFFFFC00, v2;
	(pc) =	sbr.rel @p1 .LBB2_3-.Ltmp3, $4  }
0x42: {  	s15 =	sadd.s32 $0x10, s15;
	v4 =	vadd.s32 v4, v5;
	v5 =	vand.u32 $0xFFFFFC00, v3;
	(ifvalue) =	ssetifvalue $0x7FFFFFFF  }
0x43: {  	v2 =	vand.u32 $0x380, v2;
	v4 =	vadd.s32 v5, v4;
	[tilespmem:s15], [sflag:$0x1] =	stream.indirect_vreg.gather [hbm4b:s2+s10], $0x1, v1, vm0, $0x4038;
	[tilespmem:$0x100] =	vst v63  }
0x44: {  	v1 =	vand.u32 $0x7F, v3;
	v3 =	vor.u32 v2, v4  }
0x45: {  	s17 =	sadd.s32 $0x10, s17;
	vm1 =	veq.s32 v0, $0x80000000;
	v2 =	vshll.u32 v0, $0x5;
	v1 =	vor.u32 v1, v3  }
.Ltmp4:
0x46: {  	_ = 	snop;
	(pc) =	sbr.rel .LBB2_4-.Ltmp4, $1  }
0x47: {  	_ =	sdelay $0x3  }
.LBB2_6:
0x48: {  	_ =	sfence.sel $0x180000  }
0x49: {  	s2 =	simm.s32 $0x2;
	[bflag:$0x0] =	sbarrier.arrive $0xFFFF  }
0x4a: {  	s30 =	simm.s32 $0x3;
	[sflag:s2] =	ssyncpa.u1 $0x1  }
0x4b: {  	s31 =	simm.s32 $0x1;
	[sflag:s30] =	ssyncpa.u1 $0x1  }
0x4c: {  	[sflag:s31] =	ssyncpa.u1 $0x1  }
0x4d: {  	p0 =	sne.s32 s0, $0x0;
	_ =	strace $0x9000004D  }
0x4e: {  	s0 =	sadd.s32 @!p0 $0x100000, s1;
	[bflag:$0x2] =	sbarrier.arrive $0xFFFF  }
0x4f: {  	[sflag:s0] =	ssyncadd.tile.s32 @!p0 $0x1;
	_ =	shalt  }
.Lfunc_end2:
_tile_overlayer_lowered:
.L_overlay_start_2:
0x50: {  	(tag) =	ssettag $0x2  }
0x51: {  	s0 =	rddreg [dreg:$0x0];
	s2 =	stileid.u32  }
0x52: {  	s1 =	rddreg [dreg:$0x1];
	p0 =	sne.s32 s2, $0x0  }
0x53: {  	s3 =	rddreg [dreg:$0x2];
	[bflag:$0x3] =	sbarrier.arrive $0xFFFF;
	s2 =	simm.s32 @!p0 $0x1C01  }
0x54: {  	[timem:s3], [sflag:s2] =	dma.local @!p0 [hbm:s0], s1  }
0x55: {  	s0 =	simm.s32 @!p0 $0x1  }
0x56: {  	_ =	swait.ge @!p0 [sflag:s0], s1  }
0x57: {  	s1 =	ssub.s32 @!p0 $0x0, s1;
	[sflag:s0] =	ssyncset.done @!p0 $0x0  }
0x58: {  	[sflag:s0] =	ssyncadd.s32 @!p0 s1  }
0x59: {  	[bflag:$0x3] =	sbarrier.arrive $0xFFFF  }
0x5a: {  	_ =	shalt  }

// kernel: gather_offload_async_start.4
scs
__scs_entry_jumppad:
0x0: {  	(pc) =	sbr.rel $0x88, $3  }
0x1: {  	(tag) =	ssettag $0x0;
	lr =	simm.s32 $0x1  }
0x2: {  	[smem:$0x3F79] =	sst lr;
	_ =	strace $0xD0000000  }
0x3: {  	_ = 	snop  }
0x4: {  	_ = 	snop  }
0x5: {  	_ = 	snop  }
0x6: {  	_ = 	snop  }
0x7: {  	_ = 	snop  }
__scs_overlays_trampoline_lowered:
0x8: {  	[smem:$0x3F88] =	sst s0  }
0x9: {  	[smem:$0x3F89] =	sst s1  }
0xa: {  	[smem:$0x3F8A] =	sst s2  }
0xb: {  	[smem:$0x3F8B] =	sst s3  }
0xc: {  	[smem:$0x3F8C] =	sst s4  }
0xd: {  	[smem:$0x3F8D] =	sst s5  }
0xe: {  	[smem:$0x3F8E] =	sst s6  }
0xf: {  	[smem:$0x3F8F] =	sst s7  }
0x10: {  	[smem:$0x3F90] =	sst s8  }
0x11: {  	[smem:$0x3F91] =	sst s9;
	s0 =	simm.s32 @!p0 $0x0  }
0x12: {  	s1 =	sld [smem:$0x3F77];
	s0 =	simm.s32 @p0 $0x1  }
0x13: {  	[smem:$0x3F92] =	sst s0;
	s0 =	simm.s32 @!p1 $0x0  }
0x14: {  	s2 =	sld [smem:$0x3F76];
	s0 =	simm.s32 @p1 $0x1  }
0x15: {  	[smem:$0x3F93] =	sst s0;
	s0 =	simm.s32 @!p2 $0x0  }
0x16: {  	s3 =	sld [smem:$0x3FDB];
	s0 =	simm.s32 @p2 $0x1  }
0x17: {  	s4 =	simm.s32 $0x1BF5;
	[smem:$0x3F95] =	sst s0  }
0x18: {  	s0 =	sld [smem:$0x3F78];
	_ =	swait.ge [sflag:s4], $0x0  }
0x19: {  	s7 =	sld [smem:$0x3F79]  }
0x1a: {  	s8 =	sadd.s32 $0xFFFFE003, lr  }
0x1b: {  	s9 =	sadd.s32 $0xFFFFFEF7, lr;
	s5 =	simm.s32 $0xFFFFFFFF;
	p2 =	slt.u32 s8, $0xFFFFF086  }
0x1c: {  	p1 =	slt.u32 s9, $0xF7A;
	s5 =	simm.s32 @!p2 $0x0  }
0x1d: {  	s5 =	simm.s32 @p1 $0x1;
	p0 =	seq.s32 s7, s2  }
0x1e: {  	s7 =	smul.u32 @!p0 $0xF7A, s2;
	p2 =	seq.s32 @!p0 s5, $0x0  }
0x1f: {  	s9 =	smul.u32 $0xF7A, s1;
	s8 =	simm.s32 @!p0 $0x1BF5;
	p2 =	por !p2, p0  }
0x20: {  	[sflag:s8] =	ssyncset.s32 @!p0 $0xFFFFF086;
	s6 =	sadd.s32 @!p0 s3, s7;
	s7 =	simm.s32 @!p0 $0x108  }
0x21: {  	s3 =	sadd.s32 s3, s9;
	s6 =	sadd.s32 @!p0 $0x88, s6;
	s7 =	simm.s32 @p2 $0x1082  }
0x22: {  	[simem:s7], [sflag:s8] =	dma.local @!p0 [hbm:s6], $0xF7A  }
0x23: {  	s9 =	sor.u32 $0xD0000000, s2;
	s6 =	simm.s32 $0x108;
	_ =	swait.ge @!p0 [sflag:s8], $0x0  }
0x24: {  	s3 =	sadd.s32 $0x88, s3;
	s6 =	simm.s32 @!p1 $0x1082;
	[sflag:s4] =	ssyncset.s32 $0xFFFFF086  }
0x25: {  	[simem:s6], [sflag:s4] =	dma.local [hbm:s3], $0xF7A  }
0x26: {  	[smem:$0x3F79] =	sst s1;
	(tag) =	ssettag s2;
	_ =	strace s9  }
0x27: {  	s1 =	sld [smem:$0x3F89]  }
0x28: {  	s2 =	sld [smem:$0x3F8A]  }
0x29: {  	s4 =	sld [smem:$0x3F8C]  }
0x2a: {  	p0 =	seq.s32 s5, $0x0;
	s5 =	sld [smem:$0x3F8D]  }
0x2b: {  	s6 =	sld [smem:$0x3F8E]  }
0x2c: {  	s7 =	sld [smem:$0x3F8F]  }
0x2d: {  	s3 =	simm.s32 $0x108;
	s8 =	sld [smem:$0x3F90]  }
0x2e: {  	s3 =	simm.s32 @!p0 $0x1082;
	s9 =	sld [smem:$0x3F91]  }
0x2f: {  	lr =	sadd.s32 s0, s3;
	s0 =	sld [smem:$0x3F88]  }
0x30: {  	s3 =	sld [smem:$0x3F8B]  }
0x31: {  	[smem:$0x3F94] =	sst s10  }
0x32: {  	s10 =	sld [smem:$0x3F92];
	_ =	sdelay $0x3  }
0x33: {  	p0 =	seq.s32 s10, $0x1;
	s10 =	sld [smem:$0x3F94];
	_ =	sdelay $0x3  }
0x34: {  	[smem:$0x3F94] =	sst s10  }
0x35: {  	s10 =	sld [smem:$0x3F93];
	_ =	sdelay $0x3  }
0x36: {  	p1 =	seq.s32 s10, $0x1;
	s10 =	sld [smem:$0x3F94];
	_ =	sdelay $0x3  }
0x37: {  	[smem:$0x3F94] =	sst s10  }
0x38: {  	s10 =	sld [smem:$0x3F95]  }
0x39: {  	_ = 	snop;
	(pc) =	sbr.ind lr, $3  }
0x3a: {  	_ = 	snop  }
0x3b: {  	_ = 	snop  }
0x3c: {  	p2 =	seq.s32 s10, $0x1;
	s10 =	sld [smem:$0x3F94]  }
0x3d: {  	_ =	shalt  }
0x3e: {  	_ =	shalt  }
0x3f: {  	_ =	shalt  }
0x40: {  	_ =	shalt  }
0x41: {  	_ =	shalt  }
0x42: {  	_ =	shalt  }
0x43: {  	_ =	shalt  }
0x44: {  	_ =	shalt  }
0x45: {  	_ =	shalt  }
0x46: {  	_ =	shalt  }
0x47: {  	_ =	shalt  }
0x48: {  	_ =	shalt  }
0x49: {  	_ =	shalt  }
0x4a: {  	_ =	shalt  }
0x4b: {  	_ =	shalt  }
0x4c: {  	_ =	shalt  }
0x4d: {  	_ =	shalt  }
0x4e: {  	_ =	shalt  }
0x4f: {  	_ =	shalt  }
0x50: {  	_ =	shalt  }
0x51: {  	_ =	shalt  }
0x52: {  	_ =	shalt  }
0x53: {  	_ =	shalt  }
0x54: {  	_ =	shalt  }
0x55: {  	_ =	shalt  }
0x56: {  	_ =	shalt  }
0x57: {  	_ =	shalt  }
0x58: {  	_ =	shalt  }
0x59: {  	_ =	shalt  }
0x5a: {  	_ =	shalt  }
0x5b: {  	_ =	shalt  }
0x5c: {  	_ =	shalt  }
0x5d: {  	_ =	shalt  }
0x5e: {  	_ =	shalt  }
0x5f: {  	_ =	shalt  }
0x60: {  	_ =	shalt  }
0x61: {  	_ =	shalt  }
0x62: {  	_ =	shalt  }
0x63: {  	_ =	shalt  }
0x64: {  	_ =	shalt  }
0x65: {  	_ =	shalt  }
0x66: {  	_ =	shalt  }
0x67: {  	_ =	shalt  }
0x68: {  	_ =	shalt  }
0x69: {  	_ =	shalt  }
0x6a: {  	_ =	shalt  }
0x6b: {  	_ =	shalt  }
0x6c: {  	_ =	shalt  }
0x6d: {  	_ =	shalt  }
0x6e: {  	_ =	shalt  }
0x6f: {  	_ =	shalt  }
0x70: {  	_ =	shalt  }
0x71: {  	_ =	shalt  }
0x72: {  	_ =	shalt  }
0x73: {  	_ =	shalt  }
0x74: {  	_ =	shalt  }
0x75: {  	_ =	shalt  }
0x76: {  	_ =	shalt  }
0x77: {  	_ =	shalt  }
0x78: {  	_ =	shalt  }
0x79: {  	_ =	shalt  }
0x7a: {  	_ =	shalt  }
0x7b: {  	_ =	shalt  }
0x7c: {  	_ =	shalt  }
0x7d: {  	_ =	shalt  }
0x7e: {  	_ =	shalt  }
0x7f: {  	_ =	shalt  }
0x80: {  	_ =	shalt  }
0x81: {  	_ =	shalt  }
0x82: {  	_ =	shalt  }
0x83: {  	_ =	shalt  }
0x84: {  	_ =	shalt  }
0x85: {  	_ =	shalt  }
0x86: {  	_ =	shalt  }
0x87: {  	_ =	shalt  }
.Lfunc_end0:
.L_simem_size_0:
called_computation.4_lowered:
.L_overlay_start_0:
0x88: {  	s2 =	sld [smem:$0x3FD9]  }
0x89: {  	s3 =	sld [smem:$0x3FFE];
	_ =	sdelay $0x1  }
0x8a: {  	s1 =	srdreg.scid  }
0x8b: {  	s0 =	sand.u32 $0x1, s1  }
0x8c: {  	s14 =	sshll.u32 s0, $0xA;
	s2 =	sadd.s32 s3, s2  }
0x8d: {  	s2 =	sadd.s32 s2, s14  }
0x8e: {  	[smem:$0x3FA0] =	sst s2  }
0x8f: {  	_ = 	snop  }
0x90: {  	s2 =	sld [smem:$0x3FD0];
	_ =	sdelay $0x2  }
0x91: {  	s15 =	simm.s32 $0xB;
	s4 =	simm.s32 $0x10  }
0x92: {  	[smem:s4], [sflag:s15] =	dma.local [hbm:s2], $0x1  }
0x93: {  	_ =	swait.eq [sflag:s15], $0x1  }
0x94: {  	[sflag:s15] =	ssyncset.done $0x0  }
0x95: {  	s16 =	sld [smem:$0x10];
	[sflag:s15] =	ssyncadd.s32 $0xFFFFFFFF  }
0x96: {  	s17 =	sld [smem:$0x11];
	(tm) =	ssettm $0x1  }
0x97: {  	s18 =	sld [smem:$0x3FFB];
	_ =	sdelay $0x3  }
0x98: {  	_ =	strace s18  }
0x99: {  	s4 =	sld [smem:$0x3FFC];
	_ =	sdelay $0x3  }
0x9a: {  	_ =	strace s4  }
0x9b: {  	s4 =	sld [smem:$0x3FFD];
	_ =	sdelay $0x3  }
0x9c: {  	_ =	strace s4  }
0x9d: {  	_ =	strace $0x8FFFFFFF  }
0x9e: {  	s19 =	sld [smem:$0x3FDB];
	_ =	sdelay $0x1  }
0x9f: {  	s5 =	simm.s32 $_scs_section_size  }
0xa0: {  	s6 =	simm.s32 $_size__tile_overlayer_lowered;
	s7 =	simm.s32 $_tile_overlayer_lowered  }
0xa1: {  	s22 =	simm.s32 $0x1BFF;
	s21 =	sshll.u32 s7, $0x1;
	s4 =	sadd.s32 s5, s19  }
0xa2: {  	s8 =	simm.s32 $0x0;
	s20 =	sshll.u32 s6, $0x1;
	s6 =	sadd.s32 s21, s4  }
0xa3: {  	[timem:s8], [sflag:s22] =	dma.local [hbm:s6], s20  }
0xa4: {  	_ =	swait.ge [sflag:s22], s20  }
0xa5: {  	s5 =	ssub.s32 $0x0, s20;
	[sflag:s22] =	ssyncset.done $0x0  }
0xa6: {  	[sflag:s22] =	ssyncadd.s32 s5;
	_ =	sdelay $0x1  }
0xa7: {  	s23 =	simm.s32 $0x1B8B  }
0xa8: {  	_ =	swait.ge [sflag:s23], $0x1  }
0xa9: {  	[sflag:s23] =	ssyncset.done $0x0  }
0xaa: {  	s25 =	simm.s32 $0x1B8E;
	s24 =	sld [smem:$0x3FFE];
	[sflag:s23] =	ssyncadd.s32 $0xFFFFFFFF  }
0xab: {  	s26 =	simm.s32 $execute0_lowered;
	[smem:$0x3FD2] =	sst s25  }
0xac: {  	s6 =	sshll.u32 s26, $0x1;
	_ =	strace $0x80000049;
	[dreg:$0x1] =	wrdreg $0xFFFFFFFF  }
0xad: {  	s28 =	simm.s32 $_size_execute0_lowered;
	s4 =	sadd.s32 s4, s6;
	[dreg:$0x0] =	wrdreg $0x0  }
0xae: {  	s6 =	sshll.u32 s28, $0x1;
	[dreg:$0x2] =	wrdreg s4  }
0xaf: {  	[dreg:$0x3] =	wrdreg s6  }
0xb0: {  	[dreg:$0x4] =	wrdreg $0xC0  }
0xb1: {  	_ =	task [dreg:s8], $0x5FFFF  }
0xb2: {  	[dreg:$0x1] =	wrdreg $0xFFFFFFFF  }
0xb3: {  	[dreg:$0x0] =	wrdreg $0x60  }
0xb4: {  	[dreg:$0x2] =	wrdreg s16  }
0xb5: {  	[dreg:$0x3] =	wrdreg s17  }
0xb6: {  	[dreg:$0x4] =	wrdreg s24  }
0xb7: {  	[dreg:$0x5] =	wrdreg $0xA  }
0xb8: {  	_ =	task.clear_ibuf [dreg:s8], $0x6FFFF;
	_ =	strace $0x90000049  }
0xb9: {  	s29 =	simm.s32 $0xA;
	_ =	strace $0x8000004B  }
0xba: {  	_ =	swait.ge [sflag:s29], $0x1  }
0xbb: {  	[sflag:s29] =	ssyncadd.s32 $0xFFFFFFFF  }
0xbc: {  	_ =	strace $0x9000004B  }
0xbd: {  	_ =	sfence  }
0xbe: {  	s30 =	sld [smem:$0x0];
	_ =	sdelay $0x2  }
0xbf: {  	s31 =	sshll.u32 s1, $0xD;
	s1 =	sshrl.u32 s1, $0x2  }
0xc0: {  	s3 =	sand.u32 $0x4000, s31;
	s1 =	sadd.s32 s1, s30  }
0xc1: {  	s0 =	sor.u32 s3, s0;
	s1 =	sshll.u32 s1, $0x11  }
0xc2: {  	s0 =	sor.u32 s1, s0  }
0xc3: {  	s0 =	sadd.s32 $0x8F2B, s0  }
0xc4: {  	[sflag:s0] =	ssyncadd.remote.s32 $0x1  }
0xc5: {  	_ =	sfence.sel $0xFFFF  }
0xc6: {  	[dreg:$0x0] =	wrdreg $0xFFFFFFFF;
	(pc) =	sbr.abs _section_cstart, $3  }
0xc7: {  	[dreg:$0x1] =	wrdreg $0xFFFFFFFF  }
0xc8: {  	_ =	task.clear_ibuf [dreg:s8], $0x2FFFF;
	_ =	strace $0x9FFFFFFF  }
0xc9: {  	(tm) =	ssettm $0x7FFFFFFF  }
tec
execute0_lowered:
.L_overlay_start_1:
0x0: {  	(tag) =	ssettag $0x1  }
0x1: {  	s2 =	rddreg [dreg:$0x0]  }
0x2: {  	s1 =	srdreg.scid;
	s3 =	rddreg [dreg:$0x1]  }
0x3: {  	s0 =	stileid.u32;
	s5 =	rddreg [dreg:$0x2]  }
0x4: {  	s9 =	simm.s32 $0x1;
	s10 =	simm.s32 $0x3;
	s1 =	sshll.u32 s1, $0x6  }
0x5: {  	s13 =	simm.s32 $0x0;
	s4 =	sshll.u32 s0, $0x7;
	s6 =	sand.u32 $0x40, s1  }
0x6: {  	s12 =	simm.s32 $0x0;
	s5 =	sadd.s32 $0x1C00, s5;
	s4 =	sor.u32 s4, s6  }
0x7: {  	s1 =	rddreg [dreg:$0x3];
	_ =	strace $0x8000004A;
	s8 =	ssub.s32 $0x1000, s4  }
.Ltmp0:
0x8: {  	s6 =	simm.s32 $0x1;
	s7 =	sand.u32 $0x7C0, s8;
	(pc) =	sbr.rel .LBB2_1-.Ltmp0, $4  }
0x9: {  	[sflag:s6] =	ssyncpa.u1 $0x0;
	s11 =	smov.u32 s4;
	p0 =	sne.s32 s7, $0x0  }
0xa: {  	s8 =	sshrl.u32 s8, $0xB;
	s7 =	simm.s32 $0x2;
	s9 =	simm.s32 @!p0 $0x0  }
0xb: {  	[sflag:s7] =	ssyncpa.u1 $0x0;
	p0 =	por $0x0, $0x0;
	s8 =	sadd.s32 s9, s8  }
0xc: {  	vm0 =	vmmov $0xffff;
	[sflag:s10] =	ssyncpa.u1 $0x0;
	s10 =	simm.s32 $0x0;
	s9 =	sadd.s32 $0x1, s8  }
.LBB2_4:
0xd: {  	v3 =	vshrl.u32 v0, $0x8;
	v62 =	vshll.u32 v0, $0xD;
	v2 =	vand.u32 $0x1F80, v2  }
0xe: {  	v3 =	vand.u32 $0x3F, v3;
	v0 =	vand.u32 $0x6000, v62;
	v2 =	vsel vm1, $0xFFFFFF80, v2  }
0xf: {  	v3 =	vsel vm1, $0xFFFFFFFF, v3;
	v0 =	vsel vm1, $0xFFFFE000, v0;
	v4 =	vand.u32 $0xFFFFFC00, v2  }
0x10: {  	v0 =	vadd.s32 v0, v4;
	v63 =	vand.u32 $0xFFFFFC00, v3  }
0x11: {  	v2 =	vand.u32 $0x380, v2;
	v0 =	vadd.s32 v63, v0  }
0x12: {  	v3 =	vand.u32 $0x7F, v3;
	v0 =	vor.u32 v2, v0  }
0x13: {  	v0 =	vor.u32 v3, v0;
	_ =	sdelay $0x1  }
0x14: {  	(ifvalue) =	ssetifvalue $0x7FFFFFFF;
	s15 =	sadd.s32 $0x10, s15  }
0x15: {  	[tilespmem:s15], [sflag:$0x1] =	stream.indirect_vreg.gather [hbm4b:s2+s10], $0x1, v1, vm0, $0x4038;
	[tilespmem:$0x100] =	vst v63  }
0x16: {  	(ifvalue) =	ssetifvalue $0x7FFFFFFF;
	s15 =	sadd.s32 $0x10, s15  }
0x17: {  	[tilespmem:s15], [sflag:$0x1] =	stream.indirect_vreg.gather [hbm4b:s2+s10], $0x1, v0, vm0, $0x4038;
	[tilespmem:$0x100] =	vst v63  }
0x18: {  	_ =	swait.ge [sflag:s6], $0x40  }
0x19: {  	s30 =	sshrl.u32 s13, $0x3;
	[sflag:s6] =	ssyncset.done $0x0  }
0x1a: {  	s31 =	sand.u32 $0x7, s13;
	s15 =	sadd.s32 s5, s30;
	[sflag:s6] =	ssyncadd.s32 $0xFFFFFFC0  }
0x1b: {  	[hbm4b:s15+s31] =	stream.linear.scatter [tilespmem:s14], [sflag:$0x3], $0x40, $0x38;
	[tilespmem:$0x100] =	vst v63  }
.LBB2_5:
0x1c: {  	s15 =	sadd.s32 $0x800, s11  }
0x1d: {  	p2 =	sgt.s32 s15, $0xFFF  }
0x1e: {  	s15 =	smov.u32 @p2 s4;
	p2 =	sne.s32 s12, s9  }
.Ltmp1:
0x1f: {  	p1 =	slt.u32 s12, $0x2;
	(pc) =	sbr.rel @!p2 .LBB2_6-.Ltmp1, $4  }
0x20: {  	s14 =	simm.s32 @!p1 $0x3  }
0x21: {  	s16 =	sadd.s32 $0x1, s12;
	_ =	swait.ge @!p1 [sflag:s14], $0x40  }
0x22: {  	s13 =	smov.u32 s11;
	p0 =	por !p0, !p0;
	[sflag:s14] =	ssyncset.done @!p1 $0x0  }
0x23: {  	s12 =	smov.u32 s16;
	s11 =	smov.u32 s15;
	[sflag:s14] =	ssyncadd.s32 @!p1 $0xFFFFFFC0  }
.LBB2_1:
0x24: {  	p1 =	sge.u32 s12, s8  }
0x25: {  	s14 =	sxor.u32 @!p1 $0xFFFFFFFF, s12  }
0x26: {  	s31 =	sadd.s32 $0xFFFFFFFF, s12;
	s15 =	sshrl.u32 @!p1 s11, $0x3;
	s14 =	sshll.u32 @!p1 s14, $0x6  }
0x27: {  	s16 =	sand.u32 @!p1 $0x7, s11;
	s15 =	sadd.s32 @!p1 s3, s15;
	s14 =	sand.u32 @!p1 $0x40, s14  }
0x28: {  	[tilespmem:s14], [sflag:$0x2] =	stream.linear.gather @!p1 [hbm4b:s15+s16], $0x40, $0x38;
	[tilespmem:$0x100] =	vst v63  }
0x29: {  	p1 =	sge.u32 s31, s8  }
.Ltmp2:
0x2a: {  	_ = 	snop;
	(pc) =	sbr.rel @p1 .LBB2_5-.Ltmp2, $1  }
0x2b: {  	_ =	sdelay $0x3  }
0x2c: {  	s14 =	simm.s32 $0x1  }
0x2d: {  	_ =	swait.ge [sflag:s7], $0x40;
	s14 =	simm.s32 @!p0 $0x0  }
0x2e: {  	[sflag:s7] =	ssyncset.done $0x0;
	s14 =	sshll.u32 s14, $0x6  }
0x2f: {  	[sflag:s7] =	ssyncadd.s32 $0xFFFFFFC0;
	(ifvalue) =	ssetifvalue $0x7FFFFFFF;
	v0 =	vld.msk [tilespmem:s14+$0x0 ss:$0x1], $0xffff;
	_ =	sdelay $0x2  }
0x30: {  	s15 =	sadd.s32 $0x10, s14  }
0x31: {  	v3 =	vld.msk [tilespmem:s15+$0x0 ss:$0x1], $0xffff  }
0x32: {  	vm1 =	veq.s32 v0, $0x80000000;
	v1 =	vshll.u32 v0, $0x5  }
0x33: {  	v2 =	vshrl.u32 v0, $0x8;
	v0 =	vshll.u32 v0, $0xD;
	v1 =	vand.u32 $0x1F80, v1  }
0x34: {  	v2 =	vand.u32 $0x3F, v2;
	v0 =	vand.u32 $0x6000, v0;
	v1 =	vsel vm1, $0xFFFFFF80, v1  }
0x35: {  	v2 =	vsel vm1, $0xFFFFFFFF, v2;
	v0 =	vsel vm1, $0xFFFFE000, v0;
	v4 =	vand.u32 $0xFFFFFC00, v1  }
0x36: {  	v62 =	vshrl.u32 v3, $0x8;
	v61 =	vand.u32 $0xFFFFFC00, v2;
	v0 =	vadd.s32 v0, v4  }
0x37: {  	vm1 =	veq.s32 v3, $0x80000000;
	v1 =	vand.u32 $0x380, v1;
	v0 =	vadd.s32 v61, v0  }
0x38: {  	v2 =	vand.u32 $0x7F, v2;
	v0 =	vor.u32 v1, v0;
	v1 =	vshll.u32 v3, $0x5  }
0x39: {  	s17 =	sadd.s32 $0x10, s15;
	v4 =	vand.u32 $0x3F, v62;
	v3 =	vshll.u32 v3, $0xD;
	v1 =	vand.u32 $0x1F80, v1  }
0x3a: {  	v2 =	vor.u32 v2, v0;
	v0 =	vld.msk [tilespmem:s17+$0x0 ss:$0x1], $0xffff;
	v3 =	vand.u32 $0x6000, v3;
	v1 =	vsel vm1, $0xFFFFFF80, v1  }
0x3b: {  	v4 =	vsel vm1, $0xFFFFFFFF, v4;
	v3 =	vsel vm1, $0xFFFFE000, v3;
	v5 =	vand.u32 $0xFFFFFC00, v1  }
0x3c: {  	s31 =	sshll.u32 s12, $0x6;
	v63 =	vand.u32 $0xFFFFFC00, v4;
	v3 =	vadd.s32 v3, v5  }
0x3d: {  	s16 =	simm.s32 $0x20;
	s15 =	sor.u32 $0x80, s14;
	s14 =	sand.u32 $0x40, s31;
	v1 =	vand.u32 $0x380, v1;
	v3 =	vadd.s32 v63, v3  }
0x3e: {  	s14 =	sor.u32 $0x80, s14;
	v4 =	vand.u32 $0x7F, v4;
	(ifvalue) =	ssetifvalue $0x7FFFFFFF;
	s17 =	sadd.s32 $0x10, s17;
	v1 =	vor.u32 v1, v3  }
0x3f: {  	[tilespmem:s15], [sflag:$0x1] =	stream.indirect_vreg.gather [hbm4b:s2+s10], $0x1, v2, vm0, $0x4038;
	vm1 =	veq.s32 v0, $0x80000000;
	v2 =	vshll.u32 v0, $0x5;
	v1 =	vor.u32 v4, v1;
	[tilespmem:$0x100] =	vst v63  }
.LBB2_3:
0x40: {  	s16 =	sadd.s32 $0x10, s16;
	v3 =	vshrl.u32 v0, $0x8;
	v4 =	vshll.u32 v0, $0xD;
	v0 =	vld.msk [tilespmem:s17+$0x0 ss:$0x1], $0xffff;
	v2 =	vand.u32 $0x1F80, v2  }
0x41: {  	p1 =	slt.u32 s16, $0x30;
	v3 =	vand.u32 $0x3F, v3;
	v4 =	vand.u32 $0x6000, v4;
	v2 =	vsel vm1, $0xFFFFFF80, v2  }
.Ltmp3:
0x42: {  	v3 =	vsel vm1, $0xFFFFFFFF, v3;
	v4 =	vsel vm1, $0xFFFFE000, v4;
	v5 =	vand.u32 $0xFFFFFC00, v2;
	(pc) =	sbr.rel @p1 .LBB2_3-.Ltmp3, $4  }
0x43: {  	s15 =	sadd.s32 $0x10, s15;
	v4 =	vadd.s32 v4, v5;
	v5 =	vand.u32 $0xFFFFFC00, v3;
	(ifvalue) =	ssetifvalue $0x7FFFFFFF  }
0x44: {  	v2 =	vand.u32 $0x380, v2;
	v4 =	vadd.s32 v5, v4;
	[tilespmem:s15], [sflag:$0x1] =	stream.indirect_vreg.gather [hbm4b:s2+s10], $0x1, v1, vm0, $0x4038;
	[tilespmem:$0x100] =	vst v63  }
0x45: {  	v1 =	vand.u32 $0x7F, v3;
	v3 =	vor.u32 v2, v4  }
0x46: {  	s17 =	sadd.s32 $0x10, s17;
	vm1 =	veq.s32 v0, $0x80000000;
	v2 =	vshll.u32 v0, $0x5;
	v1 =	vor.u32 v1, v3  }
.Ltmp4:
0x47: {  	_ = 	snop;
	(pc) =	sbr.rel .LBB2_4-.Ltmp4, $1  }
0x48: {  	_ =	sdelay $0x3  }
.LBB2_6:
0x49: {  	_ =	sfence.sel $0x180000  }
0x4a: {  	s2 =	simm.s32 $0x2;
	[bflag:$0x0] =	sbarrier.arrive $0xFFFF  }
0x4b: {  	s30 =	simm.s32 $0x3;
	[sflag:s2] =	ssyncpa.u1 $0x1  }
0x4c: {  	s31 =	simm.s32 $0x1;
	[sflag:s30] =	ssyncpa.u1 $0x1  }
0x4d: {  	[sflag:s31] =	ssyncpa.u1 $0x1  }
0x4e: {  	p0 =	sne.s32 s0, $0x0;
	_ =	strace $0x9000004A  }
0x4f: {  	s0 =	sadd.s32 @!p0 $0x100000, s1;
	[bflag:$0x2] =	sbarrier.arrive $0xFFFF  }
0x50: {  	[sflag:s0] =	ssyncadd.tile.s32 @!p0 $0x1;
	_ =	shalt  }
.Lfunc_end2:
_tile_overlayer_lowered:
.L_overlay_start_2:
0x51: {  	(tag) =	ssettag $0x2  }
0x52: {  	s0 =	rddreg [dreg:$0x0];
	s2 =	stileid.u32  }
0x53: {  	s1 =	rddreg [dreg:$0x1];
	p0 =	sne.s32 s2, $0x0  }
0x54: {  	s3 =	rddreg [dreg:$0x2];
	[bflag:$0x3] =	sbarrier.arrive $0xFFFF;
	s2 =	simm.s32 @!p0 $0x1C01  }
0x55: {  	[timem:s3], [sflag:s2] =	dma.local @!p0 [hbm:s0], s1  }
0x56: {  	s0 =	simm.s32 @!p0 $0x1  }
0x57: {  	_ =	swait.ge @!p0 [sflag:s0], s1  }
0x58: {  	s1 =	ssub.s32 @!p0 $0x0, s1;
	[sflag:s0] =	ssyncset.done @!p0 $0x0  }
0x59: {  	[sflag:s0] =	ssyncadd.s32 @!p0 s1  }
0x5a: {  	[bflag:$0x3] =	sbarrier.arrive $0xFFFF  }
0x5b: {  	_ =	shalt  }

// kernel: gather_offload_async_start.5
scs
__scs_entry_jumppad:
0x0: {  	(pc) =	sbr.rel $0x88, $3  }
0x1: {  	(tag) =	ssettag $0x0;
	lr =	simm.s32 $0x1  }
0x2: {  	[smem:$0x3F79] =	sst lr;
	_ =	strace $0xD0000000  }
0x3: {  	_ = 	snop  }
0x4: {  	_ = 	snop  }
0x5: {  	_ = 	snop  }
0x6: {  	_ = 	snop  }
0x7: {  	_ = 	snop  }
__scs_overlays_trampoline_lowered:
0x8: {  	[smem:$0x3F88] =	sst s0  }
0x9: {  	[smem:$0x3F89] =	sst s1  }
0xa: {  	[smem:$0x3F8A] =	sst s2  }
0xb: {  	[smem:$0x3F8B] =	sst s3  }
0xc: {  	[smem:$0x3F8C] =	sst s4  }
0xd: {  	[smem:$0x3F8D] =	sst s5  }
0xe: {  	[smem:$0x3F8E] =	sst s6  }
0xf: {  	[smem:$0x3F8F] =	sst s7  }
0x10: {  	[smem:$0x3F90] =	sst s8  }
0x11: {  	[smem:$0x3F91] =	sst s9;
	s0 =	simm.s32 @!p0 $0x0  }
0x12: {  	s1 =	sld [smem:$0x3F77];
	s0 =	simm.s32 @p0 $0x1  }
0x13: {  	[smem:$0x3F92] =	sst s0;
	s0 =	simm.s32 @!p1 $0x0  }
0x14: {  	s2 =	sld [smem:$0x3F76];
	s0 =	simm.s32 @p1 $0x1  }
0x15: {  	[smem:$0x3F93] =	sst s0;
	s0 =	simm.s32 @!p2 $0x0  }
0x16: {  	s3 =	sld [smem:$0x3FDB];
	s0 =	simm.s32 @p2 $0x1  }
0x17: {  	s4 =	simm.s32 $0x1BF5;
	[smem:$0x3F95] =	sst s0  }
0x18: {  	s0 =	sld [smem:$0x3F78];
	_ =	swait.ge [sflag:s4], $0x0  }
0x19: {  	s7 =	sld [smem:$0x3F79]  }
0x1a: {  	s8 =	sadd.s32 $0xFFFFE003, lr  }
0x1b: {  	s9 =	sadd.s32 $0xFFFFFEF7, lr;
	s5 =	simm.s32 $0xFFFFFFFF;
	p2 =	slt.u32 s8, $0xFFFFF086  }
0x1c: {  	p1 =	slt.u32 s9, $0xF7A;
	s5 =	simm.s32 @!p2 $0x0  }
0x1d: {  	s5 =	simm.s32 @p1 $0x1;
	p0 =	seq.s32 s7, s2  }
0x1e: {  	s7 =	smul.u32 @!p0 $0xF7A, s2;
	p2 =	seq.s32 @!p0 s5, $0x0  }
0x1f: {  	s9 =	smul.u32 $0xF7A, s1;
	s8 =	simm.s32 @!p0 $0x1BF5;
	p2 =	por !p2, p0  }
0x20: {  	[sflag:s8] =	ssyncset.s32 @!p0 $0xFFFFF086;
	s6 =	sadd.s32 @!p0 s3, s7;
	s7 =	simm.s32 @!p0 $0x108  }
0x21: {  	s3 =	sadd.s32 s3, s9;
	s6 =	sadd.s32 @!p0 $0x88, s6;
	s7 =	simm.s32 @p2 $0x1082  }
0x22: {  	[simem:s7], [sflag:s8] =	dma.local @!p0 [hbm:s6], $0xF7A  }
0x23: {  	s9 =	sor.u32 $0xD0000000, s2;
	s6 =	simm.s32 $0x108;
	_ =	swait.ge @!p0 [sflag:s8], $0x0  }
0x24: {  	s3 =	sadd.s32 $0x88, s3;
	s6 =	simm.s32 @!p1 $0x1082;
	[sflag:s4] =	ssyncset.s32 $0xFFFFF086  }
0x25: {  	[simem:s6], [sflag:s4] =	dma.local [hbm:s3], $0xF7A  }
0x26: {  	[smem:$0x3F79] =	sst s1;
	(tag) =	ssettag s2;
	_ =	strace s9  }
0x27: {  	s1 =	sld [smem:$0x3F89]  }
0x28: {  	s2 =	sld [smem:$0x3F8A]  }
0x29: {  	s4 =	sld [smem:$0x3F8C]  }
0x2a: {  	p0 =	seq.s32 s5, $0x0;
	s5 =	sld [smem:$0x3F8D]  }
0x2b: {  	s6 =	sld [smem:$0x3F8E]  }
0x2c: {  	s7 =	sld [smem:$0x3F8F]  }
0x2d: {  	s3 =	simm.s32 $0x108;
	s8 =	sld [smem:$0x3F90]  }
0x2e: {  	s3 =	simm.s32 @!p0 $0x1082;
	s9 =	sld [smem:$0x3F91]  }
0x2f: {  	lr =	sadd.s32 s0, s3;
	s0 =	sld [smem:$0x3F88]  }
0x30: {  	s3 =	sld [smem:$0x3F8B]  }
0x31: {  	[smem:$0x3F94] =	sst s10  }
0x32: {  	s10 =	sld [smem:$0x3F92];
	_ =	sdelay $0x3  }
0x33: {  	p0 =	seq.s32 s10, $0x1;
	s10 =	sld [smem:$0x3F94];
	_ =	sdelay $0x3  }
0x34: {  	[smem:$0x3F94] =	sst s10  }
0x35: {  	s10 =	sld [smem:$0x3F93];
	_ =	sdelay $0x3  }
0x36: {  	p1 =	seq.s32 s10, $0x1;
	s10 =	sld [smem:$0x3F94];
	_ =	sdelay $0x3  }
0x37: {  	[smem:$0x3F94] =	sst s10  }
0x38: {  	s10 =	sld [smem:$0x3F95]  }
0x39: {  	_ = 	snop;
	(pc) =	sbr.ind lr, $3  }
0x3a: {  	_ = 	snop  }
0x3b: {  	_ = 	snop  }
0x3c: {  	p2 =	seq.s32 s10, $0x1;
	s10 =	sld [smem:$0x3F94]  }
0x3d: {  	_ =	shalt  }
0x3e: {  	_ =	shalt  }
0x3f: {  	_ =	shalt  }
0x40: {  	_ =	shalt  }
0x41: {  	_ =	shalt  }
0x42: {  	_ =	shalt  }
0x43: {  	_ =	shalt  }
0x44: {  	_ =	shalt  }
0x45: {  	_ =	shalt  }
0x46: {  	_ =	shalt  }
0x47: {  	_ =	shalt  }
0x48: {  	_ =	shalt  }
0x49: {  	_ =	shalt  }
0x4a: {  	_ =	shalt  }
0x4b: {  	_ =	shalt  }
0x4c: {  	_ =	shalt  }
0x4d: {  	_ =	shalt  }
0x4e: {  	_ =	shalt  }
0x4f: {  	_ =	shalt  }
0x50: {  	_ =	shalt  }
0x51: {  	_ =	shalt  }
0x52: {  	_ =	shalt  }
0x53: {  	_ =	shalt  }
0x54: {  	_ =	shalt  }
0x55: {  	_ =	shalt  }
0x56: {  	_ =	shalt  }
0x57: {  	_ =	shalt  }
0x58: {  	_ =	shalt  }
0x59: {  	_ =	shalt  }
0x5a: {  	_ =	shalt  }
0x5b: {  	_ =	shalt  }
0x5c: {  	_ =	shalt  }
0x5d: {  	_ =	shalt  }
0x5e: {  	_ =	shalt  }
0x5f: {  	_ =	shalt  }
0x60: {  	_ =	shalt  }
0x61: {  	_ =	shalt  }
0x62: {  	_ =	shalt  }
0x63: {  	_ =	shalt  }
0x64: {  	_ =	shalt  }
0x65: {  	_ =	shalt  }
0x66: {  	_ =	shalt  }
0x67: {  	_ =	shalt  }
0x68: {  	_ =	shalt  }
0x69: {  	_ =	shalt  }
0x6a: {  	_ =	shalt  }
0x6b: {  	_ =	shalt  }
0x6c: {  	_ =	shalt  }
0x6d: {  	_ =	shalt  }
0x6e: {  	_ =	shalt  }
0x6f: {  	_ =	shalt  }
0x70: {  	_ =	shalt  }
0x71: {  	_ =	shalt  }
0x72: {  	_ =	shalt  }
0x73: {  	_ =	shalt  }
0x74: {  	_ =	shalt  }
0x75: {  	_ =	shalt  }
0x76: {  	_ =	shalt  }
0x77: {  	_ =	shalt  }
0x78: {  	_ =	shalt  }
0x79: {  	_ =	shalt  }
0x7a: {  	_ =	shalt  }
0x7b: {  	_ =	shalt  }
0x7c: {  	_ =	shalt  }
0x7d: {  	_ =	shalt  }
0x7e: {  	_ =	shalt  }
0x7f: {  	_ =	shalt  }
0x80: {  	_ =	shalt  }
0x81: {  	_ =	shalt  }
0x82: {  	_ =	shalt  }
0x83: {  	_ =	shalt  }
0x84: {  	_ =	shalt  }
0x85: {  	_ =	shalt  }
0x86: {  	_ =	shalt  }
0x87: {  	_ =	shalt  }
.Lfunc_end0:
.L_simem_size_0:
called_computation.5_lowered:
.L_overlay_start_0:
0x88: {  	s2 =	sld [smem:$0x3FD9]  }
0x89: {  	s3 =	sld [smem:$0x3FFE];
	_ =	sdelay $0x1  }
0x8a: {  	s1 =	srdreg.scid  }
0x8b: {  	s0 =	sand.u32 $0x1, s1  }
0x8c: {  	s15 =	sshll.u32 s0, $0xA;
	s2 =	sadd.s32 s3, s2  }
0x8d: {  	s2 =	sadd.s32 s2, s15  }
0x8e: {  	[smem:$0x3FA0] =	sst s2  }
0x8f: {  	_ = 	snop  }
0x90: {  	s2 =	sld [smem:$0x3FD0];
	_ =	sdelay $0x2  }
0x91: {  	s16 =	simm.s32 $0xB;
	s4 =	simm.s32 $0x10  }
0x92: {  	[smem:s4], [sflag:s16] =	dma.local [hbm:s2], $0x1  }
0x93: {  	_ =	swait.eq [sflag:s16], $0x1  }
0x94: {  	s17 =	sld [smem:$0x10];
	[sflag:s16] =	ssyncset.done $0x0  }
0x95: {  	s18 =	sld [smem:$0x11];
	[sflag:s16] =	ssyncadd.s32 $0xFFFFFFFF  }
0x96: {  	s19 =	sld [smem:$0x12];
	(tm) =	ssettm $0x1  }
0x97: {  	s5 =	sld [smem:$0x3FFB];
	_ =	sdelay $0x3  }
0x98: {  	_ =	strace s5  }
0x99: {  	s5 =	sld [smem:$0x3FFC];
	_ =	sdelay $0x3  }
0x9a: {  	_ =	strace s5  }
0x9b: {  	s5 =	sld [smem:$0x3FFD];
	_ =	sdelay $0x3  }
0x9c: {  	_ =	strace s5  }
0x9d: {  	_ =	strace $0x8FFFFFFF  }
0x9e: {  	s20 =	sld [smem:$0x3FDB];
	_ =	sdelay $0x1  }
0x9f: {  	s6 =	simm.s32 $_scs_section_size  }
0xa0: {  	s7 =	simm.s32 $_size__tile_overlayer_lowered;
	s8 =	simm.s32 $_tile_overlayer_lowered  }
0xa1: {  	s23 =	simm.s32 $0x1BFF;
	s22 =	sshll.u32 s8, $0x1;
	s5 =	sadd.s32 s6, s20  }
0xa2: {  	s9 =	simm.s32 $0x0;
	s21 =	sshll.u32 s7, $0x1;
	s7 =	sadd.s32 s22, s5  }
0xa3: {  	[timem:s9], [sflag:s23] =	dma.local [hbm:s7], s21  }
0xa4: {  	_ =	swait.ge [sflag:s23], s21  }
0xa5: {  	s6 =	ssub.s32 $0x0, s21;
	[sflag:s23] =	ssyncset.done $0x0  }
0xa6: {  	[sflag:s23] =	ssyncadd.s32 s6;
	_ =	sdelay $0x1  }
0xa7: {  	s24 =	simm.s32 $0x1B8B  }
0xa8: {  	_ =	swait.ge [sflag:s24], $0x1  }
0xa9: {  	[sflag:s24] =	ssyncset.done $0x0  }
0xaa: {  	s25 =	simm.s32 $0x1B8E;
	[sflag:s24] =	ssyncadd.s32 $0xFFFFFFFF  }
0xab: {  	s26 =	simm.s32 $execute0_lowered;
	[smem:$0x3FD2] =	sst s25  }
0xac: {  	s6 =	sshll.u32 s26, $0x1;
	_ =	strace $0x80000055;
	[dreg:$0x1] =	wrdreg $0xFFFFFFFF  }
0xad: {  	s28 =	simm.s32 $_size_execute0_lowered;
	s5 =	sadd.s32 s5, s6;
	[dreg:$0x0] =	wrdreg $0x0  }
0xae: {  	s6 =	sshll.u32 s28, $0x1;
	[dreg:$0x2] =	wrdreg s5  }
0xaf: {  	[dreg:$0x3] =	wrdreg s6  }
0xb0: {  	[dreg:$0x4] =	wrdreg $0xC0  }
0xb1: {  	_ =	task [dreg:s9], $0x5FFFF  }
0xb2: {  	[dreg:$0x1] =	wrdreg $0xFFFFFFFF  }
0xb3: {  	[dreg:$0x0] =	wrdreg $0x60  }
0xb4: {  	[dreg:$0x2] =	wrdreg s18  }
0xb5: {  	[dreg:$0x3] =	wrdreg s19  }
0xb6: {  	[dreg:$0x4] =	wrdreg s17  }
0xb7: {  	[dreg:$0x5] =	wrdreg $0x9  }
0xb8: {  	_ =	task.clear_ibuf [dreg:s9], $0x6FFFF;
	_ =	strace $0x90000055  }
0xb9: {  	s29 =	simm.s32 $0x9;
	_ =	strace $0x80000057  }
0xba: {  	_ =	swait.ge [sflag:s29], $0x1  }
0xbb: {  	[sflag:s29] =	ssyncadd.s32 $0xFFFFFFFF  }
0xbc: {  	_ =	strace $0x90000057  }
0xbd: {  	_ =	sfence  }
0xbe: {  	s30 =	sld [smem:$0x0];
	_ =	sdelay $0x2  }
0xbf: {  	s31 =	sshll.u32 s1, $0xD;
	s1 =	sshrl.u32 s1, $0x2  }
0xc0: {  	s3 =	sand.u32 $0x4000, s31;
	s1 =	sadd.s32 s1, s30  }
0xc1: {  	s0 =	sor.u32 s3, s0;
	s1 =	sshll.u32 s1, $0x11  }
0xc2: {  	s0 =	sor.u32 s1, s0  }
0xc3: {  	s0 =	sadd.s32 $0x8F2B, s0  }
0xc4: {  	[sflag:s0] =	ssyncadd.remote.s32 $0x1  }
0xc5: {  	_ =	sfence.sel $0xFFFF  }
0xc6: {  	[dreg:$0x0] =	wrdreg $0xFFFFFFFF;
	(pc) =	sbr.abs _section_cstart, $3  }
0xc7: {  	[dreg:$0x1] =	wrdreg $0xFFFFFFFF  }
0xc8: {  	_ =	task.clear_ibuf [dreg:s9], $0x2FFFF;
	_ =	strace $0x9FFFFFFF  }
0xc9: {  	(tm) =	ssettm $0x7FFFFFFF  }
tec
execute0_lowered:
.L_overlay_start_1:
0x0: {  	(tag) =	ssettag $0x1  }
0x1: {  	s1 =	srdreg.scid;
	s2 =	rddreg [dreg:$0x0]  }
0x2: {  	s0 =	stileid.u32;
	s3 =	rddreg [dreg:$0x1]  }
0x3: {  	s4 =	rddreg [dreg:$0x2];
	s6 =	simm.s32 $0x1;
	s1 =	sshll.u32 s1, $0x6  }
0x4: {  	s9 =	simm.s32 $0x1;
	s5 =	sshll.u32 s0, $0x7;
	s1 =	sand.u32 $0x40, s1  }
0x5: {  	s10 =	simm.s32 $0x3;
	s13 =	simm.s32 $0x0;
	s5 =	sor.u32 s5, s1  }
0x6: {  	s12 =	simm.s32 $0x0;
	s1 =	rddreg [dreg:$0x3];
	s8 =	ssub.s32 $0x1000, s5  }
.Ltmp0:
0x7: {  	_ =	strace $0x80000056;
	s7 =	sand.u32 $0x7C0, s8;
	(pc) =	sbr.rel .LBB2_1-.Ltmp0, $4  }
0x8: {  	[sflag:s6] =	ssyncpa.u1 $0x0;
	s11 =	smov.u32 s5;
	p0 =	sne.s32 s7, $0x0  }
0x9: {  	s8 =	sshrl.u32 s8, $0xB;
	s7 =	simm.s32 $0x2;
	s9 =	simm.s32 @!p0 $0x0  }
0xa: {  	[sflag:s7] =	ssyncpa.u1 $0x0;
	p0 =	por $0x0, $0x0;
	s8 =	sadd.s32 s9, s8  }
0xb: {  	vm0 =	vmmov $0xffff;
	[sflag:s10] =	ssyncpa.u1 $0x0;
	s10 =	simm.s32 $0x0;
	s9 =	sadd.s32 $0x1, s8  }
.LBB2_4:
0xc: {  	vm1 =	veq.s32 v1, $0x80000000;
	v2 =	vand.u32 $0x3FF, v2  }
0xd: {  	v63 =	vand.u32 $0x3, v1;
	v2 =	vsel vm1, $0xFFFFFFFF, v2  }
0xe: {  	v1 =	vsel vm1, $0xFFFFFFFF, v63;
	v3 =	vshll.u32 v2, $0x2  }
0xf: {  	v4 =	vand.u32 $0xFFFFF000, v1;
	v1 =	vshll.u32 v1, $0x7;
	v3 =	vand.u32 $0xFFFFFE00, v3  }
0x10: {  	v1 =	vand.u32 $0x180, v1;
	v3 =	vadd.s32 v4, v3  }
0x11: {  	v2 =	vand.u32 $0x7F, v2;
	v1 =	vor.u32 v1, v3  }
0x12: {  	v1 =	vor.u32 v2, v1;
	_ =	sdelay $0x1  }
0x13: {  	(ifvalue) =	ssetifvalue $0x7FFFFFFF;
	s14 =	sadd.s32 $0x10, s14  }
0x14: {  	[tilespmem:s14], [sflag:$0x1] =	stream.indirect_vreg.gather [hbm4b:s2+s10], $0x1, v0, vm0, $0x4038;
	[tilespmem:$0x100] =	vst v63  }
0x15: {  	(ifvalue) =	ssetifvalue $0x7FFFFFFF;
	s14 =	sadd.s32 $0x10, s14  }
0x16: {  	[tilespmem:s14], [sflag:$0x1] =	stream.indirect_vreg.gather [hbm4b:s2+s10], $0x1, v1, vm0, $0x4038;
	[tilespmem:$0x100] =	vst v63  }
0x17: {  	_ =	swait.ge [sflag:s6], $0x40  }
0x18: {  	s30 =	sshrl.u32 s13, $0x3;
	[sflag:s6] =	ssyncset.done $0x0  }
0x19: {  	s31 =	sand.u32 $0x7, s13;
	s14 =	sadd.s32 s4, s30;
	[sflag:s6] =	ssyncadd.s32 $0xFFFFFFC0  }
0x1a: {  	[hbm4b:s14+s31] =	stream.linear.scatter [tilespmem:s15], [sflag:$0x3], $0x40, $0x38;
	[tilespmem:$0x100] =	vst v63  }
.LBB2_5:
0x1b: {  	s15 =	sadd.s32 $0x800, s11  }
0x1c: {  	p2 =	sgt.s32 s15, $0xFFF  }
0x1d: {  	s15 =	smov.u32 @p2 s5;
	p2 =	sne.s32 s12, s9  }
.Ltmp1:
0x1e: {  	p1 =	slt.u32 s12, $0x2;
	(pc) =	sbr.rel @!p2 .LBB2_6-.Ltmp1, $4  }
0x1f: {  	s14 =	simm.s32 @!p1 $0x3  }
0x20: {  	s16 =	sadd.s32 $0x1, s12;
	_ =	swait.ge @!p1 [sflag:s14], $0x40  }
0x21: {  	s13 =	smov.u32 s11;
	p0 =	por !p0, !p0;
	[sflag:s14] =	ssyncset.done @!p1 $0x0  }
0x22: {  	s12 =	smov.u32 s16;
	s11 =	smov.u32 s15;
	[sflag:s14] =	ssyncadd.s32 @!p1 $0xFFFFFFC0  }
.LBB2_1:
0x23: {  	p1 =	sge.u32 s12, s8  }
0x24: {  	s14 =	sxor.u32 @!p1 $0xFFFFFFFF, s12  }
0x25: {  	s31 =	sadd.s32 $0xFFFFFFFF, s12;
	s15 =	sshrl.u32 @!p1 s11, $0x3;
	s14 =	sshll.u32 @!p1 s14, $0x6  }
0x26: {  	s16 =	sand.u32 @!p1 $0x7, s11;
	s15 =	sadd.s32 @!p1 s3, s15;
	s14 =	sand.u32 @!p1 $0x40, s14  }
0x27: {  	[tilespmem:s14], [sflag:$0x2] =	stream.linear.gather @!p1 [hbm4b:s15+s16], $0x40, $0x38;
	[tilespmem:$0x100] =	vst v63  }
0x28: {  	p1 =	sge.u32 s31, s8  }
.Ltmp2:
0x29: {  	_ = 	snop;
	(pc) =	sbr.rel @p1 .LBB2_5-.Ltmp2, $1  }
0x2a: {  	_ =	sdelay $0x3  }
0x2b: {  	s14 =	simm.s32 $0x1  }
0x2c: {  	_ =	swait.ge [sflag:s7], $0x40;
	s14 =	simm.s32 @!p0 $0x0  }
0x2d: {  	[sflag:s7] =	ssyncset.done $0x0;
	s14 =	sshll.u32 s14, $0x6  }
0x2e: {  	[sflag:s7] =	ssyncadd.s32 $0xFFFFFFC0;
	(ifvalue) =	ssetifvalue $0x7FFFFFFF;
	v0 =	vld.msk [tilespmem:s14+$0x0 ss:$0x1], $0xffff;
	_ =	sdelay $0x4  }
0x2f: {  	s15 =	sadd.s32 $0x10, s14;
	v1 =	vshrl.u32 v0, $0x2  }
0x30: {  	v2 =	vld.msk [tilespmem:s15+$0x0 ss:$0x1], $0xffff;
	vm1 =	veq.s32 v0, $0x80000000;
	v1 =	vand.u32 $0x3FF, v1  }
0x31: {  	v0 =	vand.u32 $0x3, v0;
	v1 =	vsel vm1, $0xFFFFFFFF, v1  }
0x32: {  	v0 =	vsel vm1, $0xFFFFFFFF, v0;
	v3 =	vshll.u32 v1, $0x2  }
0x33: {  	v4 =	vand.u32 $0xFFFFF000, v0;
	v0 =	vshll.u32 v0, $0x7;
	v3 =	vand.u32 $0xFFFFFE00, v3  }
0x34: {  	v0 =	vand.u32 $0x180, v0;
	v3 =	vadd.s32 v4, v3  }
0x35: {  	v1 =	vand.u32 $0x7F, v1;
	v0 =	vor.u32 v0, v3;
	v3 =	vshrl.u32 v2, $0x2  }
0x36: {  	s17 =	sadd.s32 $0x10, s15;
	vm1 =	veq.s32 v2, $0x80000000;
	v0 =	vor.u32 v1, v0;
	v3 =	vand.u32 $0x3FF, v3  }
0x37: {  	v2 =	vand.u32 $0x3, v2;
	v1 =	vld.msk [tilespmem:s17+$0x0 ss:$0x1], $0xffff;
	v3 =	vsel vm1, $0xFFFFFFFF, v3  }
0x38: {  	v2 =	vsel vm1, $0xFFFFFFFF, v2;
	v63 =	vshll.u32 v3, $0x2  }
0x39: {  	s31 =	sshll.u32 s12, $0x6;
	v5 =	vand.u32 $0xFFFFF000, v2;
	v2 =	vshll.u32 v2, $0x7;
	v4 =	vand.u32 $0xFFFFFE00, v63  }
0x3a: {  	s14 =	sor.u32 $0x80, s14;
	s15 =	sand.u32 $0x40, s31;
	(ifvalue) =	ssetifvalue $0x7FFFFFFF;
	v2 =	vand.u32 $0x180, v2;
	v4 =	vadd.s32 v5, v4  }
0x3b: {  	[tilespmem:s14], [sflag:$0x1] =	stream.indirect_vreg.gather [hbm4b:s2+s10], $0x1, v0, vm0, $0x4038;
	v0 =	vand.u32 $0x7F, v3;
	v3 =	vor.u32 v2, v4;
	[tilespmem:$0x100] =	vst v63  }
0x3c: {  	s16 =	simm.s32 $0x20;
	s15 =	sor.u32 $0x80, s15;
	s17 =	sadd.s32 $0x10, s17;
	v2 =	vshrl.u32 v1, $0x2;
	v0 =	vor.u32 v0, v3  }
.LBB2_3:
0x3d: {  	v3 =	vld.msk [tilespmem:s17+$0x0 ss:$0x1], $0xffff;
	s16 =	sadd.s32 $0x10, s16;
	vm1 =	veq.s32 v1, $0x80000000;
	v2 =	vand.u32 $0x3FF, v2  }
0x3e: {  	v1 =	vand.u32 $0x3, v1;
	p1 =	slt.u32 s16, $0x30;
	v2 =	vsel vm1, $0xFFFFFFFF, v2  }
.Ltmp3:
0x3f: {  	v1 =	vsel vm1, $0xFFFFFFFF, v1;
	v4 =	vshll.u32 v2, $0x2;
	(pc) =	sbr.rel @p1 .LBB2_3-.Ltmp3, $4  }
0x40: {  	s14 =	sadd.s32 $0x10, s14;
	v5 =	vand.u32 $0xFFFFF000, v1;
	v1 =	vshll.u32 v1, $0x7;
	v4 =	vand.u32 $0xFFFFFE00, v4;
	(ifvalue) =	ssetifvalue $0x7FFFFFFF  }
0x41: {  	v4 =	vadd.s32 v5, v4;
	v5 =	vand.u32 $0x180, v1;
	[tilespmem:s14], [sflag:$0x1] =	stream.indirect_vreg.gather [hbm4b:s2+s10], $0x1, v0, vm0, $0x4038;
	[tilespmem:$0x100] =	vst v63  }
0x42: {  	v0 =	vand.u32 $0x7F, v2;
	v4 =	vor.u32 v5, v4  }
0x43: {  	s17 =	sadd.s32 $0x10, s17;
	v2 =	vshrl.u32 v3, $0x2;
	v1 =	vmov v3;
	v0 =	vor.u32 v0, v4  }
.Ltmp4:
0x44: {  	_ = 	snop;
	(pc) =	sbr.rel .LBB2_4-.Ltmp4, $1  }
0x45: {  	_ =	sdelay $0x3  }
.LBB2_6:
0x46: {  	_ =	sfence.sel $0x180000  }
0x47: {  	s2 =	simm.s32 $0x2;
	[bflag:$0x0] =	sbarrier.arrive $0xFFFF  }
0x48: {  	s30 =	simm.s32 $0x3;
	[sflag:s2] =	ssyncpa.u1 $0x1  }
0x49: {  	s31 =	simm.s32 $0x1;
	[sflag:s30] =	ssyncpa.u1 $0x1  }
0x4a: {  	[sflag:s31] =	ssyncpa.u1 $0x1  }
0x4b: {  	p0 =	sne.s32 s0, $0x0;
	_ =	strace $0x90000056  }
0x4c: {  	s0 =	sadd.s32 @!p0 $0x100000, s1;
	[bflag:$0x2] =	sbarrier.arrive $0xFFFF  }
0x4d: {  	[sflag:s0] =	ssyncadd.tile.s32 @!p0 $0x1;
	_ =	shalt  }
.Lfunc_end2:
_tile_overlayer_lowered:
.L_overlay_start_2:
0x4e: {  	(tag) =	ssettag $0x2  }
0x4f: {  	s0 =	rddreg [dreg:$0x0];
	s2 =	stileid.u32  }
0x50: {  	s1 =	rddreg [dreg:$0x1];
	p0 =	sne.s32 s2, $0x0  }
0x51: {  	s3 =	rddreg [dreg:$0x2];
	[bflag:$0x3] =	sbarrier.arrive $0xFFFF;
	s2 =	simm.s32 @!p0 $0x1C01  }
0x52: {  	[timem:s3], [sflag:s2] =	dma.local @!p0 [hbm:s0], s1  }
0x53: {  	s0 =	simm.s32 @!p0 $0x1  }
0x54: {  	_ =	swait.ge @!p0 [sflag:s0], s1  }
0x55: {  	s1 =	ssub.s32 @!p0 $0x0, s1;
	[sflag:s0] =	ssyncset.done @!p0 $0x0  }
0x56: {  	[sflag:s0] =	ssyncadd.s32 @!p0 s1  }
0x57: {  	[bflag:$0x3] =	sbarrier.arrive $0xFFFF  }
0x58: {  	_ =	shalt  }

// kernel: gather_offload_async_start.6
scs
__scs_entry_jumppad:
0x0: {  	(pc) =	sbr.rel $0x88, $3  }
0x1: {  	(tag) =	ssettag $0x0;
	lr =	simm.s32 $0x1  }
0x2: {  	[smem:$0x3F79] =	sst lr;
	_ =	strace $0xD0000000  }
0x3: {  	_ = 	snop  }
0x4: {  	_ = 	snop  }
0x5: {  	_ = 	snop  }
0x6: {  	_ = 	snop  }
0x7: {  	_ = 	snop  }
__scs_overlays_trampoline_lowered:
0x8: {  	[smem:$0x3F88] =	sst s0  }
0x9: {  	[smem:$0x3F89] =	sst s1  }
0xa: {  	[smem:$0x3F8A] =	sst s2  }
0xb: {  	[smem:$0x3F8B] =	sst s3  }
0xc: {  	[smem:$0x3F8C] =	sst s4  }
0xd: {  	[smem:$0x3F8D] =	sst s5  }
0xe: {  	[smem:$0x3F8E] =	sst s6  }
0xf: {  	[smem:$0x3F8F] =	sst s7  }
0x10: {  	[smem:$0x3F90] =	sst s8  }
0x11: {  	[smem:$0x3F91] =	sst s9;
	s0 =	simm.s32 @!p0 $0x0  }
0x12: {  	s1 =	sld [smem:$0x3F77];
	s0 =	simm.s32 @p0 $0x1  }
0x13: {  	[smem:$0x3F92] =	sst s0;
	s0 =	simm.s32 @!p1 $0x0  }
0x14: {  	s2 =	sld [smem:$0x3F76];
	s0 =	simm.s32 @p1 $0x1  }
0x15: {  	[smem:$0x3F93] =	sst s0;
	s0 =	simm.s32 @!p2 $0x0  }
0x16: {  	s3 =	sld [smem:$0x3FDB];
	s0 =	simm.s32 @p2 $0x1  }
0x17: {  	s4 =	simm.s32 $0x1BF5;
	[smem:$0x3F95] =	sst s0  }
0x18: {  	s0 =	sld [smem:$0x3F78];
	_ =	swait.ge [sflag:s4], $0x0  }
0x19: {  	s7 =	sld [smem:$0x3F79]  }
0x1a: {  	s8 =	sadd.s32 $0xFFFFE003, lr  }
0x1b: {  	s9 =	sadd.s32 $0xFFFFFEF7, lr;
	s5 =	simm.s32 $0xFFFFFFFF;
	p2 =	slt.u32 s8, $0xFFFFF086  }
0x1c: {  	p1 =	slt.u32 s9, $0xF7A;
	s5 =	simm.s32 @!p2 $0x0  }
0x1d: {  	s5 =	simm.s32 @p1 $0x1;
	p0 =	seq.s32 s7, s2  }
0x1e: {  	s7 =	smul.u32 @!p0 $0xF7A, s2;
	p2 =	seq.s32 @!p0 s5, $0x0  }
0x1f: {  	s9 =	smul.u32 $0xF7A, s1;
	s8 =	simm.s32 @!p0 $0x1BF5;
	p2 =	por !p2, p0  }
0x20: {  	[sflag:s8] =	ssyncset.s32 @!p0 $0xFFFFF086;
	s6 =	sadd.s32 @!p0 s3, s7;
	s7 =	simm.s32 @!p0 $0x108  }
0x21: {  	s3 =	sadd.s32 s3, s9;
	s6 =	sadd.s32 @!p0 $0x88, s6;
	s7 =	simm.s32 @p2 $0x1082  }
0x22: {  	[simem:s7], [sflag:s8] =	dma.local @!p0 [hbm:s6], $0xF7A  }
0x23: {  	s9 =	sor.u32 $0xD0000000, s2;
	s6 =	simm.s32 $0x108;
	_ =	swait.ge @!p0 [sflag:s8], $0x0  }
0x24: {  	s3 =	sadd.s32 $0x88, s3;
	s6 =	simm.s32 @!p1 $0x1082;
	[sflag:s4] =	ssyncset.s32 $0xFFFFF086  }
0x25: {  	[simem:s6], [sflag:s4] =	dma.local [hbm:s3], $0xF7A  }
0x26: {  	[smem:$0x3F79] =	sst s1;
	(tag) =	ssettag s2;
	_ =	strace s9  }
0x27: {  	s1 =	sld [smem:$0x3F89]  }
0x28: {  	s2 =	sld [smem:$0x3F8A]  }
0x29: {  	s4 =	sld [smem:$0x3F8C]  }
0x2a: {  	p0 =	seq.s32 s5, $0x0;
	s5 =	sld [smem:$0x3F8D]  }
0x2b: {  	s6 =	sld [smem:$0x3F8E]  }
0x2c: {  	s7 =	sld [smem:$0x3F8F]  }
0x2d: {  	s3 =	simm.s32 $0x108;
	s8 =	sld [smem:$0x3F90]  }
0x2e: {  	s3 =	simm.s32 @!p0 $0x1082;
	s9 =	sld [smem:$0x3F91]  }
0x2f: {  	lr =	sadd.s32 s0, s3;
	s0 =	sld [smem:$0x3F88]  }
0x30: {  	s3 =	sld [smem:$0x3F8B]  }
0x31: {  	[smem:$0x3F94] =	sst s10  }
0x32: {  	s10 =	sld [smem:$0x3F92];
	_ =	sdelay $0x3  }
0x33: {  	p0 =	seq.s32 s10, $0x1;
	s10 =	sld [smem:$0x3F94];
	_ =	sdelay $0x3  }
0x34: {  	[smem:$0x3F94] =	sst s10  }
0x35: {  	s10 =	sld [smem:$0x3F93];
	_ =	sdelay $0x3  }
0x36: {  	p1 =	seq.s32 s10, $0x1;
	s10 =	sld [smem:$0x3F94];
	_ =	sdelay $0x3  }
0x37: {  	[smem:$0x3F94] =	sst s10  }
0x38: {  	s10 =	sld [smem:$0x3F95]  }
0x39: {  	_ = 	snop;
	(pc) =	sbr.ind lr, $3  }
0x3a: {  	_ = 	snop  }
0x3b: {  	_ = 	snop  }
0x3c: {  	p2 =	seq.s32 s10, $0x1;
	s10 =	sld [smem:$0x3F94]  }
0x3d: {  	_ =	shalt  }
0x3e: {  	_ =	shalt  }
0x3f: {  	_ =	shalt  }
0x40: {  	_ =	shalt  }
0x41: {  	_ =	shalt  }
0x42: {  	_ =	shalt  }
0x43: {  	_ =	shalt  }
0x44: {  	_ =	shalt  }
0x45: {  	_ =	shalt  }
0x46: {  	_ =	shalt  }
0x47: {  	_ =	shalt  }
0x48: {  	_ =	shalt  }
0x49: {  	_ =	shalt  }
0x4a: {  	_ =	shalt  }
0x4b: {  	_ =	shalt  }
0x4c: {  	_ =	shalt  }
0x4d: {  	_ =	shalt  }
0x4e: {  	_ =	shalt  }
0x4f: {  	_ =	shalt  }
0x50: {  	_ =	shalt  }
0x51: {  	_ =	shalt  }
0x52: {  	_ =	shalt  }
0x53: {  	_ =	shalt  }
0x54: {  	_ =	shalt  }
0x55: {  	_ =	shalt  }
0x56: {  	_ =	shalt  }
0x57: {  	_ =	shalt  }
0x58: {  	_ =	shalt  }
0x59: {  	_ =	shalt  }
0x5a: {  	_ =	shalt  }
0x5b: {  	_ =	shalt  }
0x5c: {  	_ =	shalt  }
0x5d: {  	_ =	shalt  }
0x5e: {  	_ =	shalt  }
0x5f: {  	_ =	shalt  }
0x60: {  	_ =	shalt  }
0x61: {  	_ =	shalt  }
0x62: {  	_ =	shalt  }
0x63: {  	_ =	shalt  }
0x64: {  	_ =	shalt  }
0x65: {  	_ =	shalt  }
0x66: {  	_ =	shalt  }
0x67: {  	_ =	shalt  }
0x68: {  	_ =	shalt  }
0x69: {  	_ =	shalt  }
0x6a: {  	_ =	shalt  }
0x6b: {  	_ =	shalt  }
0x6c: {  	_ =	shalt  }
0x6d: {  	_ =	shalt  }
0x6e: {  	_ =	shalt  }
0x6f: {  	_ =	shalt  }
0x70: {  	_ =	shalt  }
0x71: {  	_ =	shalt  }
0x72: {  	_ =	shalt  }
0x73: {  	_ =	shalt  }
0x74: {  	_ =	shalt  }
0x75: {  	_ =	shalt  }
0x76: {  	_ =	shalt  }
0x77: {  	_ =	shalt  }
0x78: {  	_ =	shalt  }
0x79: {  	_ =	shalt  }
0x7a: {  	_ =	shalt  }
0x7b: {  	_ =	shalt  }
0x7c: {  	_ =	shalt  }
0x7d: {  	_ =	shalt  }
0x7e: {  	_ =	shalt  }
0x7f: {  	_ =	shalt  }
0x80: {  	_ =	shalt  }
0x81: {  	_ =	shalt  }
0x82: {  	_ =	shalt  }
0x83: {  	_ =	shalt  }
0x84: {  	_ =	shalt  }
0x85: {  	_ =	shalt  }
0x86: {  	_ =	shalt  }
0x87: {  	_ =	shalt  }
.Lfunc_end0:
.L_simem_size_0:
called_computation.6_lowered:
.L_overlay_start_0:
0x88: {  	s2 =	sld [smem:$0x3FD9]  }
0x89: {  	s3 =	sld [smem:$0x3FFE];
	_ =	sdelay $0x1  }
0x8a: {  	s1 =	srdreg.scid  }
0x8b: {  	s0 =	sand.u32 $0x1, s1  }
0x8c: {  	s15 =	sshll.u32 s0, $0xA;
	s2 =	sadd.s32 s3, s2  }
0x8d: {  	s2 =	sadd.s32 s2, s15  }
0x8e: {  	[smem:$0x3FA0] =	sst s2  }
0x8f: {  	_ = 	snop  }
0x90: {  	s2 =	sld [smem:$0x3FD0];
	_ =	sdelay $0x2  }
0x91: {  	s4 =	simm.s32 $0xB;
	s16 =	simm.s32 $0x10  }
0x92: {  	[smem:s16], [sflag:s4] =	dma.local [hbm:s2], $0x1  }
0x93: {  	_ =	swait.eq [sflag:s4], $0x1  }
0x94: {  	[sflag:s4] =	ssyncset.done $0x0  }
0x95: {  	s17 =	sld [smem:$0x10];
	[sflag:s4] =	ssyncadd.s32 $0xFFFFFFFF  }
0x96: {  	s18 =	sld [smem:$0x12];
	(tm) =	ssettm $0x1  }
0x97: {  	s19 =	sld [smem:$0x3FFB];
	_ =	sdelay $0x3  }
0x98: {  	_ =	strace s19  }
0x99: {  	s2 =	sld [smem:$0x3FFC];
	_ =	sdelay $0x3  }
0x9a: {  	_ =	strace s2  }
0x9b: {  	s2 =	sld [smem:$0x3FFD];
	_ =	sdelay $0x3  }
0x9c: {  	_ =	strace s2  }
0x9d: {  	_ =	strace $0x8FFFFFFF  }
0x9e: {  	s20 =	sld [smem:$0x3FDB];
	_ =	sdelay $0x1  }
0x9f: {  	s5 =	simm.s32 $_scs_section_size  }
0xa0: {  	s6 =	simm.s32 $_size__tile_overlayer_lowered;
	s7 =	simm.s32 $_tile_overlayer_lowered  }
0xa1: {  	s8 =	simm.s32 $0x1BFF;
	s21 =	sshll.u32 s7, $0x1;
	s5 =	sadd.s32 s5, s20  }
0xa2: {  	s22 =	simm.s32 $0x0;
	s6 =	sshll.u32 s6, $0x1;
	s7 =	sadd.s32 s21, s5  }
0xa3: {  	[timem:s22], [sflag:s8] =	dma.local [hbm:s7], s6  }
0xa4: {  	_ =	swait.ge [sflag:s8], s6  }
0xa5: {  	s6 =	ssub.s32 $0x0, s6;
	[sflag:s8] =	ssyncset.done $0x0  }
0xa6: {  	[sflag:s8] =	ssyncadd.s32 s6;
	_ =	sdelay $0x1  }
0xa7: {  	s23 =	simm.s32 $0x1B8B  }
0xa8: {  	_ =	swait.ge [sflag:s23], $0x1  }
0xa9: {  	[sflag:s23] =	ssyncset.done $0x0  }
0xaa: {  	[sflag:s23] =	ssyncadd.s32 $0xFFFFFFFF  }
0xab: {  	s6 =	sld [smem:$0x0]  }
0xac: {  	s7 =	sand.u32 $0xFFFFFFFE, s1  }
0xad: {  	p0 =	sne.s32 s1, s7  }
0xae: {  	s7 =	sshll.u32 @p0 s7, $0xE  }
0xaf: {  	s7 =	sadd.s32 @p0 $0x11B8D, s7;
	s8 =	sshll.u32 @p0 s6, $0x11  }
0xb0: {  	s7 =	sor.u32 @p0 s8, s7  }
0xb1: {  	[sflag:s7] =	ssyncadd.remote.s32 @p0 $0x1;
	_ =	sdelay $0x1  }
0xb2: {  	s7 =	simm.s32 @p0 $0x1B8D  }
0xb3: {  	_ =	swait.eq @p0 [sflag:s7], $0x1  }
0xb4: {  	[sflag:s7] =	ssyncadd.s32 @p0 $0xFFFFFFFF  }
0xb5: {  	s8 =	sshll.u32 @!p0 s1, $0xE  }
0xb6: {  	s8 =	sor.u32 @!p0 $0x4000, s8;
	s7 =	simm.s32 @!p0 $0x1B8D  }
0xb7: {  	s6 =	sshll.u32 @!p0 s6, $0x11;
	s8 =	sadd.s32 @!p0 $0x11B8D, s8;
	_ =	swait.eq @!p0 [sflag:s7], $0x1  }
0xb8: {  	s6 =	sor.u32 @!p0 s6, s8;
	[sflag:s7] =	ssyncadd.s32 @!p0 $0xFFFFFFFF  }
0xb9: {  	s25 =	simm.s32 $0x1B8E;
	s24 =	sld [smem:$0x3FFE];
	[sflag:s6] =	ssyncadd.remote.s32 @!p0 $0x1  }
0xba: {  	s26 =	simm.s32 $execute0_lowered;
	[smem:$0x3FD2] =	sst s25  }
0xbb: {  	s7 =	sshll.u32 s26, $0x1;
	_ =	strace $0x8000005B;
	[dreg:$0x1] =	wrdreg $0xFFFFFFFF  }
0xbc: {  	s28 =	simm.s32 $_size_execute0_lowered;
	s5 =	sadd.s32 s5, s7;
	[dreg:$0x0] =	wrdreg $0x0  }
0xbd: {  	s7 =	sshll.u32 s28, $0x1;
	[dreg:$0x2] =	wrdreg s5  }
0xbe: {  	[dreg:$0x3] =	wrdreg s7  }
0xbf: {  	[dreg:$0x4] =	wrdreg $0xC0  }
0xc0: {  	_ =	task [dreg:s22], $0x5FFFF  }
0xc1: {  	[dreg:$0x1] =	wrdreg $0xFFFFFFFF  }
0xc2: {  	[dreg:$0x0] =	wrdreg $0x60  }
0xc3: {  	[dreg:$0x2] =	wrdreg s24  }
0xc4: {  	[dreg:$0x3] =	wrdreg s18  }
0xc5: {  	[dreg:$0x4] =	wrdreg s17  }
0xc6: {  	[dreg:$0x5] =	wrdreg $0x9  }
0xc7: {  	_ =	task.clear_ibuf [dreg:s22], $0x6FFFF;
	_ =	strace $0x9000005B  }
0xc8: {  	s29 =	simm.s32 $0x9;
	_ =	strace $0x8000005D  }
0xc9: {  	_ =	swait.ge [sflag:s29], $0x1  }
0xca: {  	[sflag:s29] =	ssyncadd.s32 $0xFFFFFFFF  }
0xcb: {  	_ =	strace $0x9000005D  }
0xcc: {  	_ =	sfence  }
0xcd: {  	s30 =	sld [smem:$0x0];
	_ =	sdelay $0x2  }
0xce: {  	s31 =	sshll.u32 s1, $0xD;
	s1 =	sshrl.u32 s1, $0x2  }
0xcf: {  	s4 =	sand.u32 $0x4000, s31;
	s1 =	sadd.s32 s1, s30  }
0xd0: {  	s0 =	sor.u32 s4, s0;
	s1 =	sshll.u32 s1, $0x11  }
0xd1: {  	s0 =	sor.u32 s1, s0  }
0xd2: {  	s0 =	sadd.s32 $0x8F2B, s0  }
0xd3: {  	[sflag:s0] =	ssyncadd.remote.s32 $0x1  }
0xd4: {  	_ =	sfence.sel $0xFFFF  }
0xd5: {  	[dreg:$0x0] =	wrdreg $0xFFFFFFFF;
	(pc) =	sbr.abs _section_cstart, $3  }
0xd6: {  	[dreg:$0x1] =	wrdreg $0xFFFFFFFF  }
0xd7: {  	_ =	task.clear_ibuf [dreg:s22], $0x2FFFF;
	_ =	strace $0x9FFFFFFF  }
0xd8: {  	(tm) =	ssettm $0x7FFFFFFF  }
0xd9: {  	_ =	shalt  }
tec
execute0_lowered:
.L_overlay_start_1:
0x0: {  	(tag) =	ssettag $0x1  }
0x1: {  	s5 =	rddreg [dreg:$0x0]  }
0x2: {  	s1 =	srdreg.scid;
	s2 =	rddreg [dreg:$0x1]  }
0x3: {  	s0 =	stileid.u32;
	s3 =	rddreg [dreg:$0x2]  }
0x4: {  	s9 =	simm.s32 $0x1;
	s10 =	simm.s32 $0x3;
	s1 =	sshll.u32 s1, $0x6  }
0x5: {  	s13 =	simm.s32 $0x0;
	s4 =	sshll.u32 s0, $0x7;
	s6 =	sand.u32 $0x40, s1  }
0x6: {  	s12 =	simm.s32 $0x0;
	s5 =	sadd.s32 $0x22C00, s5;
	s4 =	sor.u32 s4, s6  }
0x7: {  	s1 =	rddreg [dreg:$0x3];
	_ =	strace $0x8000005C;
	s8 =	ssub.s32 $0x1000, s4  }
.Ltmp0:
0x8: {  	s6 =	simm.s32 $0x1;
	s7 =	sand.u32 $0x7C0, s8;
	(pc) =	sbr.rel .LBB2_1-.Ltmp0, $4  }
0x9: {  	[sflag:s6] =	ssyncpa.u1 $0x0;
	s11 =	smov.u32 s4;
	p0 =	sne.s32 s7, $0x0  }
0xa: {  	s8 =	sshrl.u32 s8, $0xB;
	s7 =	simm.s32 $0x2;
	s9 =	simm.s32 @!p0 $0x0  }
0xb: {  	[sflag:s7] =	ssyncpa.u1 $0x0;
	p0 =	por $0x0, $0x0;
	s8 =	sadd.s32 s9, s8  }
0xc: {  	vm0 =	vmmov $0xffff;
	[sflag:s10] =	ssyncpa.u1 $0x0;
	s10 =	simm.s32 $0x0;
	s9 =	sadd.s32 $0x1, s8  }
.LBB2_4:
0xd: {  	vm1 =	veq.s32 v1, $0x80000000;
	v2 =	vand.u32 $0x3FF, v2  }
0xe: {  	v63 =	vand.u32 $0x3, v1;
	v2 =	vsel vm1, $0xFFFFFFFF, v2  }
0xf: {  	v1 =	vsel vm1, $0xFFFFFFFF, v63;
	v3 =	vshll.u32 v2, $0x2  }
0x10: {  	v4 =	vand.u32 $0xFFFFF000, v1;
	v1 =	vshll.u32 v1, $0x7;
	v3 =	vand.u32 $0xFFFFFE00, v3  }
0x11: {  	v1 =	vand.u32 $0x180, v1;
	v3 =	vadd.s32 v4, v3  }
0x12: {  	v2 =	vand.u32 $0x7F, v2;
	v1 =	vor.u32 v1, v3  }
0x13: {  	v1 =	vor.u32 v2, v1;
	_ =	sdelay $0x1  }
0x14: {  	(ifvalue) =	ssetifvalue $0x7FFFFFFF;
	s14 =	sadd.s32 $0x10, s14  }
0x15: {  	[tilespmem:s14], [sflag:$0x1] =	stream.indirect_vreg.gather [hbm4b:s5+s10], $0x1, v0, vm0, $0x4038;
	[tilespmem:$0x100] =	vst v63  }
0x16: {  	(ifvalue) =	ssetifvalue $0x7FFFFFFF;
	s14 =	sadd.s32 $0x10, s14  }
0x17: {  	[tilespmem:s14], [sflag:$0x1] =	stream.indirect_vreg.gather [hbm4b:s5+s10], $0x1, v1, vm0, $0x4038;
	[tilespmem:$0x100] =	vst v63  }
0x18: {  	_ =	swait.ge [sflag:s6], $0x40  }
0x19: {  	s30 =	sshrl.u32 s13, $0x3;
	[sflag:s6] =	ssyncset.done $0x0  }
0x1a: {  	s31 =	sand.u32 $0x7, s13;
	s14 =	sadd.s32 s3, s30;
	[sflag:s6] =	ssyncadd.s32 $0xFFFFFFC0  }
0x1b: {  	[hbm4b:s14+s31] =	stream.linear.scatter [tilespmem:s15], [sflag:$0x3], $0x40, $0x38;
	[tilespmem:$0x100] =	vst v63  }
.LBB2_5:
0x1c: {  	s15 =	sadd.s32 $0x800, s11  }
0x1d: {  	p2 =	sgt.s32 s15, $0xFFF  }
0x1e: {  	s15 =	smov.u32 @p2 s4;
	p2 =	sne.s32 s12, s9  }
.Ltmp1:
0x1f: {  	p1 =	slt.u32 s12, $0x2;
	(pc) =	sbr.rel @!p2 .LBB2_6-.Ltmp1, $4  }
0x20: {  	s14 =	simm.s32 @!p1 $0x3  }
0x21: {  	s16 =	sadd.s32 $0x1, s12;
	_ =	swait.ge @!p1 [sflag:s14], $0x40  }
0x22: {  	s13 =	smov.u32 s11;
	p0 =	por !p0, !p0;
	[sflag:s14] =	ssyncset.done @!p1 $0x0  }
0x23: {  	s12 =	smov.u32 s16;
	s11 =	smov.u32 s15;
	[sflag:s14] =	ssyncadd.s32 @!p1 $0xFFFFFFC0  }
.LBB2_1:
0x24: {  	p1 =	sge.u32 s12, s8  }
0x25: {  	s14 =	sxor.u32 @!p1 $0xFFFFFFFF, s12  }
0x26: {  	s31 =	sadd.s32 $0xFFFFFFFF, s12;
	s15 =	sshrl.u32 @!p1 s11, $0x3;
	s14 =	sshll.u32 @!p1 s14, $0x6  }
0x27: {  	s16 =	sand.u32 @!p1 $0x7, s11;
	s15 =	sadd.s32 @!p1 s2, s15;
	s14 =	sand.u32 @!p1 $0x40, s14  }
0x28: {  	[tilespmem:s14], [sflag:$0x2] =	stream.linear.gather @!p1 [hbm4b:s15+s16], $0x40, $0x38;
	[tilespmem:$0x100] =	vst v63  }
0x29: {  	p1 =	sge.u32 s31, s8  }
.Ltmp2:
0x2a: {  	_ = 	snop;
	(pc) =	sbr.rel @p1 .LBB2_5-.Ltmp2, $1  }
0x2b: {  	_ =	sdelay $0x3  }
0x2c: {  	s14 =	simm.s32 $0x1  }
0x2d: {  	_ =	swait.ge [sflag:s7], $0x40;
	s14 =	simm.s32 @!p0 $0x0  }
0x2e: {  	[sflag:s7] =	ssyncset.done $0x0;
	s14 =	sshll.u32 s14, $0x6  }
0x2f: {  	[sflag:s7] =	ssyncadd.s32 $0xFFFFFFC0;
	(ifvalue) =	ssetifvalue $0x7FFFFFFF;
	v0 =	vld.msk [tilespmem:s14+$0x0 ss:$0x1], $0xffff;
	_ =	sdelay $0x4  }
0x30: {  	s15 =	sadd.s32 $0x10, s14;
	v1 =	vshrl.u32 v0, $0x2  }
0x31: {  	v2 =	vld.msk [tilespmem:s15+$0x0 ss:$0x1], $0xffff;
	vm1 =	veq.s32 v0, $0x80000000;
	v1 =	vand.u32 $0x3FF, v1  }
0x32: {  	v0 =	vand.u32 $0x3, v0;
	v1 =	vsel vm1, $0xFFFFFFFF, v1  }
0x33: {  	v0 =	vsel vm1, $0xFFFFFFFF, v0;
	v3 =	vshll.u32 v1, $0x2  }
0x34: {  	v4 =	vand.u32 $0xFFFFF000, v0;
	v0 =	vshll.u32 v0, $0x7;
	v3 =	vand.u32 $0xFFFFFE00, v3  }
0x35: {  	v0 =	vand.u32 $0x180, v0;
	v3 =	vadd.s32 v4, v3  }
0x36: {  	v1 =	vand.u32 $0x7F, v1;
	v0 =	vor.u32 v0, v3;
	v3 =	vshrl.u32 v2, $0x2  }
0x37: {  	s17 =	sadd.s32 $0x10, s15;
	vm1 =	veq.s32 v2, $0x80000000;
	v0 =	vor.u32 v1, v0;
	v3 =	vand.u32 $0x3FF, v3  }
0x38: {  	v2 =	vand.u32 $0x3, v2;
	v1 =	vld.msk [tilespmem:s17+$0x0 ss:$0x1], $0xffff;
	v3 =	vsel vm1, $0xFFFFFFFF, v3  }
0x39: {  	v2 =	vsel vm1, $0xFFFFFFFF, v2;
	v63 =	vshll.u32 v3, $0x2  }
0x3a: {  	s31 =	sshll.u32 s12, $0x6;
	v5 =	vand.u32 $0xFFFFF000, v2;
	v2 =	vshll.u32 v2, $0x7;
	v4 =	vand.u32 $0xFFFFFE00, v63  }
0x3b: {  	s14 =	sor.u32 $0x80, s14;
	s15 =	sand.u32 $0x40, s31;
	(ifvalue) =	ssetifvalue $0x7FFFFFFF;
	v2 =	vand.u32 $0x180, v2;
	v4 =	vadd.s32 v5, v4  }
0x3c: {  	[tilespmem:s14], [sflag:$0x1] =	stream.indirect_vreg.gather [hbm4b:s5+s10], $0x1, v0, vm0, $0x4038;
	v0 =	vand.u32 $0x7F, v3;
	v3 =	vor.u32 v2, v4;
	[tilespmem:$0x100] =	vst v63  }
0x3d: {  	s16 =	simm.s32 $0x20;
	s15 =	sor.u32 $0x80, s15;
	s17 =	sadd.s32 $0x10, s17;
	v2 =	vshrl.u32 v1, $0x2;
	v0 =	vor.u32 v0, v3  }
.LBB2_3:
0x3e: {  	v3 =	vld.msk [tilespmem:s17+$0x0 ss:$0x1], $0xffff;
	s16 =	sadd.s32 $0x10, s16;
	vm1 =	veq.s32 v1, $0x80000000;
	v2 =	vand.u32 $0x3FF, v2  }
0x3f: {  	v1 =	vand.u32 $0x3, v1;
	p1 =	slt.u32 s16, $0x30;
	v2 =	vsel vm1, $0xFFFFFFFF, v2  }
.Ltmp3:
0x40: {  	v1 =	vsel vm1, $0xFFFFFFFF, v1;
	v4 =	vshll.u32 v2, $0x2;
	(pc) =	sbr.rel @p1 .LBB2_3-.Ltmp3, $4  }
0x41: {  	s14 =	sadd.s32 $0x10, s14;
	v5 =	vand.u32 $0xFFFFF000, v1;
	v1 =	vshll.u32 v1, $0x7;
	v4 =	vand.u32 $0xFFFFFE00, v4;
	(ifvalue) =	ssetifvalue $0x7FFFFFFF  }
0x42: {  	v4 =	vadd.s32 v5, v4;
	v5 =	vand.u32 $0x180, v1;
	[tilespmem:s14], [sflag:$0x1] =	stream.indirect_vreg.gather [hbm4b:s5+s10], $0x1, v0, vm0, $0x4038;
	[tilespmem:$0x100] =	vst v63  }
0x43: {  	v0 =	vand.u32 $0x7F, v2;
	v4 =	vor.u32 v5, v4  }
0x44: {  	s17 =	sadd.s32 $0x10, s17;
	v2 =	vshrl.u32 v3, $0x2;
	v1 =	vmov v3;
	v0 =	vor.u32 v0, v4  }
.Ltmp4:
0x45: {  	_ = 	snop;
	(pc) =	sbr.rel .LBB2_4-.Ltmp4, $1  }
0x46: {  	_ =	sdelay $0x3  }
.LBB2_6:
0x47: {  	_ =	sfence.sel $0x180000  }
0x48: {  	s2 =	simm.s32 $0x2;
	[bflag:$0x0] =	sbarrier.arrive $0xFFFF  }
0x49: {  	s30 =	simm.s32 $0x3;
	[sflag:s2] =	ssyncpa.u1 $0x1  }
0x4a: {  	s31 =	simm.s32 $0x1;
	[sflag:s30] =	ssyncpa.u1 $0x1  }
0x4b: {  	[sflag:s31] =	ssyncpa.u1 $0x1  }
0x4c: {  	p0 =	sne.s32 s0, $0x0;
	_ =	strace $0x9000005C  }
0x4d: {  	s0 =	sadd.s32 @!p0 $0x100000, s1;
	[bflag:$0x2] =	sbarrier.arrive $0xFFFF  }
0x4e: {  	[sflag:s0] =	ssyncadd.tile.s32 @!p0 $0x1;
	_ =	shalt  }
.Lfunc_end2:
_tile_overlayer_lowered:
.L_overlay_start_2:
0x4f: {  	(tag) =	ssettag $0x2  }
0x50: {  	s0 =	rddreg [dreg:$0x0];
	s2 =	stileid.u32  }
0x51: {  	s1 =	rddreg [dreg:$0x1];
	p0 =	sne.s32 s2, $0x0  }
0x52: {  	s3 =	rddreg [dreg:$0x2];
	[bflag:$0x3] =	sbarrier.arrive $0xFFFF;
	s2 =	simm.s32 @!p0 $0x1C01  }
0x53: {  	[timem:s3], [sflag:s2] =	dma.local @!p0 [hbm:s0], s1  }
0x54: {  	s0 =	simm.s32 @!p0 $0x1  }
0x55: {  	_ =	swait.ge @!p0 [sflag:s0], s1  }
0x56: {  	s1 =	ssub.s32 @!p0 $0x0, s1;
	[sflag:s0] =	ssyncset.done @!p0 $0x0  }
0x57: {  	[sflag:s0] =	ssyncadd.s32 @!p0 s1  }
0x58: {  	[bflag:$0x3] =	sbarrier.arrive $0xFFFF  }
0x59: {  	_ =	shalt  }

// kernel: gather_offload_async_start.7
scs
__scs_entry_jumppad:
0x0: {  	(pc) =	sbr.rel $0x88, $3  }
0x1: {  	(tag) =	ssettag $0x0;
	lr =	simm.s32 $0x1  }
0x2: {  	[smem:$0x3F79] =	sst lr;
	_ =	strace $0xD0000000  }
0x3: {  	_ = 	snop  }
0x4: {  	_ = 	snop  }
0x5: {  	_ = 	snop  }
0x6: {  	_ = 	snop  }
0x7: {  	_ = 	snop  }
__scs_overlays_trampoline_lowered:
0x8: {  	[smem:$0x3F88] =	sst s0  }
0x9: {  	[smem:$0x3F89] =	sst s1  }
0xa: {  	[smem:$0x3F8A] =	sst s2  }
0xb: {  	[smem:$0x3F8B] =	sst s3  }
0xc: {  	[smem:$0x3F8C] =	sst s4  }
0xd: {  	[smem:$0x3F8D] =	sst s5  }
0xe: {  	[smem:$0x3F8E] =	sst s6  }
0xf: {  	[smem:$0x3F8F] =	sst s7  }
0x10: {  	[smem:$0x3F90] =	sst s8  }
0x11: {  	[smem:$0x3F91] =	sst s9;
	s0 =	simm.s32 @!p0 $0x0  }
0x12: {  	s1 =	sld [smem:$0x3F77];
	s0 =	simm.s32 @p0 $0x1  }
0x13: {  	[smem:$0x3F92] =	sst s0;
	s0 =	simm.s32 @!p1 $0x0  }
0x14: {  	s2 =	sld [smem:$0x3F76];
	s0 =	simm.s32 @p1 $0x1  }
0x15: {  	[smem:$0x3F93] =	sst s0;
	s0 =	simm.s32 @!p2 $0x0  }
0x16: {  	s3 =	sld [smem:$0x3FDB];
	s0 =	simm.s32 @p2 $0x1  }
0x17: {  	s4 =	simm.s32 $0x1BF5;
	[smem:$0x3F95] =	sst s0  }
0x18: {  	s0 =	sld [smem:$0x3F78];
	_ =	swait.ge [sflag:s4], $0x0  }
0x19: {  	s7 =	sld [smem:$0x3F79]  }
0x1a: {  	s8 =	sadd.s32 $0xFFFFE003, lr  }
0x1b: {  	s9 =	sadd.s32 $0xFFFFFEF7, lr;
	s5 =	simm.s32 $0xFFFFFFFF;
	p2 =	slt.u32 s8, $0xFFFFF086  }
0x1c: {  	p1 =	slt.u32 s9, $0xF7A;
	s5 =	simm.s32 @!p2 $0x0  }
0x1d: {  	s5 =	simm.s32 @p1 $0x1;
	p0 =	seq.s32 s7, s2  }
0x1e: {  	s7 =	smul.u32 @!p0 $0xF7A, s2;
	p2 =	seq.s32 @!p0 s5, $0x0  }
0x1f: {  	s9 =	smul.u32 $0xF7A, s1;
	s8 =	simm.s32 @!p0 $0x1BF5;
	p2 =	por !p2, p0  }
0x20: {  	[sflag:s8] =	ssyncset.s32 @!p0 $0xFFFFF086;
	s6 =	sadd.s32 @!p0 s3, s7;
	s7 =	simm.s32 @!p0 $0x108  }
0x21: {  	s3 =	sadd.s32 s3, s9;
	s6 =	sadd.s32 @!p0 $0x88, s6;
	s7 =	simm.s32 @p2 $0x1082  }
0x22: {  	[simem:s7], [sflag:s8] =	dma.local @!p0 [hbm:s6], $0xF7A  }
0x23: {  	s9 =	sor.u32 $0xD0000000, s2;
	s6 =	simm.s32 $0x108;
	_ =	swait.ge @!p0 [sflag:s8], $0x0  }
0x24: {  	s3 =	sadd.s32 $0x88, s3;
	s6 =	simm.s32 @!p1 $0x1082;
	[sflag:s4] =	ssyncset.s32 $0xFFFFF086  }
0x25: {  	[simem:s6], [sflag:s4] =	dma.local [hbm:s3], $0xF7A  }
0x26: {  	[smem:$0x3F79] =	sst s1;
	(tag) =	ssettag s2;
	_ =	strace s9  }
0x27: {  	s1 =	sld [smem:$0x3F89]  }
0x28: {  	s2 =	sld [smem:$0x3F8A]  }
0x29: {  	s4 =	sld [smem:$0x3F8C]  }
0x2a: {  	p0 =	seq.s32 s5, $0x0;
	s5 =	sld [smem:$0x3F8D]  }
0x2b: {  	s6 =	sld [smem:$0x3F8E]  }
0x2c: {  	s7 =	sld [smem:$0x3F8F]  }
0x2d: {  	s3 =	simm.s32 $0x108;
	s8 =	sld [smem:$0x3F90]  }
0x2e: {  	s3 =	simm.s32 @!p0 $0x1082;
	s9 =	sld [smem:$0x3F91]  }
0x2f: {  	lr =	sadd.s32 s0, s3;
	s0 =	sld [smem:$0x3F88]  }
0x30: {  	s3 =	sld [smem:$0x3F8B]  }
0x31: {  	[smem:$0x3F94] =	sst s10  }
0x32: {  	s10 =	sld [smem:$0x3F92];
	_ =	sdelay $0x3  }
0x33: {  	p0 =	seq.s32 s10, $0x1;
	s10 =	sld [smem:$0x3F94];
	_ =	sdelay $0x3  }
0x34: {  	[smem:$0x3F94] =	sst s10  }
0x35: {  	s10 =	sld [smem:$0x3F93];
	_ =	sdelay $0x3  }
0x36: {  	p1 =	seq.s32 s10, $0x1;
	s10 =	sld [smem:$0x3F94];
	_ =	sdelay $0x3  }
0x37: {  	[smem:$0x3F94] =	sst s10  }
0x38: {  	s10 =	sld [smem:$0x3F95]  }
0x39: {  	_ = 	snop;
	(pc) =	sbr.ind lr, $3  }
0x3a: {  	_ = 	snop  }
0x3b: {  	_ = 	snop  }
0x3c: {  	p2 =	seq.s32 s10, $0x1;
	s10 =	sld [smem:$0x3F94]  }
0x3d: {  	_ =	shalt  }
0x3e: {  	_ =	shalt  }
0x3f: {  	_ =	shalt  }
0x40: {  	_ =	shalt  }
0x41: {  	_ =	shalt  }
0x42: {  	_ =	shalt  }
0x43: {  	_ =	shalt  }
0x44: {  	_ =	shalt  }
0x45: {  	_ =	shalt  }
0x46: {  	_ =	shalt  }
0x47: {  	_ =	shalt  }
0x48: {  	_ =	shalt  }
0x49: {  	_ =	shalt  }
0x4a: {  	_ =	shalt  }
0x4b: {  	_ =	shalt  }
0x4c: {  	_ =	shalt  }
0x4d: {  	_ =	shalt  }
0x4e: {  	_ =	shalt  }
0x4f: {  	_ =	shalt  }
0x50: {  	_ =	shalt  }
0x51: {  	_ =	shalt  }
0x52: {  	_ =	shalt  }
0x53: {  	_ =	shalt  }
0x54: {  	_ =	shalt  }
0x55: {  	_ =	shalt  }
0x56: {  	_ =	shalt  }
0x57: {  	_ =	shalt  }
0x58: {  	_ =	shalt  }
0x59: {  	_ =	shalt  }
0x5a: {  	_ =	shalt  }
0x5b: {  	_ =	shalt  }
0x5c: {  	_ =	shalt  }
0x5d: {  	_ =	shalt  }
0x5e: {  	_ =	shalt  }
0x5f: {  	_ =	shalt  }
0x60: {  	_ =	shalt  }
0x61: {  	_ =	shalt  }
0x62: {  	_ =	shalt  }
0x63: {  	_ =	shalt  }
0x64: {  	_ =	shalt  }
0x65: {  	_ =	shalt  }
0x66: {  	_ =	shalt  }
0x67: {  	_ =	shalt  }
0x68: {  	_ =	shalt  }
0x69: {  	_ =	shalt  }
0x6a: {  	_ =	shalt  }
0x6b: {  	_ =	shalt  }
0x6c: {  	_ =	shalt  }
0x6d: {  	_ =	shalt  }
0x6e: {  	_ =	shalt  }
0x6f: {  	_ =	shalt  }
0x70: {  	_ =	shalt  }
0x71: {  	_ =	shalt  }
0x72: {  	_ =	shalt  }
0x73: {  	_ =	shalt  }
0x74: {  	_ =	shalt  }
0x75: {  	_ =	shalt  }
0x76: {  	_ =	shalt  }
0x77: {  	_ =	shalt  }
0x78: {  	_ =	shalt  }
0x79: {  	_ =	shalt  }
0x7a: {  	_ =	shalt  }
0x7b: {  	_ =	shalt  }
0x7c: {  	_ =	shalt  }
0x7d: {  	_ =	shalt  }
0x7e: {  	_ =	shalt  }
0x7f: {  	_ =	shalt  }
0x80: {  	_ =	shalt  }
0x81: {  	_ =	shalt  }
0x82: {  	_ =	shalt  }
0x83: {  	_ =	shalt  }
0x84: {  	_ =	shalt  }
0x85: {  	_ =	shalt  }
0x86: {  	_ =	shalt  }
0x87: {  	_ =	shalt  }
.Lfunc_end0:
.L_simem_size_0:
called_computation.7_lowered:
.L_overlay_start_0:
0x88: {  	s2 =	sld [smem:$0x3FD9]  }
0x89: {  	s3 =	sld [smem:$0x3FFE];
	_ =	sdelay $0x1  }
0x8a: {  	s1 =	srdreg.scid  }
0x8b: {  	s0 =	sand.u32 $0x1, s1  }
0x8c: {  	s14 =	sshll.u32 s0, $0xA;
	s2 =	sadd.s32 s3, s2  }
0x8d: {  	s2 =	sadd.s32 s2, s14  }
0x8e: {  	[smem:$0x3FA0] =	sst s2  }
0x8f: {  	_ = 	snop  }
0x90: {  	s2 =	sld [smem:$0x3FD0];
	_ =	sdelay $0x2  }
0x91: {  	s15 =	simm.s32 $0xB;
	s4 =	simm.s32 $0x10  }
0x92: {  	[smem:s4], [sflag:s15] =	dma.local [hbm:s2], $0x1  }
0x93: {  	_ =	swait.eq [sflag:s15], $0x1  }
0x94: {  	[sflag:s15] =	ssyncset.done $0x0  }
0x95: {  	[sflag:s15] =	ssyncadd.s32 $0xFFFFFFFF  }
0x96: {  	s16 =	sld [smem:$0x12];
	(tm) =	ssettm $0x1  }
0x97: {  	s17 =	sld [smem:$0x3FFB];
	_ =	sdelay $0x3  }
0x98: {  	_ =	strace s17  }
0x99: {  	s3 =	sld [smem:$0x3FFC];
	_ =	sdelay $0x3  }
0x9a: {  	_ =	strace s3  }
0x9b: {  	s3 =	sld [smem:$0x3FFD];
	_ =	sdelay $0x3  }
0x9c: {  	_ =	strace s3  }
0x9d: {  	_ =	strace $0x8FFFFFFF  }
0x9e: {  	s18 =	sld [smem:$0x3FDB];
	_ =	sdelay $0x1  }
0x9f: {  	s19 =	simm.s32 $_scs_section_size  }
0xa0: {  	s5 =	simm.s32 $_size__tile_overlayer_lowered;
	s6 =	simm.s32 $_tile_overlayer_lowered  }
0xa1: {  	s22 =	simm.s32 $0x1BFF;
	s21 =	sshll.u32 s6, $0x1;
	s3 =	sadd.s32 s19, s18  }
0xa2: {  	s7 =	simm.s32 $0x0;
	s20 =	sshll.u32 s5, $0x1;
	s5 =	sadd.s32 s21, s3  }
0xa3: {  	[timem:s7], [sflag:s22] =	dma.local [hbm:s5], s20  }
0xa4: {  	_ =	swait.ge [sflag:s22], s20  }
0xa5: {  	s4 =	ssub.s32 $0x0, s20;
	[sflag:s22] =	ssyncset.done $0x0  }
0xa6: {  	[sflag:s22] =	ssyncadd.s32 s4;
	_ =	sdelay $0x1  }
0xa7: {  	s23 =	simm.s32 $0x1B8B  }
0xa8: {  	_ =	swait.ge [sflag:s23], $0x1  }
0xa9: {  	[sflag:s23] =	ssyncset.done $0x0  }
0xaa: {  	s25 =	simm.s32 $0x1B8E;
	s24 =	sld [smem:$0x3FFE];
	[sflag:s23] =	ssyncadd.s32 $0xFFFFFFFF  }
0xab: {  	s26 =	simm.s32 $execute0_lowered;
	[smem:$0x3FD2] =	sst s25  }
0xac: {  	s5 =	sshll.u32 s26, $0x1;
	_ =	strace $0x80000058;
	[dreg:$0x1] =	wrdreg $0xFFFFFFFF  }
0xad: {  	s28 =	simm.s32 $_size_execute0_lowered;
	s3 =	sadd.s32 s3, s5;
	[dreg:$0x0] =	wrdreg $0x0  }
0xae: {  	s5 =	sshll.u32 s28, $0x1;
	[dreg:$0x2] =	wrdreg s3  }
0xaf: {  	[dreg:$0x3] =	wrdreg s5  }
0xb0: {  	[dreg:$0x4] =	wrdreg $0xC0  }
0xb1: {  	_ =	task [dreg:s7], $0x5FFFF  }
0xb2: {  	[dreg:$0x1] =	wrdreg $0xFFFFFFFF  }
0xb3: {  	[dreg:$0x0] =	wrdreg $0x60  }
0xb4: {  	[dreg:$0x2] =	wrdreg s24  }
0xb5: {  	[dreg:$0x3] =	wrdreg s16  }
0xb6: {  	[dreg:$0x4] =	wrdreg $0xA  }
0xb7: {  	_ =	task.clear_ibuf [dreg:s7], $0x5FFFF;
	_ =	strace $0x90000058  }
0xb8: {  	s29 =	simm.s32 $0xA;
	_ =	strace $0x8000005A  }
0xb9: {  	_ =	swait.ge [sflag:s29], $0x1  }
0xba: {  	[sflag:s29] =	ssyncadd.s32 $0xFFFFFFFF  }
0xbb: {  	_ =	strace $0x9000005A  }
0xbc: {  	_ =	sfence  }
0xbd: {  	s30 =	sld [smem:$0x0];
	_ =	sdelay $0x2  }
0xbe: {  	s31 =	sshll.u32 s1, $0xD;
	s1 =	sshrl.u32 s1, $0x2  }
0xbf: {  	s3 =	sand.u32 $0x4000, s31;
	s1 =	sadd.s32 s1, s30  }
0xc0: {  	s0 =	sor.u32 s3, s0;
	s1 =	sshll.u32 s1, $0x11  }
0xc1: {  	s0 =	sor.u32 s1, s0  }
0xc2: {  	s0 =	sadd.s32 $0x8F2B, s0  }
0xc3: {  	[sflag:s0] =	ssyncadd.remote.s32 $0x1  }
0xc4: {  	_ =	sfence.sel $0xFFFF  }
0xc5: {  	[dreg:$0x0] =	wrdreg $0xFFFFFFFF;
	(pc) =	sbr.abs _section_cstart, $3  }
0xc6: {  	[dreg:$0x1] =	wrdreg $0xFFFFFFFF  }
0xc7: {  	_ =	task.clear_ibuf [dreg:s7], $0x2FFFF;
	_ =	strace $0x9FFFFFFF  }
0xc8: {  	(tm) =	ssettm $0x7FFFFFFF  }
0xc9: {  	_ =	shalt  }
tec
execute0_lowered:
.L_overlay_start_1:
0x0: {  	(tag) =	ssettag $0x1  }
0x1: {  	s1 =	srdreg.scid;
	s5 =	rddreg [dreg:$0x0]  }
0x2: {  	s0 =	stileid.u32;
	s2 =	rddreg [dreg:$0x1];
	s6 =	simm.s32 $0x1  }
0x3: {  	s9 =	simm.s32 $0x1;
	s10 =	simm.s32 $0x3;
	s1 =	sshll.u32 s1, $0x6  }
0x4: {  	s13 =	simm.s32 $0x0;
	s3 =	sshll.u32 s0, $0x7;
	s4 =	sand.u32 $0x40, s1  }
0x5: {  	s12 =	simm.s32 $0x0;
	s1 =	rddreg [dreg:$0x2];
	s3 =	sor.u32 s3, s4  }
0x6: {  	_ =	strace $0x80000059;
	s4 =	sadd.s32 $0x22E00, s5;
	s8 =	ssub.s32 $0x1000, s3  }
.Ltmp0:
0x7: {  	s5 =	sadd.s32 $0x1A00, s5;
	s7 =	sand.u32 $0x7C0, s8;
	(pc) =	sbr.rel .LBB2_1-.Ltmp0, $4  }
0x8: {  	[sflag:s6] =	ssyncpa.u1 $0x0;
	s11 =	smov.u32 s3;
	p0 =	sne.s32 s7, $0x0  }
0x9: {  	s8 =	sshrl.u32 s8, $0xB;
	s7 =	simm.s32 $0x2;
	s9 =	simm.s32 @!p0 $0x0  }
0xa: {  	[sflag:s7] =	ssyncpa.u1 $0x0;
	p0 =	por $0x0, $0x0;
	s8 =	sadd.s32 s9, s8  }
0xb: {  	vm0 =	vmmov $0xffff;
	[sflag:s10] =	ssyncpa.u1 $0x0;
	s10 =	simm.s32 $0x0;
	s9 =	sadd.s32 $0x1, s8  }
.LBB2_4:
0xc: {  	vm1 =	veq.s32 v1, $0x80000000;
	v2 =	vand.u32 $0x3FF, v2  }
0xd: {  	v63 =	vand.u32 $0x3, v1;
	v2 =	vsel vm1, $0xFFFFFFFF, v2  }
0xe: {  	v1 =	vsel vm1, $0xFFFFFFFF, v63;
	v3 =	vshll.u32 v2, $0x2  }
0xf: {  	v4 =	vand.u32 $0xFFFFF000, v1;
	v1 =	vshll.u32 v1, $0x7;
	v3 =	vand.u32 $0xFFFFFE00, v3  }
0x10: {  	v1 =	vand.u32 $0x180, v1;
	v3 =	vadd.s32 v4, v3  }
0x11: {  	v2 =	vand.u32 $0x7F, v2;
	v1 =	vor.u32 v1, v3  }
0x12: {  	v1 =	vor.u32 v2, v1;
	_ =	sdelay $0x1  }
0x13: {  	(ifvalue) =	ssetifvalue $0x7FFFFFFF;
	s14 =	sadd.s32 $0x10, s14  }
0x14: {  	[tilespmem:s14], [sflag:$0x1] =	stream.indirect_vreg.gather [hbm4b:s4+s10], $0x1, v0, vm0, $0x4038;
	[tilespmem:$0x100] =	vst v63  }
0x15: {  	(ifvalue) =	ssetifvalue $0x7FFFFFFF;
	s14 =	sadd.s32 $0x10, s14  }
0x16: {  	[tilespmem:s14], [sflag:$0x1] =	stream.indirect_vreg.gather [hbm4b:s4+s10], $0x1, v1, vm0, $0x4038;
	[tilespmem:$0x100] =	vst v63  }
0x17: {  	_ =	swait.ge [sflag:s6], $0x40  }
0x18: {  	s30 =	sshrl.u32 s13, $0x3;
	[sflag:s6] =	ssyncset.done $0x0  }
0x19: {  	s31 =	sand.u32 $0x7, s13;
	s14 =	sadd.s32 s5, s30;
	[sflag:s6] =	ssyncadd.s32 $0xFFFFFFC0  }
0x1a: {  	[hbm4b:s14+s31] =	stream.linear.scatter [tilespmem:s15], [sflag:$0x3], $0x40, $0x38;
	[tilespmem:$0x100] =	vst v63  }
.LBB2_5:
0x1b: {  	s15 =	sadd.s32 $0x800, s11  }
0x1c: {  	p2 =	sgt.s32 s15, $0xFFF  }
0x1d: {  	s15 =	smov.u32 @p2 s3;
	p2 =	sne.s32 s12, s9  }
.Ltmp1:
0x1e: {  	p1 =	slt.u32 s12, $0x2;
	(pc) =	sbr.rel @!p2 .LBB2_6-.Ltmp1, $4  }
0x1f: {  	s14 =	simm.s32 @!p1 $0x3  }
0x20: {  	s16 =	sadd.s32 $0x1, s12;
	_ =	swait.ge @!p1 [sflag:s14], $0x40  }
0x21: {  	s13 =	smov.u32 s11;
	p0 =	por !p0, !p0;
	[sflag:s14] =	ssyncset.done @!p1 $0x0  }
0x22: {  	s12 =	smov.u32 s16;
	s11 =	smov.u32 s15;
	[sflag:s14] =	ssyncadd.s32 @!p1 $0xFFFFFFC0  }
.LBB2_1:
0x23: {  	p1 =	sge.u32 s12, s8  }
0x24: {  	s14 =	sxor.u32 @!p1 $0xFFFFFFFF, s12  }
0x25: {  	s31 =	sadd.s32 $0xFFFFFFFF, s12;
	s15 =	sshrl.u32 @!p1 s11, $0x3;
	s14 =	sshll.u32 @!p1 s14, $0x6  }
0x26: {  	s16 =	sand.u32 @!p1 $0x7, s11;
	s15 =	sadd.s32 @!p1 s2, s15;
	s14 =	sand.u32 @!p1 $0x40, s14  }
0x27: {  	[tilespmem:s14], [sflag:$0x2] =	stream.linear.gather @!p1 [hbm4b:s15+s16], $0x40, $0x38;
	[tilespmem:$0x100] =	vst v63  }
0x28: {  	p1 =	sge.u32 s31, s8  }
.Ltmp2:
0x29: {  	_ = 	snop;
	(pc) =	sbr.rel @p1 .LBB2_5-.Ltmp2, $1  }
0x2a: {  	_ =	sdelay $0x3  }
0x2b: {  	s14 =	simm.s32 $0x1  }
0x2c: {  	_ =	swait.ge [sflag:s7], $0x40;
	s14 =	simm.s32 @!p0 $0x0  }
0x2d: {  	[sflag:s7] =	ssyncset.done $0x0;
	s14 =	sshll.u32 s14, $0x6  }
0x2e: {  	[sflag:s7] =	ssyncadd.s32 $0xFFFFFFC0;
	(ifvalue) =	ssetifvalue $0x7FFFFFFF;
	v0 =	vld.msk [tilespmem:s14+$0x0 ss:$0x1], $0xffff;
	_ =	sdelay $0x4  }
0x2f: {  	s15 =	sadd.s32 $0x10, s14;
	v1 =	vshrl.u32 v0, $0x2  }
0x30: {  	v2 =	vld.msk [tilespmem:s15+$0x0 ss:$0x1], $0xffff;
	vm1 =	veq.s32 v0, $0x80000000;
	v1 =	vand.u32 $0x3FF, v1  }
0x31: {  	v0 =	vand.u32 $0x3, v0;
	v1 =	vsel vm1, $0xFFFFFFFF, v1  }
0x32: {  	v0 =	vsel vm1, $0xFFFFFFFF, v0;
	v3 =	vshll.u32 v1, $0x2  }
0x33: {  	v4 =	vand.u32 $0xFFFFF000, v0;
	v0 =	vshll.u32 v0, $0x7;
	v3 =	vand.u32 $0xFFFFFE00, v3  }
0x34: {  	v0 =	vand.u32 $0x180, v0;
	v3 =	vadd.s32 v4, v3  }
0x35: {  	v1 =	vand.u32 $0x7F, v1;
	v0 =	vor.u32 v0, v3;
	v3 =	vshrl.u32 v2, $0x2  }
0x36: {  	s17 =	sadd.s32 $0x10, s15;
	vm1 =	veq.s32 v2, $0x80000000;
	v0 =	vor.u32 v1, v0;
	v3 =	vand.u32 $0x3FF, v3  }
0x37: {  	v2 =	vand.u32 $0x3, v2;
	v1 =	vld.msk [tilespmem:s17+$0x0 ss:$0x1], $0xffff;
	v3 =	vsel vm1, $0xFFFFFFFF, v3  }
0x38: {  	v2 =	vsel vm1, $0xFFFFFFFF, v2;
	v63 =	vshll.u32 v3, $0x2  }
0x39: {  	s31 =	sshll.u32 s12, $0x6;
	v5 =	vand.u32 $0xFFFFF000, v2;
	v2 =	vshll.u32 v2, $0x7;
	v4 =	vand.u32 $0xFFFFFE00, v63  }
0x3a: {  	s14 =	sor.u32 $0x80, s14;
	s15 =	sand.u32 $0x40, s31;
	(ifvalue) =	ssetifvalue $0x7FFFFFFF;
	v2 =	vand.u32 $0x180, v2;
	v4 =	vadd.s32 v5, v4  }
0x3b: {  	[tilespmem:s14], [sflag:$0x1] =	stream.indirect_vreg.gather [hbm4b:s4+s10], $0x1, v0, vm0, $0x4038;
	v0 =	vand.u32 $0x7F, v3;
	v3 =	vor.u32 v2, v4;
	[tilespmem:$0x100] =	vst v63  }
0x3c: {  	s16 =	simm.s32 $0x20;
	s15 =	sor.u32 $0x80, s15;
	s17 =	sadd.s32 $0x10, s17;
	v2 =	vshrl.u32 v1, $0x2;
	v0 =	vor.u32 v0, v3  }
.LBB2_3:
0x3d: {  	v3 =	vld.msk [tilespmem:s17+$0x0 ss:$0x1], $0xffff;
	s16 =	sadd.s32 $0x10, s16;
	vm1 =	veq.s32 v1, $0x80000000;
	v2 =	vand.u32 $0x3FF, v2  }
0x3e: {  	v1 =	vand.u32 $0x3, v1;
	p1 =	slt.u32 s16, $0x30;
	v2 =	vsel vm1, $0xFFFFFFFF, v2  }
.Ltmp3:
0x3f: {  	v1 =	vsel vm1, $0xFFFFFFFF, v1;
	v4 =	vshll.u32 v2, $0x2;
	(pc) =	sbr.rel @p1 .LBB2_3-.Ltmp3, $4  }
0x40: {  	s14 =	sadd.s32 $0x10, s14;
	v5 =	vand.u32 $0xFFFFF000, v1;
	v1 =	vshll.u32 v1, $0x7;
	v4 =	vand.u32 $0xFFFFFE00, v4;
	(ifvalue) =	ssetifvalue $0x7FFFFFFF  }
0x41: {  	v4 =	vadd.s32 v5, v4;
	v5 =	vand.u32 $0x180, v1;
	[tilespmem:s14], [sflag:$0x1] =	stream.indirect_vreg.gather [hbm4b:s4+s10], $0x1, v0, vm0, $0x4038;
	[tilespmem:$0x100] =	vst v63  }
0x42: {  	v0 =	vand.u32 $0x7F, v2;
	v4 =	vor.u32 v5, v4  }
0x43: {  	s17 =	sadd.s32 $0x10, s17;
	v2 =	vshrl.u32 v3, $0x2;
	v1 =	vmov v3;
	v0 =	vor.u32 v0, v4  }
.Ltmp4:
0x44: {  	_ = 	snop;
	(pc) =	sbr.rel .LBB2_4-.Ltmp4, $1  }
0x45: {  	_ =	sdelay $0x3  }
.LBB2_6:
0x46: {  	_ =	sfence.sel $0x180000  }
0x47: {  	s2 =	simm.s32 $0x2;
	[bflag:$0x0] =	sbarrier.arrive $0xFFFF  }
0x48: {  	s30 =	simm.s32 $0x3;
	[sflag:s2] =	ssyncpa.u1 $0x1  }
0x49: {  	s31 =	simm.s32 $0x1;
	[sflag:s30] =	ssyncpa.u1 $0x1  }
0x4a: {  	[sflag:s31] =	ssyncpa.u1 $0x1  }
0x4b: {  	p0 =	sne.s32 s0, $0x0;
	_ =	strace $0x90000059  }
0x4c: {  	s0 =	sadd.s32 @!p0 $0x100000, s1;
	[bflag:$0x2] =	sbarrier.arrive $0xFFFF  }
0x4d: {  	[sflag:s0] =	ssyncadd.tile.s32 @!p0 $0x1;
	_ =	shalt  }
.Lfunc_end2:
_tile_overlayer_lowered:
.L_overlay_start_2:
0x4e: {  	(tag) =	ssettag $0x2  }
0x4f: {  	s0 =	rddreg [dreg:$0x0];
	s2 =	stileid.u32  }
0x50: {  	s1 =	rddreg [dreg:$0x1];
	p0 =	sne.s32 s2, $0x0  }
0x51: {  	s3 =	rddreg [dreg:$0x2];
	[bflag:$0x3] =	sbarrier.arrive $0xFFFF;
	s2 =	simm.s32 @!p0 $0x1C01  }
0x52: {  	[timem:s3], [sflag:s2] =	dma.local @!p0 [hbm:s0], s1  }
0x53: {  	s0 =	simm.s32 @!p0 $0x1  }
0x54: {  	_ =	swait.ge @!p0 [sflag:s0], s1  }
0x55: {  	s1 =	ssub.s32 @!p0 $0x0, s1;
	[sflag:s0] =	ssyncset.done @!p0 $0x0  }
0x56: {  	[sflag:s0] =	ssyncadd.s32 @!p0 s1  }
0x57: {  	[bflag:$0x3] =	sbarrier.arrive $0xFFFF  }
0x58: {  	_ =	shalt  }

// kernel: gather_offload_async_start
scs
__scs_entry_jumppad:
0x0: {  	(pc) =	sbr.rel $0x88, $3  }
0x1: {  	(tag) =	ssettag $0x0;
	lr =	simm.s32 $0x1  }
0x2: {  	[smem:$0x3F79] =	sst lr;
	_ =	strace $0xD0000000  }
0x3: {  	_ = 	snop  }
0x4: {  	_ = 	snop  }
0x5: {  	_ = 	snop  }
0x6: {  	_ = 	snop  }
0x7: {  	_ = 	snop  }
__scs_overlays_trampoline_lowered:
0x8: {  	[smem:$0x3F88] =	sst s0  }
0x9: {  	[smem:$0x3F89] =	sst s1  }
0xa: {  	[smem:$0x3F8A] =	sst s2  }
0xb: {  	[smem:$0x3F8B] =	sst s3  }
0xc: {  	[smem:$0x3F8C] =	sst s4  }
0xd: {  	[smem:$0x3F8D] =	sst s5  }
0xe: {  	[smem:$0x3F8E] =	sst s6  }
0xf: {  	[smem:$0x3F8F] =	sst s7  }
0x10: {  	[smem:$0x3F90] =	sst s8  }
0x11: {  	[smem:$0x3F91] =	sst s9;
	s0 =	simm.s32 @!p0 $0x0  }
0x12: {  	s1 =	sld [smem:$0x3F77];
	s0 =	simm.s32 @p0 $0x1  }
0x13: {  	[smem:$0x3F92] =	sst s0;
	s0 =	simm.s32 @!p1 $0x0  }
0x14: {  	s2 =	sld [smem:$0x3F76];
	s0 =	simm.s32 @p1 $0x1  }
0x15: {  	[smem:$0x3F93] =	sst s0;
	s0 =	simm.s32 @!p2 $0x0  }
0x16: {  	s3 =	sld [smem:$0x3FDB];
	s0 =	simm.s32 @p2 $0x1  }
0x17: {  	s4 =	simm.s32 $0x1BF5;
	[smem:$0x3F95] =	sst s0  }
0x18: {  	s0 =	sld [smem:$0x3F78];
	_ =	swait.ge [sflag:s4], $0x0  }
0x19: {  	s7 =	sld [smem:$0x3F79]  }
0x1a: {  	s8 =	sadd.s32 $0xFFFFE003, lr  }
0x1b: {  	s9 =	sadd.s32 $0xFFFFFEF7, lr;
	s5 =	simm.s32 $0xFFFFFFFF;
	p2 =	slt.u32 s8, $0xFFFFF086  }
0x1c: {  	p1 =	slt.u32 s9, $0xF7A;
	s5 =	simm.s32 @!p2 $0x0  }
0x1d: {  	s5 =	simm.s32 @p1 $0x1;
	p0 =	seq.s32 s7, s2  }
0x1e: {  	s7 =	smul.u32 @!p0 $0xF7A, s2;
	p2 =	seq.s32 @!p0 s5, $0x0  }
0x1f: {  	s9 =	smul.u32 $0xF7A, s1;
	s8 =	simm.s32 @!p0 $0x1BF5;
	p2 =	por !p2, p0  }
0x20: {  	[sflag:s8] =	ssyncset.s32 @!p0 $0xFFFFF086;
	s6 =	sadd.s32 @!p0 s3, s7;
	s7 =	simm.s32 @!p0 $0x108  }
0x21: {  	s3 =	sadd.s32 s3, s9;
	s6 =	sadd.s32 @!p0 $0x88, s6;
	s7 =	simm.s32 @p2 $0x1082  }
0x22: {  	[simem:s7], [sflag:s8] =	dma.local @!p0 [hbm:s6], $0xF7A  }
0x23: {  	s9 =	sor.u32 $0xD0000000, s2;
	s6 =	simm.s32 $0x108;
	_ =	swait.ge @!p0 [sflag:s8], $0x0  }
0x24: {  	s3 =	sadd.s32 $0x88, s3;
	s6 =	simm.s32 @!p1 $0x1082;
	[sflag:s4] =	ssyncset.s32 $0xFFFFF086  }
0x25: {  	[simem:s6], [sflag:s4] =	dma.local [hbm:s3], $0xF7A  }
0x26: {  	[smem:$0x3F79] =	sst s1;
	(tag) =	ssettag s2;
	_ =	strace s9  }
0x27: {  	s1 =	sld [smem:$0x3F89]  }
0x28: {  	s2 =	sld [smem:$0x3F8A]  }
0x29: {  	s4 =	sld [smem:$0x3F8C]  }
0x2a: {  	p0 =	seq.s32 s5, $0x0;
	s5 =	sld [smem:$0x3F8D]  }
0x2b: {  	s6 =	sld [smem:$0x3F8E]  }
0x2c: {  	s7 =	sld [smem:$0x3F8F]  }
0x2d: {  	s3 =	simm.s32 $0x108;
	s8 =	sld [smem:$0x3F90]  }
0x2e: {  	s3 =	simm.s32 @!p0 $0x1082;
	s9 =	sld [smem:$0x3F91]  }
0x2f: {  	lr =	sadd.s32 s0, s3;
	s0 =	sld [smem:$0x3F88]  }
0x30: {  	s3 =	sld [smem:$0x3F8B]  }
0x31: {  	[smem:$0x3F94] =	sst s10  }
0x32: {  	s10 =	sld [smem:$0x3F92];
	_ =	sdelay $0x3  }
0x33: {  	p0 =	seq.s32 s10, $0x1;
	s10 =	sld [smem:$0x3F94];
	_ =	sdelay $0x3  }
0x34: {  	[smem:$0x3F94] =	sst s10  }
0x35: {  	s10 =	sld [smem:$0x3F93];
	_ =	sdelay $0x3  }
0x36: {  	p1 =	seq.s32 s10, $0x1;
	s10 =	sld [smem:$0x3F94];
	_ =	sdelay $0x3  }
0x37: {  	[smem:$0x3F94] =	sst s10  }
0x38: {  	s10 =	sld [smem:$0x3F95]  }
0x39: {  	_ = 	snop;
	(pc) =	sbr.ind lr, $3  }
0x3a: {  	_ = 	snop  }
0x3b: {  	_ = 	snop  }
0x3c: {  	p2 =	seq.s32 s10, $0x1;
	s10 =	sld [smem:$0x3F94]  }
0x3d: {  	_ =	shalt  }
0x3e: {  	_ =	shalt  }
0x3f: {  	_ =	shalt  }
0x40: {  	_ =	shalt  }
0x41: {  	_ =	shalt  }
0x42: {  	_ =	shalt  }
0x43: {  	_ =	shalt  }
0x44: {  	_ =	shalt  }
0x45: {  	_ =	shalt  }
0x46: {  	_ =	shalt  }
0x47: {  	_ =	shalt  }
0x48: {  	_ =	shalt  }
0x49: {  	_ =	shalt  }
0x4a: {  	_ =	shalt  }
0x4b: {  	_ =	shalt  }
0x4c: {  	_ =	shalt  }
0x4d: {  	_ =	shalt  }
0x4e: {  	_ =	shalt  }
0x4f: {  	_ =	shalt  }
0x50: {  	_ =	shalt  }
0x51: {  	_ =	shalt  }
0x52: {  	_ =	shalt  }
0x53: {  	_ =	shalt  }
0x54: {  	_ =	shalt  }
0x55: {  	_ =	shalt  }
0x56: {  	_ =	shalt  }
0x57: {  	_ =	shalt  }
0x58: {  	_ =	shalt  }
0x59: {  	_ =	shalt  }
0x5a: {  	_ =	shalt  }
0x5b: {  	_ =	shalt  }
0x5c: {  	_ =	shalt  }
0x5d: {  	_ =	shalt  }
0x5e: {  	_ =	shalt  }
0x5f: {  	_ =	shalt  }
0x60: {  	_ =	shalt  }
0x61: {  	_ =	shalt  }
0x62: {  	_ =	shalt  }
0x63: {  	_ =	shalt  }
0x64: {  	_ =	shalt  }
0x65: {  	_ =	shalt  }
0x66: {  	_ =	shalt  }
0x67: {  	_ =	shalt  }
0x68: {  	_ =	shalt  }
0x69: {  	_ =	shalt  }
0x6a: {  	_ =	shalt  }
0x6b: {  	_ =	shalt  }
0x6c: {  	_ =	shalt  }
0x6d: {  	_ =	shalt  }
0x6e: {  	_ =	shalt  }
0x6f: {  	_ =	shalt  }
0x70: {  	_ =	shalt  }
0x71: {  	_ =	shalt  }
0x72: {  	_ =	shalt  }
0x73: {  	_ =	shalt  }
0x74: {  	_ =	shalt  }
0x75: {  	_ =	shalt  }
0x76: {  	_ =	shalt  }
0x77: {  	_ =	shalt  }
0x78: {  	_ =	shalt  }
0x79: {  	_ =	shalt  }
0x7a: {  	_ =	shalt  }
0x7b: {  	_ =	shalt  }
0x7c: {  	_ =	shalt  }
0x7d: {  	_ =	shalt  }
0x7e: {  	_ =	shalt  }
0x7f: {  	_ =	shalt  }
0x80: {  	_ =	shalt  }
0x81: {  	_ =	shalt  }
0x82: {  	_ =	shalt  }
0x83: {  	_ =	shalt  }
0x84: {  	_ =	shalt  }
0x85: {  	_ =	shalt  }
0x86: {  	_ =	shalt  }
0x87: {  	_ =	shalt  }
.Lfunc_end0:
.L_simem_size_0:
called_computation_lowered:
.L_overlay_start_0:
0x88: {  	s2 =	sld [smem:$0x3FD9]  }
0x89: {  	s3 =	sld [smem:$0x3FFE];
	_ =	sdelay $0x1  }
0x8a: {  	s1 =	srdreg.scid  }
0x8b: {  	s0 =	sand.u32 $0x1, s1  }
0x8c: {  	s16 =	sshll.u32 s0, $0xA;
	s2 =	sadd.s32 s3, s2  }
0x8d: {  	s2 =	sadd.s32 s2, s16  }
0x8e: {  	[smem:$0x3FA0] =	sst s2  }
0x8f: {  	_ = 	snop  }
0x90: {  	(tm) =	ssettm $0x1  }
0x91: {  	s17 =	sld [smem:$0x3FFB];
	_ =	sdelay $0x3  }
0x92: {  	_ =	strace s17  }
0x93: {  	s2 =	sld [smem:$0x3FFC];
	_ =	sdelay $0x3  }
0x94: {  	_ =	strace s2  }
0x95: {  	s2 =	sld [smem:$0x3FFD];
	_ =	sdelay $0x3  }
0x96: {  	_ =	strace s2  }
0x97: {  	_ =	strace $0x8FFFFFFF  }
0x98: {  	s18 =	sld [smem:$0x3FDB];
	_ =	sdelay $0x1  }
0x99: {  	s19 =	simm.s32 $_scs_section_size  }
0x9a: {  	s4 =	simm.s32 $_size__tile_overlayer_lowered;
	s5 =	simm.s32 $_tile_overlayer_lowered  }
0x9b: {  	s22 =	simm.s32 $0x1BFF;
	s21 =	sshll.u32 s5, $0x1;
	s2 =	sadd.s32 s19, s18  }
0x9c: {  	s6 =	simm.s32 $0x0;
	s20 =	sshll.u32 s4, $0x1;
	s4 =	sadd.s32 s21, s2  }
0x9d: {  	[timem:s6], [sflag:s22] =	dma.local [hbm:s4], s20  }
0x9e: {  	_ =	swait.ge [sflag:s22], s20  }
0x9f: {  	s3 =	ssub.s32 $0x0, s20;
	[sflag:s22] =	ssyncset.done $0x0  }
0xa0: {  	[sflag:s22] =	ssyncadd.s32 s3;
	_ =	sdelay $0x1  }
0xa1: {  	s23 =	simm.s32 $0x1B8B  }
0xa2: {  	_ =	swait.ge [sflag:s23], $0x1  }
0xa3: {  	[sflag:s23] =	ssyncset.done $0x0  }
0xa4: {  	s25 =	simm.s32 $0x1B8E;
	s24 =	sld [smem:$0x3FFE];
	[sflag:s23] =	ssyncadd.s32 $0xFFFFFFFF  }
0xa5: {  	s26 =	simm.s32 $execute0_lowered;
	[smem:$0x3FD2] =	sst s25  }
0xa6: {  	s4 =	sshll.u32 s26, $0x1;
	_ =	strace $0x80000046;
	[dreg:$0x1] =	wrdreg $0xFFFFFFFF  }
0xa7: {  	s28 =	simm.s32 $_size_execute0_lowered;
	s2 =	sadd.s32 s2, s4;
	[dreg:$0x0] =	wrdreg $0x0  }
0xa8: {  	s4 =	sshll.u32 s28, $0x1;
	[dreg:$0x2] =	wrdreg s2  }
0xa9: {  	[dreg:$0x3] =	wrdreg s4  }
0xaa: {  	[dreg:$0x4] =	wrdreg $0xC0  }
0xab: {  	_ =	task [dreg:s6], $0x5FFFF  }
0xac: {  	[dreg:$0x1] =	wrdreg $0xFFFFFFFF  }
0xad: {  	[dreg:$0x0] =	wrdreg $0x60  }
0xae: {  	[dreg:$0x2] =	wrdreg s24  }
0xaf: {  	[dreg:$0x3] =	wrdreg $0x9  }
0xb0: {  	_ =	task.clear_ibuf [dreg:s6], $0x4FFFF;
	_ =	strace $0x90000046  }
0xb1: {  	s29 =	simm.s32 $0x9;
	_ =	strace $0x80000048  }
0xb2: {  	_ =	swait.ge [sflag:s29], $0x1  }
0xb3: {  	[sflag:s29] =	ssyncadd.s32 $0xFFFFFFFF  }
0xb4: {  	_ =	strace $0x90000048  }
0xb5: {  	_ =	sfence  }
0xb6: {  	s30 =	sld [smem:$0x0];
	_ =	sdelay $0x2  }
0xb7: {  	s31 =	sshll.u32 s1, $0xD;
	s1 =	sshrl.u32 s1, $0x2  }
0xb8: {  	s3 =	sand.u32 $0x4000, s31;
	s1 =	sadd.s32 s1, s30  }
0xb9: {  	s0 =	sor.u32 s3, s0;
	s1 =	sshll.u32 s1, $0x11  }
0xba: {  	s0 =	sor.u32 s1, s0  }
0xbb: {  	s0 =	sadd.s32 $0x8F2B, s0  }
0xbc: {  	[sflag:s0] =	ssyncadd.remote.s32 $0x1  }
0xbd: {  	_ =	sfence.sel $0xFFFF  }
0xbe: {  	[dreg:$0x0] =	wrdreg $0xFFFFFFFF;
	(pc) =	sbr.abs _section_cstart, $3  }
0xbf: {  	[dreg:$0x1] =	wrdreg $0xFFFFFFFF  }
0xc0: {  	_ =	task.clear_ibuf [dreg:s6], $0x2FFFF;
	_ =	strace $0x9FFFFFFF  }
0xc1: {  	(tm) =	ssettm $0x7FFFFFFF  }
tec
execute0_lowered:
.L_overlay_start_1:
0x0: {  	(tag) =	ssettag $0x1  }
0x1: {  	s0 =	srdreg.scid;
	s5 =	rddreg [dreg:$0x0]  }
0x2: {  	s1 =	stileid.u32;
	s6 =	simm.s32 $0x1;
	s9 =	simm.s32 $0x1  }
0x3: {  	s10 =	simm.s32 $0x3;
	s13 =	simm.s32 $0x0;
	s2 =	sshll.u32 s0, $0x6  }
0x4: {  	s12 =	simm.s32 $0x0;
	s3 =	sshll.u32 s1, $0x7;
	s2 =	sand.u32 $0x40, s2  }
0x5: {  	s0 =	rddreg [dreg:$0x1];
	_ =	strace $0x80000047;
	s2 =	sor.u32 s3, s2  }
0x6: {  	s4 =	sadd.s32 $0x3400, s5;
	[sflag:s6] =	ssyncpa.u1 $0x0;
	s8 =	ssub.s32 $0x1000, s2  }
.Ltmp0:
0x7: {  	s3 =	sadd.s32 $0x222C00, s5;
	s7 =	sand.u32 $0x7C0, s8;
	(pc) =	sbr.rel .LBB2_1-.Ltmp0, $4  }
0x8: {  	s5 =	sadd.s32 $0x1C00, s5;
	s11 =	smov.u32 s2;
	p0 =	sne.s32 s7, $0x0  }
0x9: {  	s8 =	sshrl.u32 s8, $0xB;
	s7 =	simm.s32 $0x2;
	s9 =	simm.s32 @!p0 $0x0  }
0xa: {  	[sflag:s7] =	ssyncpa.u1 $0x0;
	p0 =	por $0x0, $0x0;
	s8 =	sadd.s32 s9, s8  }
0xb: {  	vm0 =	vmmov $0xffff;
	[sflag:s10] =	ssyncpa.u1 $0x0;
	s10 =	simm.s32 $0x0;
	s9 =	sadd.s32 $0x1, s8  }
.LBB2_4:
0xc: {  	v3 =	vshrl.u32 v0, $0x2;
	v4 =	vshrl.u32 v0, $0xB;
	v1 =	vor.u32 v1, v2  }
0xd: {  	v62 =	vshll.u32 v0, $0x12;
	v60 =	vand.u32 $0x1FF, v3;
	v61 =	vand.u32 $0x1FF, v4  }
0xe: {  	v0 =	vand.u32 $0xC0000, v62;
	v2 =	vsel vm1, $0xFFFFFFFF, v60;
	v3 =	vsel vm1, $0xFFFFFFFF, v61  }
0xf: {  	v0 =	vsel vm1, $0xFFFC0000, v0;
	v63 =	vand.u32 $0x7F, v3;
	v5 =	vshll.u32 v2, $0x9  }
0x10: {  	v3 =	vshll.u32 v3, $0x3;
	v5 =	vand.u32 $0xFFFFF000, v5;
	v0 =	vor.u32 v0, v63  }
0x11: {  	v2 =	vshll.u32 v2, $0x7;
	v3 =	vand.u32 $0xFFFFFC00, v3;
	v0 =	vadd.s32 v5, v0  }
0x12: {  	v2 =	vand.u32 $0x380, v2;
	v0 =	vadd.s32 v3, v0  }
0x13: {  	v0 =	vor.u32 v2, v0;
	_ =	sdelay $0x1  }
0x14: {  	(ifvalue) =	ssetifvalue $0x7FFFFFFF;
	s14 =	sadd.s32 $0x10, s14  }
0x15: {  	[tilespmem:s14], [sflag:$0x1] =	stream.indirect_vreg.gather [hbm4b:s3+s10], $0x1, v1, vm0, $0x4038;
	[tilespmem:$0x100] =	vst v63  }
0x16: {  	(ifvalue) =	ssetifvalue $0x7FFFFFFF;
	s14 =	sadd.s32 $0x10, s14  }
0x17: {  	[tilespmem:s14], [sflag:$0x1] =	stream.indirect_vreg.gather [hbm4b:s3+s10], $0x1, v0, vm0, $0x4038;
	[tilespmem:$0x100] =	vst v63  }
0x18: {  	_ =	swait.ge [sflag:s6], $0x40  }
0x19: {  	s30 =	sshrl.u32 s13, $0x3;
	[sflag:s6] =	ssyncset.done $0x0  }
0x1a: {  	s31 =	sand.u32 $0x7, s13;
	s14 =	sadd.s32 s5, s30;
	[sflag:s6] =	ssyncadd.s32 $0xFFFFFFC0  }
0x1b: {  	[hbm4b:s14+s31] =	stream.linear.scatter [tilespmem:s15], [sflag:$0x3], $0x40, $0x38;
	[tilespmem:$0x100] =	vst v63  }
.LBB2_5:
0x1c: {  	s15 =	sadd.s32 $0x800, s11  }
0x1d: {  	p2 =	sgt.s32 s15, $0xFFF  }
0x1e: {  	s15 =	smov.u32 @p2 s2;
	p2 =	sne.s32 s12, s9  }
.Ltmp1:
0x1f: {  	p1 =	slt.u32 s12, $0x2;
	(pc) =	sbr.rel @!p2 .LBB2_6-.Ltmp1, $4  }
0x20: {  	s14 =	simm.s32 @!p1 $0x3  }
0x21: {  	s16 =	sadd.s32 $0x1, s12;
	_ =	swait.ge @!p1 [sflag:s14], $0x40  }
0x22: {  	s13 =	smov.u32 s11;
	p0 =	por !p0, !p0;
	[sflag:s14] =	ssyncset.done @!p1 $0x0  }
0x23: {  	s12 =	smov.u32 s16;
	s11 =	smov.u32 s15;
	[sflag:s14] =	ssyncadd.s32 @!p1 $0xFFFFFFC0  }
.LBB2_1:
0x24: {  	p1 =	sge.u32 s12, s8  }
0x25: {  	s14 =	sxor.u32 @!p1 $0xFFFFFFFF, s12  }
0x26: {  	s31 =	sadd.s32 $0xFFFFFFFF, s12;
	s15 =	sshrl.u32 @!p1 s11, $0x3;
	s14 =	sshll.u32 @!p1 s14, $0x6  }
0x27: {  	s16 =	sand.u32 @!p1 $0x7, s11;
	s15 =	sadd.s32 @!p1 s4, s15;
	s14 =	sand.u32 @!p1 $0x40, s14  }
0x28: {  	[tilespmem:s14], [sflag:$0x2] =	stream.linear.gather @!p1 [hbm4b:s15+s16], $0x40, $0x38;
	[tilespmem:$0x100] =	vst v63  }
0x29: {  	p1 =	sge.u32 s31, s8  }
.Ltmp2:
0x2a: {  	_ = 	snop;
	(pc) =	sbr.rel @p1 .LBB2_5-.Ltmp2, $1  }
0x2b: {  	_ =	sdelay $0x3  }
0x2c: {  	s14 =	simm.s32 $0x1  }
0x2d: {  	_ =	swait.ge [sflag:s7], $0x40;
	s14 =	simm.s32 @!p0 $0x0  }
0x2e: {  	[sflag:s7] =	ssyncset.done $0x0;
	s14 =	sshll.u32 s14, $0x6  }
0x2f: {  	[sflag:s7] =	ssyncadd.s32 $0xFFFFFFC0;
	(ifvalue) =	ssetifvalue $0x7FFFFFFF;
	v0 =	vld.msk [tilespmem:s14+$0x0 ss:$0x1], $0xffff;
	_ =	sdelay $0x4  }
0x30: {  	s15 =	sadd.s32 $0x10, s14;
	vm1 =	veq.s32 v0, $0x80000000;
	v1 =	vshrl.u32 v0, $0x2;
	v2 =	vshrl.u32 v0, $0xB  }
0x31: {  	v3 =	vld.msk [tilespmem:s15+$0x0 ss:$0x1], $0xffff;
	v0 =	vshll.u32 v0, $0x12;
	v1 =	vand.u32 $0x1FF, v1;
	v2 =	vand.u32 $0x1FF, v2  }
0x32: {  	v0 =	vand.u32 $0xC0000, v0;
	v1 =	vsel vm1, $0xFFFFFFFF, v1;
	v2 =	vsel vm1, $0xFFFFFFFF, v2  }
0x33: {  	v0 =	vsel vm1, $0xFFFC0000, v0;
	v4 =	vand.u32 $0x7F, v2;
	v5 =	vshll.u32 v1, $0x9  }
0x34: {  	v2 =	vshll.u32 v2, $0x3;
	v5 =	vand.u32 $0xFFFFF000, v5;
	v0 =	vor.u32 v0, v4  }
0x35: {  	v1 =	vshll.u32 v1, $0x7;
	v2 =	vand.u32 $0xFFFFFC00, v2;
	v0 =	vadd.s32 v5, v0  }
0x36: {  	v62 =	vshrl.u32 v3, $0xB;
	v1 =	vand.u32 $0x380, v1;
	v0 =	vadd.s32 v2, v0  }
0x37: {  	s17 =	sadd.s32 $0x10, s15;
	vm1 =	veq.s32 v3, $0x80000000;
	v2 =	vshrl.u32 v3, $0x2;
	v1 =	vor.u32 v1, v0  }
0x38: {  	v4 =	vand.u32 $0x1FF, v62;
	v3 =	vshll.u32 v3, $0x12;
	v0 =	vld.msk [tilespmem:s17+$0x0 ss:$0x1], $0xffff;
	v2 =	vand.u32 $0x1FF, v2  }
0x39: {  	v4 =	vsel vm1, $0xFFFFFFFF, v4;
	v3 =	vand.u32 $0xC0000, v3;
	v2 =	vsel vm1, $0xFFFFFFFF, v2  }
0x3a: {  	s31 =	sshll.u32 s12, $0x6;
	v63 =	vand.u32 $0x7F, v4;
	v3 =	vsel vm1, $0xFFFC0000, v3;
	v6 =	vshll.u32 v2, $0x9  }
0x3b: {  	s14 =	sor.u32 $0x80, s14;
	s15 =	sand.u32 $0x40, s31;
	v4 =	vshll.u32 v4, $0x3;
	(ifvalue) =	ssetifvalue $0x7FFFFFFF;
	v3 =	vor.u32 v3, v63;
	v6 =	vand.u32 $0xFFFFF000, v6  }
0x3c: {  	v4 =	vand.u32 $0xFFFFFC00, v4;
	[tilespmem:s14], [sflag:$0x1] =	stream.indirect_vreg.gather [hbm4b:s3+s10], $0x1, v1, vm0, $0x4038;
	v1 =	vshll.u32 v2, $0x7;
	v2 =	vadd.s32 v6, v3;
	[tilespmem:$0x100] =	vst v63  }
0x3d: {  	s16 =	simm.s32 $0x20;
	s15 =	sor.u32 $0x80, s15;
	s17 =	sadd.s32 $0x10, s17;
	vm1 =	veq.s32 v0, $0x80000000;
	v1 =	vand.u32 $0x380, v1;
	v2 =	vadd.s32 v4, v2  }
.LBB2_3:
0x3e: {  	v3 =	vld.msk [tilespmem:s17+$0x0 ss:$0x1], $0xffff;
	v4 =	vshrl.u32 v0, $0x2;
	v5 =	vshrl.u32 v0, $0xB;
	v1 =	vor.u32 v1, v2;
	s16 =	sadd.s32 $0x10, s16  }
0x3f: {  	v0 =	vshll.u32 v0, $0x12;
	v2 =	vand.u32 $0x1FF, v4;
	v4 =	vand.u32 $0x1FF, v5;
	p1 =	slt.u32 s16, $0x30  }
.Ltmp3:
0x40: {  	v0 =	vand.u32 $0xC0000, v0;
	v2 =	vsel vm1, $0xFFFFFFFF, v2;
	v4 =	vsel vm1, $0xFFFFFFFF, v4;
	(pc) =	sbr.rel @p1 .LBB2_3-.Ltmp3, $4  }
0x41: {  	v0 =	vsel vm1, $0xFFFC0000, v0;
	v5 =	vand.u32 $0x7F, v4;
	v6 =	vshll.u32 v2, $0x9  }
0x42: {  	s14 =	sadd.s32 $0x10, s14;
	v4 =	vshll.u32 v4, $0x3;
	v6 =	vand.u32 $0xFFFFF000, v6;
	v7 =	vor.u32 v0, v5;
	(ifvalue) =	ssetifvalue $0x7FFFFFFF  }
0x43: {  	v2 =	vshll.u32 v2, $0x7;
	v4 =	vand.u32 $0xFFFFFC00, v4;
	v5 =	vadd.s32 v6, v7;
	[tilespmem:s14], [sflag:$0x1] =	stream.indirect_vreg.gather [hbm4b:s3+s10], $0x1, v1, vm0, $0x4038;
	[tilespmem:$0x100] =	vst v63  }
0x44: {  	s17 =	sadd.s32 $0x10, s17;
	vm1 =	veq.s32 v3, $0x80000000;
	v1 =	vand.u32 $0x380, v2;
	v0 =	vmovc v3;
	v2 =	vadd.s32 v4, v5  }
.Ltmp4:
0x45: {  	_ = 	snop;
	(pc) =	sbr.rel .LBB2_4-.Ltmp4, $1  }
0x46: {  	_ =	sdelay $0x3  }
.LBB2_6:
0x47: {  	_ =	sfence.sel $0x180000  }
0x48: {  	s2 =	simm.s32 $0x2;
	[bflag:$0x0] =	sbarrier.arrive $0xFFFF  }
0x49: {  	s30 =	simm.s32 $0x3;
	[sflag:s2] =	ssyncpa.u1 $0x1  }
0x4a: {  	s31 =	simm.s32 $0x1;
	[sflag:s30] =	ssyncpa.u1 $0x1  }
0x4b: {  	[sflag:s31] =	ssyncpa.u1 $0x1  }
0x4c: {  	p0 =	sne.s32 s1, $0x0;
	_ =	strace $0x90000047  }
0x4d: {  	s0 =	sadd.s32 @!p0 $0x100000, s0;
	[bflag:$0x2] =	sbarrier.arrive $0xFFFF  }
0x4e: {  	[sflag:s0] =	ssyncadd.tile.s32 @!p0 $0x1;
	_ =	shalt  }
.Lfunc_end2:
_tile_overlayer_lowered:
.L_overlay_start_2:
0x4f: {  	(tag) =	ssettag $0x2  }
0x50: {  	s0 =	rddreg [dreg:$0x0];
	s2 =	stileid.u32  }
0x51: {  	s1 =	rddreg [dreg:$0x1];
	p0 =	sne.s32 s2, $0x0  }
0x52: {  	s3 =	rddreg [dreg:$0x2];
	[bflag:$0x3] =	sbarrier.arrive $0xFFFF;
	s2 =	simm.s32 @!p0 $0x1C01  }
0x53: {  	[timem:s3], [sflag:s2] =	dma.local @!p0 [hbm:s0], s1  }
0x54: {  	s0 =	simm.s32 @!p0 $0x1  }
0x55: {  	_ =	swait.ge @!p0 [sflag:s0], s1  }
0x56: {  	s1 =	ssub.s32 @!p0 $0x0, s1;
	[sflag:s0] =	ssyncset.done @!p0 $0x0  }
0x57: {  	[sflag:s0] =	ssyncadd.s32 @!p0 s1  }
0x58: {  	[bflag:$0x3] =	sbarrier.arrive $0xFFFF  }
0x59: {  	_ =	shalt  }

</sc_bundles>
